<compile_context>
chip_gen: v7x
topology: tpu7x:2x2x1
jax: 0.10.2.dev20260603
libtpu: 0.0.44.dev20260713+nightly
codegen_flags: <defaults>
</compile_context>

<pallas_src>
import functools

import jax
import jax.numpy as jnp
from jax import lax
from jax.experimental import pallas as pl
from jax.experimental.pallas import tpu as pltpu
from jax.experimental.pallas import tpu_sc as plsc

K = 16
TW = 128
RB = 256
BN = 256
CHUNK = 128
NBUF = 4


SEG = 256
DPT = 3


def _topk_cols(vals, idxs, n_total):
    cols = []
    last = None
    for _ in range(K):
        m = jnp.min(vals, axis=1, keepdims=True)
        hit = vals <= m
        cols.append(jnp.min(jnp.where(hit, idxs, n_total), axis=1,
                            keepdims=True))
        vals = jnp.where(hit, jnp.inf, vals)
        last = m
    return jnp.concatenate(cols, axis=1), last


def _dists(pos_ref, post_ref):
    n_total = post_ref.shape[2]
    pc = pos_ref[0]
    pt = post_ref[0]
    acc = jnp.zeros((pc.shape[0], n_total), jnp.float32)
    for d in range(3):
        diff = pc[:, d:d + 1] - pt[d:d + 1, :]
        acc = acc + diff * diff
    return acc


def _knn_body(pos_ref, post_ref, x_ref, pw1_ref, out_ref, tbl_ref):
    b = pl.program_id(0)
    n_total = post_ref.shape[2]
    tbl_ref[0] = jnp.concatenate(
        [x_ref[0], _dot(pos_ref[0], pw1_ref[...])], axis=1)
    acc = _dists(pos_ref, post_ref)
    iota = lax.broadcasted_iota(jnp.int32, acc.shape, 1)
    rows = acc.shape[0]
    a3 = acc.reshape(rows, n_total // SEG, SEG)
    i3 = iota.reshape(rows, n_total // SEG, SEG)
    cvals, cidxs = [], []
    cur = a3
    for _ in range(DPT):
        m = jnp.min(cur, axis=1)
        hit = cur <= m[:, None, :]
        mi = jnp.min(jnp.where(hit, i3, n_total), axis=1)
        cvals.append(m)
        cidxs.append(mi)
        cur = jnp.where(i3 == mi[:, None, :], jnp.inf, cur)
    m_next = jnp.min(cur, axis=1)
    cand = jnp.concatenate(cvals, axis=1)
    cidx = jnp.concatenate(cidxs, axis=1)
    cols, last = _topk_cols(cand, cidx, n_total)
    out_ref[0] = cols + b * n_total
    bad = jnp.max(jnp.where(m_next <= last, 1, 0))

    @pl.when(bad > 0)
    def _():
        acc2 = _dists(pos_ref, post_ref)
        cols2, _ = _topk_cols(acc2,
                              lax.broadcasted_iota(jnp.int32, acc2.shape, 1),
                              n_total)
        out_ref[0] = cols2 + b * n_total


def _knn(pos, post, x, pw1):
    b, n, dim = x.shape
    return pl.pallas_call(
        _knn_body,
        grid=(b, n // RB),
        in_specs=[
            pl.BlockSpec((1, RB, 3), lambda bi, i: (bi, i, 0)),
            pl.BlockSpec((1, 3, n), lambda bi, i: (bi, 0, 0)),
            pl.BlockSpec((1, RB, dim), lambda bi, i: (bi, i, 0)),
            pl.BlockSpec((3, dim), lambda bi, i: (0, 0)),
        ],
        out_specs=(
            pl.BlockSpec((1, RB, K), lambda bi, i: (bi, i, 0)),
            pl.BlockSpec((1, RB, TW), lambda bi, i: (bi, i, 0)),
        ),
        out_shape=(
            jax.ShapeDtypeStruct((b, n, K), jnp.int32),
            jax.ShapeDtypeStruct((b, n, TW), jnp.float32),
        ),
    )(pos, post, x, pw1)


def _sc_gather(tbl2, idx3, tot):
    info = plsc.get_sparse_core_info()
    nc, ns = info.num_cores, info.num_subcores
    nw = nc * ns
    cpw = idx3.shape[1]
    mesh = plsc.VectorSubcoreMesh(core_axis_name="c", subcore_axis_name="s")

    @functools.partial(
        pl.kernel,
        mesh=mesh,
        out_type=jax.ShapeDtypeStruct((tot, TW), jnp.float32),
        scratch_types=(
            [pltpu.VMEM((cpw, CHUNK), jnp.int32)]
            + [pltpu.VMEM((CHUNK, TW), jnp.float32) for _ in range(NBUF)]
            + [pltpu.SemaphoreType.DMA, pltpu.SemaphoreType.DMA]
        ),
    )
    def k(tbl_hbm, idx_hbm, out_hbm, idx_v, *rest):
        bufs = rest[:NBUF]
        gsem, ssem = rest[NBUF], rest[NBUF + 1]
        wid = lax.axis_index("s") * nc + lax.axis_index("c")
        pltpu.sync_copy(idx_hbm.at[wid], idx_v)
        for r in range(cpw // NBUF):
            gets = []
            for j in range(NBUF):
                c = r * NBUF + j
                gets.append(
                    pltpu.async_copy(tbl_hbm.at[idx_v.at[c]], bufs[j], gsem))
            for g in gets:
                g.wait()
            puts = []
            for j in range(NBUF):
                c = r * NBUF + j
                base = (wid * cpw + c) * CHUNK
                puts.append(
                    pltpu.async_copy(bufs[j], out_hbm.at[pl.ds(base, CHUNK)],
                                     ssem))
            for p in puts:
                p.wait()

    return k(tbl2, idx3)


def _dot(a, b):
    return jnp.dot(a, b, precision=lax.Precision.DEFAULT,
                   preferred_element_type=jnp.float32)


def _attn_body(tbl_ref, g_ref, wq_ref, wkv_ref, pb1_ref, pw2_ref,
               pb2_ref, aw1_ref, ab1_ref, aw2_ref, ab2_ref, fw_ref, fb_ref,
               out_ref):
    tbl = tbl_ref[0]
    g = g_ref[0]
    xc = tbl[:, 0:64]
    pic = tbl[:, 64:128]
    xg = g[:, 0:64]
    pjg = g[:, 64:128]

    q = _dot(xc, wq_ref[...])
    kv = _dot(xg, wkv_ref[...])
    pre = pic[:, None, :] - pjg.reshape(BN, K, 64) + pb1_ref[...]
    pe = _dot(jax.nn.relu(pre.reshape(BN * K, 64)),
              pw2_ref[...]) + pb2_ref[...]
    h = (q[:, None, :] - kv[:, 0:64].reshape(BN, K, 64)
         + pe.reshape(BN, K, 64))
    a = _dot(jax.nn.relu(_dot(h.reshape(BN * K, 64), aw1_ref[...])
                         + ab1_ref[...]), aw2_ref[...]) + ab2_ref[...]
    s = a.reshape(BN, K, 64) * 0.125
    s = s - jnp.max(s, axis=1, keepdims=True)
    e = jnp.exp(s)
    w = e / jnp.sum(e, axis=1, keepdims=True)
    vpe = kv[:, 64:128].reshape(BN, K, 64) + pe.reshape(BN, K, 64)
    agg = jnp.sum(w * vpe, axis=1)
    out_ref[0] = _dot(agg, fw_ref[...]) + fb_ref[...] + xc


def _attn(tbl, g, wq, wkv, pb1, pw2, pb2, aw1, ab1, aw2, ab2, fw, fb):
    b, n, _ = tbl.shape
    full = lambda s: pl.BlockSpec(s, lambda bi, i: tuple(0 for _ in s))
    return pl.pallas_call(
        _attn_body,
        grid=(b, n // BN),
        in_specs=[
            pl.BlockSpec((1, BN, TW), lambda bi, i: (bi, i, 0)),
            pl.BlockSpec((1, BN * K, TW), lambda bi, i: (bi, i, 0)),
            full((64, 64)), full((64, 128)), full((1, 64)),
            full((64, 64)), full((1, 64)), full((64, 64)), full((1, 64)),
            full((64, 64)), full((1, 64)), full((64, 64)), full((1, 64)),
        ],
        out_specs=pl.BlockSpec((1, BN, 64), lambda bi, i: (bi, i, 0)),
        out_shape=jax.ShapeDtypeStruct((b, n, 64), jnp.float32),
    )(tbl, g, wq, wkv, pb1, pw2, pb2, aw1, ab1, aw2, ab2, fw, fb)


def kernel(x, pos, wq, wk, wv, pw1, pb1, pw2, pb2, aw1, ab1, aw2, ab2, fw, fb):
    b, n, dim = x.shape
    tot = b * n * K

    post = jnp.transpose(pos, (0, 2, 1))
    wkv = jnp.concatenate([wk, wv], axis=1)
    r1 = lambda v: v.reshape(1, -1)

    knn, tbl = _knn(pos, post, x, pw1)
    info = plsc.get_sparse_core_info()
    nw = info.num_cores * info.num_subcores
    tbl2 = tbl.reshape(b * n, TW)
    outs = []
    for bi in range(b):
        idx3 = knn[bi].reshape(nw, n * K // (nw * CHUNK), CHUNK)
        g = _sc_gather(tbl2, idx3, n * K)
        outs.append(_attn(tbl[bi:bi + 1], g.reshape(1, n * K, TW), wq, wkv,
                          r1(pb1), pw2, r1(pb2), aw1, r1(ab1), aw2, r1(ab2),
                          fw, r1(fb)))
    return jnp.concatenate(outs, axis=0)

# --- scband reference (transcript-rebuilt; emitter-appended) ---
"""Pipeline reference for scband-point-transformer-block-34488587387649 (READ-ONLY COPY).

The authoritative reference and input builder live on the scoring server;
editing this copy changes nothing except your own understanding.
"""

import jax, jax.numpy as jnp
import numpy as np

B, N, DIM, K = 2, 4096, 64, 16

def setup_inputs(seed: int = 0) -> dict:
    key = jax.random.key(seed)
    ks = jax.random.split(key, 16)
    x = jax.random.normal(ks[0], (B, N, DIM), jnp.float32)
    pos = jax.random.uniform(ks[1], (B, N, 3), jnp.float32)
    s = 1.0 / np.sqrt(DIM)
    s3 = 1.0 / np.sqrt(3.0)
    wq = jax.random.normal(ks[2], (DIM, DIM), jnp.float32) * s
    wk = jax.random.normal(ks[3], (DIM, DIM), jnp.float32) * s
    wv = jax.random.normal(ks[4], (DIM, DIM), jnp.float32) * s
    pw1 = jax.random.normal(ks[5], (3, DIM), jnp.float32) * s3
    pb1 = jnp.zeros((DIM,), jnp.float32)
    pw2 = jax.random.normal(ks[6], (DIM, DIM), jnp.float32) * s
    pb2 = jnp.zeros((DIM,), jnp.float32)
    aw1 = jax.random.normal(ks[7], (DIM, DIM), jnp.float32) * s
    ab1 = jnp.zeros((DIM,), jnp.float32)
    aw2 = jax.random.normal(ks[8], (DIM, DIM), jnp.float32) * s
    ab2 = jnp.zeros((DIM,), jnp.float32)
    fw = jax.random.normal(ks[9], (DIM, DIM), jnp.float32) * s
    fb = jnp.zeros((DIM,), jnp.float32)
    return {"x": x, "pos": pos, "wq": wq, "wk": wk, "wv": wv,
            "pw1": pw1, "pb1": pb1, "pw2": pw2, "pb2": pb2,
            "aw1": aw1, "ab1": ab1, "aw2": aw2, "ab2": ab2,
            "fw": fw, "fb": fb}

def reference(x, pos, wq, wk, wv, pw1, pb1, pw2, pb2, aw1, ab1, aw2, ab2, fw, fb):
    dim = x.shape[-1]
    # pairwise squared distances and kNN indices
    dist = jnp.sum((pos[:, :, None, :] - pos[:, None, :, :]) ** 2, axis=-1)
    knn_idx = jnp.argsort(dist, axis=-1)[:, :, :K]
    gather = jax.vmap(lambda p, i: p[i])  # per-batch gather: [N,d],[N,K] -> [N,K,d]
    knn_xyz = gather(pos, knn_idx)
    q = x @ wq
    k = gather(x @ wk, knn_idx)
    v = gather(x @ wv, knn_idx)
    rel = pos[:, :, None, :] - knn_xyz
    pos_enc = jax.nn.relu(rel @ pw1 + pb1) @ pw2 + pb2
    h = q[:, :, None, :] - k + pos_enc
    attn = jax.nn.relu(h @ aw1 + ab1) @ aw2 + ab2
    attn = jax.nn.softmax(attn / np.sqrt(dim), axis=-2)
    agg = jnp.sum(attn * (v + pos_enc), axis=2)
    out = agg @ fw + fb + x
    return out

if __name__ == "__main__":
    import jax
    _d = setup_inputs()
    print(jax.jit(kernel)(*tuple(_d.values())))

</pallas_src>

<mosaic_0001>
#map = affine_map<(d0, d1) -> (0, 0)>
#map1 = affine_map<(d0, d1) -> (0, 0, 0)>
module attributes {stable_mosaic.version = 14 : i64} {
  func.func @k(%arg0: i32, %arg1: i32, %arg2: memref<8192x128xf32, #tpu.memory_space<hbm>>, %arg3: memref<32x16x128xi32, #tpu.memory_space<hbm>>, %arg4: memref<65536x128xf32, #tpu.memory_space<hbm>>, %arg5: memref<16x128xi32, #tpu.memory_space<vmem>>, %arg6: memref<128x128xf32, #tpu.memory_space<vmem>>, %arg7: memref<128x128xf32, #tpu.memory_space<vmem>>, %arg8: memref<128x128xf32, #tpu.memory_space<vmem>>, %arg9: memref<128x128xf32, #tpu.memory_space<vmem>>, %arg10: memref<!tpu.dma_semaphore, #tpu.memory_space<semaphore_mem>>, %arg11: memref<!tpu.dma_semaphore, #tpu.memory_space<semaphore_mem>>) attributes {dimension_semantics = [#tpu.dimension_semantics<core_parallel>, #tpu.dimension_semantics<subcore_parallel>], iteration_bounds = array<i64: 2, 16>, scalar_prefetch = 0 : i64, scratch_operands = 7 : i64, tpu.core_type = #tpu.core_type<sc_vector_subcore>, window_params = [{transform_indices = #map}, {transform_indices = #map1}, {transform_indices = #map}]} {
    %mul3A = arith.constant 2 : i32
    %mul3A_0 = arith.muli %arg1, %mul3A : i32
    %add3A = arith.addi %mul3A_0, %arg0 : i32
    "tpu.region"() ({
      %run_scoped3A = tpu.sem_alloc : memref<!tpu.dma_semaphore, #tpu.memory_space<semaphore_mem>>
      %dma_start3A_447 = arith.constant 0 : i32
      %dma_start3A_448 = arith.constant 0 : i32
      %dma_start3A_449 = tpu.memref_slice %arg3[%add3A, %dma_start3A_447, %dma_start3A_448] : memref<32x16x128xi32, #tpu.memory_space<hbm>> -> memref<1x16x128xi32, #tpu.memory_space<hbm>>
      %dma_start3A_450 = tpu.memref_squeeze %dma_start3A_449 : memref<1x16x128xi32, #tpu.memory_space<hbm>> -> memref<16x128xi32, #tpu.memory_space<hbm>>
      %dma_start3A_451 = arith.constant 0 : i32
      %dma_start3A_452 = arith.constant 0 : i32
      %dma_start3A_453 = tpu.memref_slice %arg3[%add3A, %dma_start3A_451, %dma_start3A_452] : memref<32x16x128xi32, #tpu.memory_space<hbm>> -> memref<1x16x128xi32, #tpu.memory_space<hbm>>
      %dma_start3A_454 = tpu.memref_squeeze %dma_start3A_453 : memref<1x16x128xi32, #tpu.memory_space<hbm>> -> memref<16x128xi32, #tpu.memory_space<hbm>>
      tpu.enqueue_dma source(%dma_start3A_454 : memref<16x128xi32, #tpu.memory_space<hbm>>) target(%arg5 : memref<16x128xi32, #tpu.memory_space<vmem>>) target_semaphore(%run_scoped3A : memref<!tpu.dma_semaphore, #tpu.memory_space<semaphore_mem>>)
      %dma_wait3A_455 = arith.constant 0 : i32
      %dma_wait3A_456 = arith.constant 0 : i32
      %dma_wait3A_457 = tpu.memref_slice %arg3[%add3A, %dma_wait3A_455, %dma_wait3A_456] : memref<32x16x128xi32, #tpu.memory_space<hbm>> -> memref<1x16x128xi32, #tpu.memory_space<hbm>>
      %dma_wait3A_458 = tpu.memref_squeeze %dma_wait3A_457 : memref<1x16x128xi32, #tpu.memory_space<hbm>> -> memref<16x128xi32, #tpu.memory_space<hbm>>
      %dma_wait3A_459 = arith.constant 0 : i32
      %dma_wait3A_460 = arith.constant 0 : i32
      %dma_wait3A_461 = tpu.memref_slice %arg3[%add3A, %dma_wait3A_459, %dma_wait3A_460] : memref<32x16x128xi32, #tpu.memory_space<hbm>> -> memref<1x16x128xi32, #tpu.memory_space<hbm>>
      %dma_wait3A_462 = tpu.memref_squeeze %dma_wait3A_461 : memref<1x16x128xi32, #tpu.memory_space<hbm>> -> memref<16x128xi32, #tpu.memory_space<hbm>>
      tpu.wait_dma2 semaphore(%run_scoped3A : memref<!tpu.dma_semaphore, #tpu.memory_space<semaphore_mem>>) src(%dma_wait3A_462 : memref<16x128xi32, #tpu.memory_space<hbm>>) dst(%arg5 : memref<16x128xi32, #tpu.memory_space<vmem>>)
      tpu.yield
    }) : () -> ()
    %dma_start3A = arith.constant 0 : i32
    %dma_start3A_1 = arith.constant 0 : i32
    %dma_start3A_2 = tpu.memref_slice %arg5[%dma_start3A, %dma_start3A_1] : memref<16x128xi32, #tpu.memory_space<vmem>> -> memref<1x128xi32, #tpu.memory_space<vmem>>
    %dma_start3A_3 = tpu.memref_squeeze %dma_start3A_2 : memref<1x128xi32, #tpu.memory_space<vmem>> -> memref<128xi32, #tpu.memory_space<vmem>>
    %dma_start3A_4 = arith.constant 0 : i32
    %dma_start3A_5 = arith.constant 0 : i32
    %dma_start3A_6 = tpu.memref_slice %arg2[%dma_start3A_4, %dma_start3A_5] : memref<8192x128xf32, #tpu.memory_space<hbm>> -> memref<8192x128xf32, #tpu.memory_space<hbm>>
    tpu.enqueue_indirect_dma source(%dma_start3A_6 : memref<8192x128xf32, #tpu.memory_space<hbm>>) target(%arg6 : memref<128x128xf32, #tpu.memory_space<vmem>>) offsets(%dma_start3A_3 : memref<128xi32, #tpu.memory_space<vmem>>) semaphore(%arg10 : memref<!tpu.dma_semaphore, #tpu.memory_space<semaphore_mem>>)
    %dma_start3A_7 = arith.constant 1 : i32
    %dma_start3A_8 = arith.constant 0 : i32
    %dma_start3A_9 = tpu.memref_slice %arg5[%dma_start3A_7, %dma_start3A_8] : memref<16x128xi32, #tpu.memory_space<vmem>> -> memref<1x128xi32, #tpu.memory_space<vmem>>
    %dma_start3A_10 = tpu.memref_squeeze %dma_start3A_9 : memref<1x128xi32, #tpu.memory_space<vmem>> -> memref<128xi32, #tpu.memory_space<vmem>>
    %dma_start3A_11 = arith.constant 0 : i32
    %dma_start3A_12 = arith.constant 0 : i32
    %dma_start3A_13 = tpu.memref_slice %arg2[%dma_start3A_11, %dma_start3A_12] : memref<8192x128xf32, #tpu.memory_space<hbm>> -> memref<8192x128xf32, #tpu.memory_space<hbm>>
    tpu.enqueue_indirect_dma source(%dma_start3A_13 : memref<8192x128xf32, #tpu.memory_space<hbm>>) target(%arg7 : memref<128x128xf32, #tpu.memory_space<vmem>>) offsets(%dma_start3A_10 : memref<128xi32, #tpu.memory_space<vmem>>) semaphore(%arg10 : memref<!tpu.dma_semaphore, #tpu.memory_space<semaphore_mem>>)
    %dma_start3A_14 = arith.constant 2 : i32
    %dma_start3A_15 = arith.constant 0 : i32
    %dma_start3A_16 = tpu.memref_slice %arg5[%dma_start3A_14, %dma_start3A_15] : memref<16x128xi32, #tpu.memory_space<vmem>> -> memref<1x128xi32, #tpu.memory_space<vmem>>
    %dma_start3A_17 = tpu.memref_squeeze %dma_start3A_16 : memref<1x128xi32, #tpu.memory_space<vmem>> -> memref<128xi32, #tpu.memory_space<vmem>>
    %dma_start3A_18 = arith.constant 0 : i32
    %dma_start3A_19 = arith.constant 0 : i32
    %dma_start3A_20 = tpu.memref_slice %arg2[%dma_start3A_18, %dma_start3A_19] : memref<8192x128xf32, #tpu.memory_space<hbm>> -> memref<8192x128xf32, #tpu.memory_space<hbm>>
    tpu.enqueue_indirect_dma source(%dma_start3A_20 : memref<8192x128xf32, #tpu.memory_space<hbm>>) target(%arg8 : memref<128x128xf32, #tpu.memory_space<vmem>>) offsets(%dma_start3A_17 : memref<128xi32, #tpu.memory_space<vmem>>) semaphore(%arg10 : memref<!tpu.dma_semaphore, #tpu.memory_space<semaphore_mem>>)
    %dma_start3A_21 = arith.constant 3 : i32
    %dma_start3A_22 = arith.constant 0 : i32
    %dma_start3A_23 = tpu.memref_slice %arg5[%dma_start3A_21, %dma_start3A_22] : memref<16x128xi32, #tpu.memory_space<vmem>> -> memref<1x128xi32, #tpu.memory_space<vmem>>
    %dma_start3A_24 = tpu.memref_squeeze %dma_start3A_23 : memref<1x128xi32, #tpu.memory_space<vmem>> -> memref<128xi32, #tpu.memory_space<vmem>>
    %dma_start3A_25 = arith.constant 0 : i32
    %dma_start3A_26 = arith.constant 0 : i32
    %dma_start3A_27 = tpu.memref_slice %arg2[%dma_start3A_25, %dma_start3A_26] : memref<8192x128xf32, #tpu.memory_space<hbm>> -> memref<8192x128xf32, #tpu.memory_space<hbm>>
    tpu.enqueue_indirect_dma source(%dma_start3A_27 : memref<8192x128xf32, #tpu.memory_space<hbm>>) target(%arg9 : memref<128x128xf32, #tpu.memory_space<vmem>>) offsets(%dma_start3A_24 : memref<128xi32, #tpu.memory_space<vmem>>) semaphore(%arg10 : memref<!tpu.dma_semaphore, #tpu.memory_space<semaphore_mem>>)
    %dma_wait3A = arith.constant 0 : i32
    %dma_wait3A_28 = arith.constant 0 : i32
    %dma_wait3A_29 = tpu.memref_slice %arg5[%dma_wait3A, %dma_wait3A_28] : memref<16x128xi32, #tpu.memory_space<vmem>> -> memref<1x128xi32, #tpu.memory_space<vmem>>
    %dma_wait3A_30 = tpu.memref_squeeze %dma_wait3A_29 : memref<1x128xi32, #tpu.memory_space<vmem>> -> memref<128xi32, #tpu.memory_space<vmem>>
    %dma_wait3A_31 = arith.constant 0 : i32
    %dma_wait3A_32 = arith.constant 0 : i32
    %dma_wait3A_33 = tpu.memref_slice %arg2[%dma_wait3A_31, %dma_wait3A_32] : memref<8192x128xf32, #tpu.memory_space<hbm>> -> memref<8192x128xf32, #tpu.memory_space<hbm>>
    tpu.wait_indirect_dma semaphore(%arg10 : memref<!tpu.dma_semaphore, #tpu.memory_space<semaphore_mem>>) src(%dma_wait3A_33 : memref<8192x128xf32, #tpu.memory_space<hbm>>) dst(%arg6 : memref<128x128xf32, #tpu.memory_space<vmem>>)
    %dma_wait3A_34 = arith.constant 1 : i32
    %dma_wait3A_35 = arith.constant 0 : i32
    %dma_wait3A_36 = tpu.memref_slice %arg5[%dma_wait3A_34, %dma_wait3A_35] : memref<16x128xi32, #tpu.memory_space<vmem>> -> memref<1x128xi32, #tpu.memory_space<vmem>>
    %dma_wait3A_37 = tpu.memref_squeeze %dma_wait3A_36 : memref<1x128xi32, #tpu.memory_space<vmem>> -> memref<128xi32, #tpu.memory_space<vmem>>
    %dma_wait3A_38 = arith.constant 0 : i32
    %dma_wait3A_39 = arith.constant 0 : i32
    %dma_wait3A_40 = tpu.memref_slice %arg2[%dma_wait3A_38, %dma_wait3A_39] : memref<8192x128xf32, #tpu.memory_space<hbm>> -> memref<8192x128xf32, #tpu.memory_space<hbm>>
    tpu.wait_indirect_dma semaphore(%arg10 : memref<!tpu.dma_semaphore, #tpu.memory_space<semaphore_mem>>) src(%dma_wait3A_40 : memref<8192x128xf32, #tpu.memory_space<hbm>>) dst(%arg7 : memref<128x128xf32, #tpu.memory_space<vmem>>)
    %dma_wait3A_41 = arith.constant 2 : i32
    %dma_wait3A_42 = arith.constant 0 : i32
    %dma_wait3A_43 = tpu.memref_slice %arg5[%dma_wait3A_41, %dma_wait3A_42] : memref<16x128xi32, #tpu.memory_space<vmem>> -> memref<1x128xi32, #tpu.memory_space<vmem>>
    %dma_wait3A_44 = tpu.memref_squeeze %dma_wait3A_43 : memref<1x128xi32, #tpu.memory_space<vmem>> -> memref<128xi32, #tpu.memory_space<vmem>>
    %dma_wait3A_45 = arith.constant 0 : i32
    %dma_wait3A_46 = arith.constant 0 : i32
    %dma_wait3A_47 = tpu.memref_slice %arg2[%dma_wait3A_45, %dma_wait3A_46] : memref<8192x128xf32, #tpu.memory_space<hbm>> -> memref<8192x128xf32, #tpu.memory_space<hbm>>
    tpu.wait_indirect_dma semaphore(%arg10 : memref<!tpu.dma_semaphore, #tpu.memory_space<semaphore_mem>>) src(%dma_wait3A_47 : memref<8192x128xf32, #tpu.memory_space<hbm>>) dst(%arg8 : memref<128x128xf32, #tpu.memory_space<vmem>>)
    %dma_wait3A_48 = arith.constant 3 : i32
    %dma_wait3A_49 = arith.constant 0 : i32
    %dma_wait3A_50 = tpu.memref_slice %arg5[%dma_wait3A_48, %dma_wait3A_49] : memref<16x128xi32, #tpu.memory_space<vmem>> -> memref<1x128xi32, #tpu.memory_space<vmem>>
    %dma_wait3A_51 = tpu.memref_squeeze %dma_wait3A_50 : memref<1x128xi32, #tpu.memory_space<vmem>> -> memref<128xi32, #tpu.memory_space<vmem>>
    %dma_wait3A_52 = arith.constant 0 : i32
    %dma_wait3A_53 = arith.constant 0 : i32
    %dma_wait3A_54 = tpu.memref_slice %arg2[%dma_wait3A_52, %dma_wait3A_53] : memref<8192x128xf32, #tpu.memory_space<hbm>> -> memref<8192x128xf32, #tpu.memory_space<hbm>>
    tpu.wait_indirect_dma semaphore(%arg10 : memref<!tpu.dma_semaphore, #tpu.memory_space<semaphore_mem>>) src(%dma_wait3A_54 : memref<8192x128xf32, #tpu.memory_space<hbm>>) dst(%arg9 : memref<128x128xf32, #tpu.memory_space<vmem>>)
    %mul3A_55 = arith.constant 16 : i32
    %mul3A_56 = arith.muli %add3A, %mul3A_55 : i32
    %add3A_57 = arith.constant 0 : i32
    %add3A_58 = arith.addi %mul3A_56, %add3A_57 : i32
    %mul3A_59 = arith.constant 128 : i32
    %mul3A_60 = arith.muli %add3A_58, %mul3A_59 : i32
    %dma_start3A_61 = arith.constant 0 : i32
    %dma_start3A_62 = tpu.memref_slice %arg4[%mul3A_60, %dma_start3A_61] : memref<65536x128xf32, #tpu.memory_space<hbm>> -> memref<128x128xf32, #tpu.memory_space<hbm>>
    %dma_start3A_63 = arith.constant 0 : i32
    %dma_start3A_64 = tpu.memref_slice %arg4[%mul3A_60, %dma_start3A_63] : memref<65536x128xf32, #tpu.memory_space<hbm>> -> memref<128x128xf32, #tpu.memory_space<hbm>>
    tpu.enqueue_dma source(%arg6 : memref<128x128xf32, #tpu.memory_space<vmem>>) target(%dma_start3A_64 : memref<128x128xf32, #tpu.memory_space<hbm>>) target_semaphore(%arg11 : memref<!tpu.dma_semaphore, #tpu.memory_space<semaphore_mem>>)
    %mul3A_65 = arith.constant 16 : i32
    %mul3A_66 = arith.muli %add3A, %mul3A_65 : i32
    %add3A_67 = arith.constant 1 : i32
    %add3A_68 = arith.addi %mul3A_66, %add3A_67 : i32
    %mul3A_69 = arith.constant 128 : i32
    %mul3A_70 = arith.muli %add3A_68, %mul3A_69 : i32
    %dma_start3A_71 = arith.constant 0 : i32
    %dma_start3A_72 = tpu.memref_slice %arg4[%mul3A_70, %dma_start3A_71] : memref<65536x128xf32, #tpu.memory_space<hbm>> -> memref<128x128xf32, #tpu.memory_space<hbm>>
    %dma_start3A_73 = arith.constant 0 : i32
    %dma_start3A_74 = tpu.memref_slice %arg4[%mul3A_70, %dma_start3A_73] : memref<65536x128xf32, #tpu.memory_space<hbm>> -> memref<128x128xf32, #tpu.memory_space<hbm>>
    tpu.enqueue_dma source(%arg7 : memref<128x128xf32, #tpu.memory_space<vmem>>) target(%dma_start3A_74 : memref<128x128xf32, #tpu.memory_space<hbm>>) target_semaphore(%arg11 : memref<!tpu.dma_semaphore, #tpu.memory_space<semaphore_mem>>)
    %mul3A_75 = arith.constant 16 : i32
    %mul3A_76 = arith.muli %add3A, %mul3A_75 : i32
    %add3A_77 = arith.constant 2 : i32
    %add3A_78 = arith.addi %mul3A_76, %add3A_77 : i32
    %mul3A_79 = arith.constant 128 : i32
    %mul3A_80 = arith.muli %add3A_78, %mul3A_79 : i32
    %dma_start3A_81 = arith.constant 0 : i32
    %dma_start3A_82 = tpu.memref_slice %arg4[%mul3A_80, %dma_start3A_81] : memref<65536x128xf32, #tpu.memory_space<hbm>> -> memref<128x128xf32, #tpu.memory_space<hbm>>
    %dma_start3A_83 = arith.constant 0 : i32
    %dma_start3A_84 = tpu.memref_slice %arg4[%mul3A_80, %dma_start3A_83] : memref<65536x128xf32, #tpu.memory_space<hbm>> -> memref<128x128xf32, #tpu.memory_space<hbm>>
    tpu.enqueue_dma source(%arg8 : memref<128x128xf32, #tpu.memory_space<vmem>>) target(%dma_start3A_84 : memref<128x128xf32, #tpu.memory_space<hbm>>) target_semaphore(%arg11 : memref<!tpu.dma_semaphore, #tpu.memory_space<semaphore_mem>>)
    %mul3A_85 = arith.constant 16 : i32
    %mul3A_86 = arith.muli %add3A, %mul3A_85 : i32
    %add3A_87 = arith.constant 3 : i32
    %add3A_88 = arith.addi %mul3A_86, %add3A_87 : i32
    %mul3A_89 = arith.constant 128 : i32
    %mul3A_90 = arith.muli %add3A_88, %mul3A_89 : i32
    %dma_start3A_91 = arith.constant 0 : i32
    %dma_start3A_92 = tpu.memref_slice %arg4[%mul3A_90, %dma_start3A_91] : memref<65536x128xf32, #tpu.memory_space<hbm>> -> memref<128x128xf32, #tpu.memory_space<hbm>>
    %dma_start3A_93 = arith.constant 0 : i32
    %dma_start3A_94 = tpu.memref_slice %arg4[%mul3A_90, %dma_start3A_93] : memref<65536x128xf32, #tpu.memory_space<hbm>> -> memref<128x128xf32, #tpu.memory_space<hbm>>
    tpu.enqueue_dma source(%arg9 : memref<128x128xf32, #tpu.memory_space<vmem>>) target(%dma_start3A_94 : memref<128x128xf32, #tpu.memory_space<hbm>>) target_semaphore(%arg11 : memref<!tpu.dma_semaphore, #tpu.memory_space<semaphore_mem>>)
    %dma_wait3A_95 = arith.constant 0 : i32
    %dma_wait3A_96 = tpu.memref_slice %arg4[%mul3A_60, %dma_wait3A_95] : memref<65536x128xf32, #tpu.memory_space<hbm>> -> memref<128x128xf32, #tpu.memory_space<hbm>>
    %dma_wait3A_97 = arith.constant 0 : i32
    %dma_wait3A_98 = tpu.memref_slice %arg4[%mul3A_60, %dma_wait3A_97] : memref<65536x128xf32, #tpu.memory_space<hbm>> -> memref<128x128xf32, #tpu.memory_space<hbm>>
    tpu.wait_dma2 semaphore(%arg11 : memref<!tpu.dma_semaphore, #tpu.memory_space<semaphore_mem>>) src(%arg6 : memref<128x128xf32, #tpu.memory_space<vmem>>) dst(%dma_wait3A_98 : memref<128x128xf32, #tpu.memory_space<hbm>>)
    %dma_wait3A_99 = arith.constant 0 : i32
    %dma_wait3A_100 = tpu.memref_slice %arg4[%mul3A_70, %dma_wait3A_99] : memref<65536x128xf32, #tpu.memory_space<hbm>> -> memref<128x128xf32, #tpu.memory_space<hbm>>
    %dma_wait3A_101 = arith.constant 0 : i32
    %dma_wait3A_102 = tpu.memref_slice %arg4[%mul3A_70, %dma_wait3A_101] : memref<65536x128xf32, #tpu.memory_space<hbm>> -> memref<128x128xf32, #tpu.memory_space<hbm>>
    tpu.wait_dma2 semaphore(%arg11 : memref<!tpu.dma_semaphore, #tpu.memory_space<semaphore_mem>>) src(%arg7 : memref<128x128xf32, #tpu.memory_space<vmem>>) dst(%dma_wait3A_102 : memref<128x128xf32, #tpu.memory_space<hbm>>)
    %dma_wait3A_103 = arith.constant 0 : i32
    %dma_wait3A_104 = tpu.memref_slice %arg4[%mul3A_80, %dma_wait3A_103] : memref<65536x128xf32, #tpu.memory_space<hbm>> -> memref<128x128xf32, #tpu.memory_space<hbm>>
    %dma_wait3A_105 = arith.constant 0 : i32
    %dma_wait3A_106 = tpu.memref_slice %arg4[%mul3A_80, %dma_wait3A_105] : memref<65536x128xf32, #tpu.memory_space<hbm>> -> memref<128x128xf32, #tpu.memory_space<hbm>>
    tpu.wait_dma2 semaphore(%arg11 : memref<!tpu.dma_semaphore, #tpu.memory_space<semaphore_mem>>) src(%arg8 : memref<128x128xf32, #tpu.memory_space<vmem>>) dst(%dma_wait3A_106 : memref<128x128xf32, #tpu.memory_space<hbm>>)
    %dma_wait3A_107 = arith.constant 0 : i32
    %dma_wait3A_108 = tpu.memref_slice %arg4[%mul3A_90, %dma_wait3A_107] : memref<65536x128xf32, #tpu.memory_space<hbm>> -> memref<128x128xf32, #tpu.memory_space<hbm>>
    %dma_wait3A_109 = arith.constant 0 : i32
    %dma_wait3A_110 = tpu.memref_slice %arg4[%mul3A_90, %dma_wait3A_109] : memref<65536x128xf32, #tpu.memory_space<hbm>> -> memref<128x128xf32, #tpu.memory_space<hbm>>
    tpu.wait_dma2 semaphore(%arg11 : memref<!tpu.dma_semaphore, #tpu.memory_space<semaphore_mem>>) src(%arg9 : memref<128x128xf32, #tpu.memory_space<vmem>>) dst(%dma_wait3A_110 : memref<128x128xf32, #tpu.memory_space<hbm>>)
    %dma_start3A_111 = arith.constant 4 : i32
    %dma_start3A_112 = arith.constant 0 : i32
    %dma_start3A_113 = tpu.memref_slice %arg5[%dma_start3A_111, %dma_start3A_112] : memref<16x128xi32, #tpu.memory_space<vmem>> -> memref<1x128xi32, #tpu.memory_space<vmem>>
    %dma_start3A_114 = tpu.memref_squeeze %dma_start3A_113 : memref<1x128xi32, #tpu.memory_space<vmem>> -> memref<128xi32, #tpu.memory_space<vmem>>
    %dma_start3A_115 = arith.constant 0 : i32
    %dma_start3A_116 = arith.constant 0 : i32
    %dma_start3A_117 = tpu.memref_slice %arg2[%dma_start3A_115, %dma_start3A_116] : memref<8192x128xf32, #tpu.memory_space<hbm>> -> memref<8192x128xf32, #tpu.memory_space<hbm>>
    tpu.enqueue_indirect_dma source(%dma_start3A_117 : memref<8192x128xf32, #tpu.memory_space<hbm>>) target(%arg6 : memref<128x128xf32, #tpu.memory_space<vmem>>) offsets(%dma_start3A_114 : memref<128xi32, #tpu.memory_space<vmem>>) semaphore(%arg10 : memref<!tpu.dma_semaphore, #tpu.memory_space<semaphore_mem>>)
    %dma_start3A_118 = arith.constant 5 : i32
    %dma_start3A_119 = arith.constant 0 : i32
    %dma_start3A_120 = tpu.memref_slice %arg5[%dma_start3A_118, %dma_start3A_119] : memref<16x128xi32, #tpu.memory_space<vmem>> -> memref<1x128xi32, #tpu.memory_space<vmem>>
    %dma_start3A_121 = tpu.memref_squeeze %dma_start3A_120 : memref<1x128xi32, #tpu.memory_space<vmem>> -> memref<128xi32, #tpu.memory_space<vmem>>
    %dma_start3A_122 = arith.constant 0 : i32
    %dma_start3A_123 = arith.constant 0 : i32
    %dma_start3A_124 = tpu.memref_slice %arg2[%dma_start3A_122, %dma_start3A_123] : memref<8192x128xf32, #tpu.memory_space<hbm>> -> memref<8192x128xf32, #tpu.memory_space<hbm>>
    tpu.enqueue_indirect_dma source(%dma_start3A_124 : memref<8192x128xf32, #tpu.memory_space<hbm>>) target(%arg7 : memref<128x128xf32, #tpu.memory_space<vmem>>) offsets(%dma_start3A_121 : memref<128xi32, #tpu.memory_space<vmem>>) semaphore(%arg10 : memref<!tpu.dma_semaphore, #tpu.memory_space<semaphore_mem>>)
    %dma_start3A_125 = arith.constant 6 : i32
    %dma_start3A_126 = arith.constant 0 : i32
    %dma_start3A_127 = tpu.memref_slice %arg5[%dma_start3A_125, %dma_start3A_126] : memref<16x128xi32, #tpu.memory_space<vmem>> -> memref<1x128xi32, #tpu.memory_space<vmem>>
    %dma_start3A_128 = tpu.memref_squeeze %dma_start3A_127 : memref<1x128xi32, #tpu.memory_space<vmem>> -> memref<128xi32, #tpu.memory_space<vmem>>
    %dma_start3A_129 = arith.constant 0 : i32
    %dma_start3A_130 = arith.constant 0 : i32
    %dma_start3A_131 = tpu.memref_slice %arg2[%dma_start3A_129, %dma_start3A_130] : memref<8192x128xf32, #tpu.memory_space<hbm>> -> memref<8192x128xf32, #tpu.memory_space<hbm>>
    tpu.enqueue_indirect_dma source(%dma_start3A_131 : memref<8192x128xf32, #tpu.memory_space<hbm>>) target(%arg8 : memref<128x128xf32, #tpu.memory_space<vmem>>) offsets(%dma_start3A_128 : memref<128xi32, #tpu.memory_space<vmem>>) semaphore(%arg10 : memref<!tpu.dma_semaphore, #tpu.memory_space<semaphore_mem>>)
    %dma_start3A_132 = arith.constant 7 : i32
    %dma_start3A_133 = arith.constant 0 : i32
    %dma_start3A_134 = tpu.memref_slice %arg5[%dma_start3A_132, %dma_start3A_133] : memref<16x128xi32, #tpu.memory_space<vmem>> -> memref<1x128xi32, #tpu.memory_space<vmem>>
    %dma_start3A_135 = tpu.memref_squeeze %dma_start3A_134 : memref<1x128xi32, #tpu.memory_space<vmem>> -> memref<128xi32, #tpu.memory_space<vmem>>
    %dma_start3A_136 = arith.constant 0 : i32
    %dma_start3A_137 = arith.constant 0 : i32
    %dma_start3A_138 = tpu.memref_slice %arg2[%dma_start3A_136, %dma_start3A_137] : memref<8192x128xf32, #tpu.memory_space<hbm>> -> memref<8192x128xf32, #tpu.memory_space<hbm>>
    tpu.enqueue_indirect_dma source(%dma_start3A_138 : memref<8192x128xf32, #tpu.memory_space<hbm>>) target(%arg9 : memref<128x128xf32, #tpu.memory_space<vmem>>) offsets(%dma_start3A_135 : memref<128xi32, #tpu.memory_space<vmem>>) semaphore(%arg10 : memref<!tpu.dma_semaphore, #tpu.memory_space<semaphore_mem>>)
    %dma_wait3A_139 = arith.constant 4 : i32
    %dma_wait3A_140 = arith.constant 0 : i32
    %dma_wait3A_141 = tpu.memref_slice %arg5[%dma_wait3A_139, %dma_wait3A_140] : memref<16x128xi32, #tpu.memory_space<vmem>> -> memref<1x128xi32, #tpu.memory_space<vmem>>
    %dma_wait3A_142 = tpu.memref_squeeze %dma_wait3A_141 : memref<1x128xi32, #tpu.memory_space<vmem>> -> memref<128xi32, #tpu.memory_space<vmem>>
    %dma_wait3A_143 = arith.constant 0 : i32
    %dma_wait3A_144 = arith.constant 0 : i32
    %dma_wait3A_145 = tpu.memref_slice %arg2[%dma_wait3A_143, %dma_wait3A_144] : memref<8192x128xf32, #tpu.memory_space<hbm>> -> memref<8192x128xf32, #tpu.memory_space<hbm>>
    tpu.wait_indirect_dma semaphore(%arg10 : memref<!tpu.dma_semaphore, #tpu.memory_space<semaphore_mem>>) src(%dma_wait3A_145 : memref<8192x128xf32, #tpu.memory_space<hbm>>) dst(%arg6 : memref<128x128xf32, #tpu.memory_space<vmem>>)
    %dma_wait3A_146 = arith.constant 5 : i32
    %dma_wait3A_147 = arith.constant 0 : i32
    %dma_wait3A_148 = tpu.memref_slice %arg5[%dma_wait3A_146, %dma_wait3A_147] : memref<16x128xi32, #tpu.memory_space<vmem>> -> memref<1x128xi32, #tpu.memory_space<vmem>>
    %dma_wait3A_149 = tpu.memref_squeeze %dma_wait3A_148 : memref<1x128xi32, #tpu.memory_space<vmem>> -> memref<128xi32, #tpu.memory_space<vmem>>
    %dma_wait3A_150 = arith.constant 0 : i32
    %dma_wait3A_151 = arith.constant 0 : i32
    %dma_wait3A_152 = tpu.memref_slice %arg2[%dma_wait3A_150, %dma_wait3A_151] : memref<8192x128xf32, #tpu.memory_space<hbm>> -> memref<8192x128xf32, #tpu.memory_space<hbm>>
    tpu.wait_indirect_dma semaphore(%arg10 : memref<!tpu.dma_semaphore, #tpu.memory_space<semaphore_mem>>) src(%dma_wait3A_152 : memref<8192x128xf32, #tpu.memory_space<hbm>>) dst(%arg7 : memref<128x128xf32, #tpu.memory_space<vmem>>)
    %dma_wait3A_153 = arith.constant 6 : i32
    %dma_wait3A_154 = arith.constant 0 : i32
    %dma_wait3A_155 = tpu.memref_slice %arg5[%dma_wait3A_153, %dma_wait3A_154] : memref<16x128xi32, #tpu.memory_space<vmem>> -> memref<1x128xi32, #tpu.memory_space<vmem>>
    %dma_wait3A_156 = tpu.memref_squeeze %dma_wait3A_155 : memref<1x128xi32, #tpu.memory_space<vmem>> -> memref<128xi32, #tpu.memory_space<vmem>>
    %dma_wait3A_157 = arith.constant 0 : i32
    %dma_wait3A_158 = arith.constant 0 : i32
    %dma_wait3A_159 = tpu.memref_slice %arg2[%dma_wait3A_157, %dma_wait3A_158] : memref<8192x128xf32, #tpu.memory_space<hbm>> -> memref<8192x128xf32, #tpu.memory_space<hbm>>
    tpu.wait_indirect_dma semaphore(%arg10 : memref<!tpu.dma_semaphore, #tpu.memory_space<semaphore_mem>>) src(%dma_wait3A_159 : memref<8192x128xf32, #tpu.memory_space<hbm>>) dst(%arg8 : memref<128x128xf32, #tpu.memory_space<vmem>>)
    %dma_wait3A_160 = arith.constant 7 : i32
    %dma_wait3A_161 = arith.constant 0 : i32
    %dma_wait3A_162 = tpu.memref_slice %arg5[%dma_wait3A_160, %dma_wait3A_161] : memref<16x128xi32, #tpu.memory_space<vmem>> -> memref<1x128xi32, #tpu.memory_space<vmem>>
    %dma_wait3A_163 = tpu.memref_squeeze %dma_wait3A_162 : memref<1x128xi32, #tpu.memory_space<vmem>> -> memref<128xi32, #tpu.memory_space<vmem>>
    %dma_wait3A_164 = arith.constant 0 : i32
    %dma_wait3A_165 = arith.constant 0 : i32
    %dma_wait3A_166 = tpu.memref_slice %arg2[%dma_wait3A_164, %dma_wait3A_165] : memref<8192x128xf32, #tpu.memory_space<hbm>> -> memref<8192x128xf32, #tpu.memory_space<hbm>>
    tpu.wait_indirect_dma semaphore(%arg10 : memref<!tpu.dma_semaphore, #tpu.memory_space<semaphore_mem>>) src(%dma_wait3A_166 : memref<8192x128xf32, #tpu.memory_space<hbm>>) dst(%arg9 : memref<128x128xf32, #tpu.memory_space<vmem>>)
    %mul3A_167 = arith.constant 16 : i32
    %mul3A_168 = arith.muli %add3A, %mul3A_167 : i32
    %add3A_169 = arith.constant 4 : i32
    %add3A_170 = arith.addi %mul3A_168, %add3A_169 : i32
    %mul3A_171 = arith.constant 128 : i32
    %mul3A_172 = arith.muli %add3A_170, %mul3A_171 : i32
    %dma_start3A_173 = arith.constant 0 : i32
    %dma_start3A_174 = tpu.memref_slice %arg4[%mul3A_172, %dma_start3A_173] : memref<65536x128xf32, #tpu.memory_space<hbm>> -> memref<128x128xf32, #tpu.memory_space<hbm>>
    %dma_start3A_175 = arith.constant 0 : i32
    %dma_start3A_176 = tpu.memref_slice %arg4[%mul3A_172, %dma_start3A_175] : memref<65536x128xf32, #tpu.memory_space<hbm>> -> memref<128x128xf32, #tpu.memory_space<hbm>>
    tpu.enqueue_dma source(%arg6 : memref<128x128xf32, #tpu.memory_space<vmem>>) target(%dma_start3A_176 : memref<128x128xf32, #tpu.memory_space<hbm>>) target_semaphore(%arg11 : memref<!tpu.dma_semaphore, #tpu.memory_space<semaphore_mem>>)
    %mul3A_177 = arith.constant 16 : i32
    %mul3A_178 = arith.muli %add3A, %mul3A_177 : i32
    %add3A_179 = arith.constant 5 : i32
    %add3A_180 = arith.addi %mul3A_178, %add3A_179 : i32
    %mul3A_181 = arith.constant 128 : i32
    %mul3A_182 = arith.muli %add3A_180, %mul3A_181 : i32
    %dma_start3A_183 = arith.constant 0 : i32
    %dma_start3A_184 = tpu.memref_slice %arg4[%mul3A_182, %dma_start3A_183] : memref<65536x128xf32, #tpu.memory_space<hbm>> -> memref<128x128xf32, #tpu.memory_space<hbm>>
    %dma_start3A_185 = arith.constant 0 : i32
    %dma_start3A_186 = tpu.memref_slice %arg4[%mul3A_182, %dma_start3A_185] : memref<65536x128xf32, #tpu.memory_space<hbm>> -> memref<128x128xf32, #tpu.memory_space<hbm>>
    tpu.enqueue_dma source(%arg7 : memref<128x128xf32, #tpu.memory_space<vmem>>) target(%dma_start3A_186 : memref<128x128xf32, #tpu.memory_space<hbm>>) target_semaphore(%arg11 : memref<!tpu.dma_semaphore, #tpu.memory_space<semaphore_mem>>)
    %mul3A_187 = arith.constant 16 : i32
    %mul3A_188 = arith.muli %add3A, %mul3A_187 : i32
    %add3A_189 = arith.constant 6 : i32
    %add3A_190 = arith.addi %mul3A_188, %add3A_189 : i32
    %mul3A_191 = arith.constant 128 : i32
    %mul3A_192 = arith.muli %add3A_190, %mul3A_191 : i32
    %dma_start3A_193 = arith.constant 0 : i32
    %dma_start3A_194 = tpu.memref_slice %arg4[%mul3A_192, %dma_start3A_193] : memref<65536x128xf32, #tpu.memory_space<hbm>> -> memref<128x128xf32, #tpu.memory_space<hbm>>
    %dma_start3A_195 = arith.constant 0 : i32
    %dma_start3A_196 = tpu.memref_slice %arg4[%mul3A_192, %dma_start3A_195] : memref<65536x128xf32, #tpu.memory_space<hbm>> -> memref<128x128xf32, #tpu.memory_space<hbm>>
    tpu.enqueue_dma source(%arg8 : memref<128x128xf32, #tpu.memory_space<vmem>>) target(%dma_start3A_196 : memref<128x128xf32, #tpu.memory_space<hbm>>) target_semaphore(%arg11 : memref<!tpu.dma_semaphore, #tpu.memory_space<semaphore_mem>>)
    %mul3A_197 = arith.constant 16 : i32
    %mul3A_198 = arith.muli %add3A, %mul3A_197 : i32
    %add3A_199 = arith.constant 7 : i32
    %add3A_200 = arith.addi %mul3A_198, %add3A_199 : i32
    %mul3A_201 = arith.constant 128 : i32
    %mul3A_202 = arith.muli %add3A_200, %mul3A_201 : i32
    %dma_start3A_203 = arith.constant 0 : i32
    %dma_start3A_204 = tpu.memref_slice %arg4[%mul3A_202, %dma_start3A_203] : memref<65536x128xf32, #tpu.memory_space<hbm>> -> memref<128x128xf32, #tpu.memory_space<hbm>>
    %dma_start3A_205 = arith.constant 0 : i32
    %dma_start3A_206 = tpu.memref_slice %arg4[%mul3A_202, %dma_start3A_205] : memref<65536x128xf32, #tpu.memory_space<hbm>> -> memref<128x128xf32, #tpu.memory_space<hbm>>
    tpu.enqueue_dma source(%arg9 : memref<128x128xf32, #tpu.memory_space<vmem>>) target(%dma_start3A_206 : memref<128x128xf32, #tpu.memory_space<hbm>>) target_semaphore(%arg11 : memref<!tpu.dma_semaphore, #tpu.memory_space<semaphore_mem>>)
    %dma_wait3A_207 = arith.constant 0 : i32
    %dma_wait3A_208 = tpu.memref_slice %arg4[%mul3A_172, %dma_wait3A_207] : memref<65536x128xf32, #tpu.memory_space<hbm>> -> memref<128x128xf32, #tpu.memory_space<hbm>>
    %dma_wait3A_209 = arith.constant 0 : i32
    %dma_wait3A_210 = tpu.memref_slice %arg4[%mul3A_172, %dma_wait3A_209] : memref<65536x128xf32, #tpu.memory_space<hbm>> -> memref<128x128xf32, #tpu.memory_space<hbm>>
    tpu.wait_dma2 semaphore(%arg11 : memref<!tpu.dma_semaphore, #tpu.memory_space<semaphore_mem>>) src(%arg6 : memref<128x128xf32, #tpu.memory_space<vmem>>) dst(%dma_wait3A_210 : memref<128x128xf32, #tpu.memory_space<hbm>>)
    %dma_wait3A_211 = arith.constant 0 : i32
    %dma_wait3A_212 = tpu.memref_slice %arg4[%mul3A_182, %dma_wait3A_211] : memref<65536x128xf32, #tpu.memory_space<hbm>> -> memref<128x128xf32, #tpu.memory_space<hbm>>
    %dma_wait3A_213 = arith.constant 0 : i32
    %dma_wait3A_214 = tpu.memref_slice %arg4[%mul3A_182, %dma_wait3A_213] : memref<65536x128xf32, #tpu.memory_space<hbm>> -> memref<128x128xf32, #tpu.memory_space<hbm>>
    tpu.wait_dma2 semaphore(%arg11 : memref<!tpu.dma_semaphore, #tpu.memory_space<semaphore_mem>>) src(%arg7 : memref<128x128xf32, #tpu.memory_space<vmem>>) dst(%dma_wait3A_214 : memref<128x128xf32, #tpu.memory_space<hbm>>)
    %dma_wait3A_215 = arith.constant 0 : i32
    %dma_wait3A_216 = tpu.memref_slice %arg4[%mul3A_192, %dma_wait3A_215] : memref<65536x128xf32, #tpu.memory_space<hbm>> -> memref<128x128xf32, #tpu.memory_space<hbm>>
    %dma_wait3A_217 = arith.constant 0 : i32
    %dma_wait3A_218 = tpu.memref_slice %arg4[%mul3A_192, %dma_wait3A_217] : memref<65536x128xf32, #tpu.memory_space<hbm>> -> memref<128x128xf32, #tpu.memory_space<hbm>>
    tpu.wait_dma2 semaphore(%arg11 : memref<!tpu.dma_semaphore, #tpu.memory_space<semaphore_mem>>) src(%arg8 : memref<128x128xf32, #tpu.memory_space<vmem>>) dst(%dma_wait3A_218 : memref<128x128xf32, #tpu.memory_space<hbm>>)
    %dma_wait3A_219 = arith.constant 0 : i32
    %dma_wait3A_220 = tpu.memref_slice %arg4[%mul3A_202, %dma_wait3A_219] : memref<65536x128xf32, #tpu.memory_space<hbm>> -> memref<128x128xf32, #tpu.memory_space<hbm>>
    %dma_wait3A_221 = arith.constant 0 : i32
    %dma_wait3A_222 = tpu.memref_slice %arg4[%mul3A_202, %dma_wait3A_221] : memref<65536x128xf32, #tpu.memory_space<hbm>> -> memref<128x128xf32, #tpu.memory_space<hbm>>
    tpu.wait_dma2 semaphore(%arg11 : memref<!tpu.dma_semaphore, #tpu.memory_space<semaphore_mem>>) src(%arg9 : memref<128x128xf32, #tpu.memory_space<vmem>>) dst(%dma_wait3A_222 : memref<128x128xf32, #tpu.memory_space<hbm>>)
    %dma_start3A_223 = arith.constant 8 : i32
    %dma_start3A_224 = arith.constant 0 : i32
    %dma_start3A_225 = tpu.memref_slice %arg5[%dma_start3A_223, %dma_start3A_224] : memref<16x128xi32, #tpu.memory_space<vmem>> -> memref<1x128xi32, #tpu.memory_space<vmem>>
    %dma_start3A_226 = tpu.memref_squeeze %dma_start3A_225 : memref<1x128xi32, #tpu.memory_space<vmem>> -> memref<128xi32, #tpu.memory_space<vmem>>
    %dma_start3A_227 = arith.constant 0 : i32
    %dma_start3A_228 = arith.constant 0 : i32
    %dma_start3A_229 = tpu.memref_slice %arg2[%dma_start3A_227, %dma_start3A_228] : memref<8192x128xf32, #tpu.memory_space<hbm>> -> memref<8192x128xf32, #tpu.memory_space<hbm>>
    tpu.enqueue_indirect_dma source(%dma_start3A_229 : memref<8192x128xf32, #tpu.memory_space<hbm>>) target(%arg6 : memref<128x128xf32, #tpu.memory_space<vmem>>) offsets(%dma_start3A_226 : memref<128xi32, #tpu.memory_space<vmem>>) semaphore(%arg10 : memref<!tpu.dma_semaphore, #tpu.memory_space<semaphore_mem>>)
    %dma_start3A_230 = arith.constant 9 : i32
    %dma_start3A_231 = arith.constant 0 : i32
    %dma_start3A_232 = tpu.memref_slice %arg5[%dma_start3A_230, %dma_start3A_231] : memref<16x128xi32, #tpu.memory_space<vmem>> -> memref<1x128xi32, #tpu.memory_space<vmem>>
    %dma_start3A_233 = tpu.memref_squeeze %dma_start3A_232 : memref<1x128xi32, #tpu.memory_space<vmem>> -> memref<128xi32, #tpu.memory_space<vmem>>
    %dma_start3A_234 = arith.constant 0 : i32
    %dma_start3A_235 = arith.constant 0 : i32
    %dma_start3A_236 = tpu.memref_slice %arg2[%dma_start3A_234, %dma_start3A_235] : memref<8192x128xf32, #tpu.memory_space<hbm>> -> memref<8192x128xf32, #tpu.memory_space<hbm>>
    tpu.enqueue_indirect_dma source(%dma_start3A_236 : memref<8192x128xf32, #tpu.memory_space<hbm>>) target(%arg7 : memref<128x128xf32, #tpu.memory_space<vmem>>) offsets(%dma_start3A_233 : memref<128xi32, #tpu.memory_space<vmem>>) semaphore(%arg10 : memref<!tpu.dma_semaphore, #tpu.memory_space<semaphore_mem>>)
    %dma_start3A_237 = arith.constant 10 : i32
    %dma_start3A_238 = arith.constant 0 : i32
    %dma_start3A_239 = tpu.memref_slice %arg5[%dma_start3A_237, %dma_start3A_238] : memref<16x128xi32, #tpu.memory_space<vmem>> -> memref<1x128xi32, #tpu.memory_space<vmem>>
    %dma_start3A_240 = tpu.memref_squeeze %dma_start3A_239 : memref<1x128xi32, #tpu.memory_space<vmem>> -> memref<128xi32, #tpu.memory_space<vmem>>
    %dma_start3A_241 = arith.constant 0 : i32
    %dma_start3A_242 = arith.constant 0 : i32
    %dma_start3A_243 = tpu.memref_slice %arg2[%dma_start3A_241, %dma_start3A_242] : memref<8192x128xf32, #tpu.memory_space<hbm>> -> memref<8192x128xf32, #tpu.memory_space<hbm>>
    tpu.enqueue_indirect_dma source(%dma_start3A_243 : memref<8192x128xf32, #tpu.memory_space<hbm>>) target(%arg8 : memref<128x128xf32, #tpu.memory_space<vmem>>) offsets(%dma_start3A_240 : memref<128xi32, #tpu.memory_space<vmem>>) semaphore(%arg10 : memref<!tpu.dma_semaphore, #tpu.memory_space<semaphore_mem>>)
    %dma_start3A_244 = arith.constant 11 : i32
    %dma_start3A_245 = arith.constant 0 : i32
    %dma_start3A_246 = tpu.memref_slice %arg5[%dma_start3A_244, %dma_start3A_245] : memref<16x128xi32, #tpu.memory_space<vmem>> -> memref<1x128xi32, #tpu.memory_space<vmem>>
    %dma_start3A_247 = tpu.memref_squeeze %dma_start3A_246 : memref<1x128xi32, #tpu.memory_space<vmem>> -> memref<128xi32, #tpu.memory_space<vmem>>
    %dma_start3A_248 = arith.constant 0 : i32
    %dma_start3A_249 = arith.constant 0 : i32
    %dma_start3A_250 = tpu.memref_slice %arg2[%dma_start3A_248, %dma_start3A_249] : memref<8192x128xf32, #tpu.memory_space<hbm>> -> memref<8192x128xf32, #tpu.memory_space<hbm>>
    tpu.enqueue_indirect_dma source(%dma_start3A_250 : memref<8192x128xf32, #tpu.memory_space<hbm>>) target(%arg9 : memref<128x128xf32, #tpu.memory_space<vmem>>) offsets(%dma_start3A_247 : memref<128xi32, #tpu.memory_space<vmem>>) semaphore(%arg10 : memref<!tpu.dma_semaphore, #tpu.memory_space<semaphore_mem>>)
    %dma_wait3A_251 = arith.constant 8 : i32
    %dma_wait3A_252 = arith.constant 0 : i32
    %dma_wait3A_253 = tpu.memref_slice %arg5[%dma_wait3A_251, %dma_wait3A_252] : memref<16x128xi32, #tpu.memory_space<vmem>> -> memref<1x128xi32, #tpu.memory_space<vmem>>
    %dma_wait3A_254 = tpu.memref_squeeze %dma_wait3A_253 : memref<1x128xi32, #tpu.memory_space<vmem>> -> memref<128xi32, #tpu.memory_space<vmem>>
    %dma_wait3A_255 = arith.constant 0 : i32
    %dma_wait3A_256 = arith.constant 0 : i32
    %dma_wait3A_257 = tpu.memref_slice %arg2[%dma_wait3A_255, %dma_wait3A_256] : memref<8192x128xf32, #tpu.memory_space<hbm>> -> memref<8192x128xf32, #tpu.memory_space<hbm>>
    tpu.wait_indirect_dma semaphore(%arg10 : memref<!tpu.dma_semaphore, #tpu.memory_space<semaphore_mem>>) src(%dma_wait3A_257 : memref<8192x128xf32, #tpu.memory_space<hbm>>) dst(%arg6 : memref<128x128xf32, #tpu.memory_space<vmem>>)
    %dma_wait3A_258 = arith.constant 9 : i32
    %dma_wait3A_259 = arith.constant 0 : i32
    %dma_wait3A_260 = tpu.memref_slice %arg5[%dma_wait3A_258, %dma_wait3A_259] : memref<16x128xi32, #tpu.memory_space<vmem>> -> memref<1x128xi32, #tpu.memory_space<vmem>>
    %dma_wait3A_261 = tpu.memref_squeeze %dma_wait3A_260 : memref<1x128xi32, #tpu.memory_space<vmem>> -> memref<128xi32, #tpu.memory_space<vmem>>
    %dma_wait3A_262 = arith.constant 0 : i32
    %dma_wait3A_263 = arith.constant 0 : i32
    %dma_wait3A_264 = tpu.memref_slice %arg2[%dma_wait3A_262, %dma_wait3A_263] : memref<8192x128xf32, #tpu.memory_space<hbm>> -> memref<8192x128xf32, #tpu.memory_space<hbm>>
    tpu.wait_indirect_dma semaphore(%arg10 : memref<!tpu.dma_semaphore, #tpu.memory_space<semaphore_mem>>) src(%dma_wait3A_264 : memref<8192x128xf32, #tpu.memory_space<hbm>>) dst(%arg7 : memref<128x128xf32, #tpu.memory_space<vmem>>)
    %dma_wait3A_265 = arith.constant 10 : i32
    %dma_wait3A_266 = arith.constant 0 : i32
    %dma_wait3A_267 = tpu.memref_slice %arg5[%dma_wait3A_265, %dma_wait3A_266] : memref<16x128xi32, #tpu.memory_space<vmem>> -> memref<1x128xi32, #tpu.memory_space<vmem>>
    %dma_wait3A_268 = tpu.memref_squeeze %dma_wait3A_267 : memref<1x128xi32, #tpu.memory_space<vmem>> -> memref<128xi32, #tpu.memory_space<vmem>>
    %dma_wait3A_269 = arith.constant 0 : i32
    %dma_wait3A_270 = arith.constant 0 : i32
    %dma_wait3A_271 = tpu.memref_slice %arg2[%dma_wait3A_269, %dma_wait3A_270] : memref<8192x128xf32, #tpu.memory_space<hbm>> -> memref<8192x128xf32, #tpu.memory_space<hbm>>
    tpu.wait_indirect_dma semaphore(%arg10 : memref<!tpu.dma_semaphore, #tpu.memory_space<semaphore_mem>>) src(%dma_wait3A_271 : memref<8192x128xf32, #tpu.memory_space<hbm>>) dst(%arg8 : memref<128x128xf32, #tpu.memory_space<vmem>>)
    %dma_wait3A_272 = arith.constant 11 : i32
    %dma_wait3A_273 = arith.constant 0 : i32
    %dma_wait3A_274 = tpu.memref_slice %arg5[%dma_wait3A_272, %dma_wait3A_273] : memref<16x128xi32, #tpu.memory_space<vmem>> -> memref<1x128xi32, #tpu.memory_space<vmem>>
    %dma_wait3A_275 = tpu.memref_squeeze %dma_wait3A_274 : memref<1x128xi32, #tpu.memory_space<vmem>> -> memref<128xi32, #tpu.memory_space<vmem>>
    %dma_wait3A_276 = arith.constant 0 : i32
    %dma_wait3A_277 = arith.constant 0 : i32
    %dma_wait3A_278 = tpu.memref_slice %arg2[%dma_wait3A_276, %dma_wait3A_277] : memref<8192x128xf32, #tpu.memory_space<hbm>> -> memref<8192x128xf32, #tpu.memory_space<hbm>>
    tpu.wait_indirect_dma semaphore(%arg10 : memref<!tpu.dma_semaphore, #tpu.memory_space<semaphore_mem>>) src(%dma_wait3A_278 : memref<8192x128xf32, #tpu.memory_space<hbm>>) dst(%arg9 : memref<128x128xf32, #tpu.memory_space<vmem>>)
    %mul3A_279 = arith.constant 16 : i32
    %mul3A_280 = arith.muli %add3A, %mul3A_279 : i32
    %add3A_281 = arith.constant 8 : i32
    %add3A_282 = arith.addi %mul3A_280, %add3A_281 : i32
    %mul3A_283 = arith.constant 128 : i32
    %mul3A_284 = arith.muli %add3A_282, %mul3A_283 : i32
    %dma_start3A_285 = arith.constant 0 : i32
    %dma_start3A_286 = tpu.memref_slice %arg4[%mul3A_284, %dma_start3A_285] : memref<65536x128xf32, #tpu.memory_space<hbm>> -> memref<128x128xf32, #tpu.memory_space<hbm>>
    %dma_start3A_287 = arith.constant 0 : i32
    %dma_start3A_288 = tpu.memref_slice %arg4[%mul3A_284, %dma_start3A_287] : memref<65536x128xf32, #tpu.memory_space<hbm>> -> memref<128x128xf32, #tpu.memory_space<hbm>>
    tpu.enqueue_dma source(%arg6 : memref<128x128xf32, #tpu.memory_space<vmem>>) target(%dma_start3A_288 : memref<128x128xf32, #tpu.memory_space<hbm>>) target_semaphore(%arg11 : memref<!tpu.dma_semaphore, #tpu.memory_space<semaphore_mem>>)
    %mul3A_289 = arith.constant 16 : i32
    %mul3A_290 = arith.muli %add3A, %mul3A_289 : i32
    %add3A_291 = arith.constant 9 : i32
    %add3A_292 = arith.addi %mul3A_290, %add3A_291 : i32
    %mul3A_293 = arith.constant 128 : i32
    %mul3A_294 = arith.muli %add3A_292, %mul3A_293 : i32
    %dma_start3A_295 = arith.constant 0 : i32
    %dma_start3A_296 = tpu.memref_slice %arg4[%mul3A_294, %dma_start3A_295] : memref<65536x128xf32, #tpu.memory_space<hbm>> -> memref<128x128xf32, #tpu.memory_space<hbm>>
    %dma_start3A_297 = arith.constant 0 : i32
    %dma_start3A_298 = tpu.memref_slice %arg4[%mul3A_294, %dma_start3A_297] : memref<65536x128xf32, #tpu.memory_space<hbm>> -> memref<128x128xf32, #tpu.memory_space<hbm>>
    tpu.enqueue_dma source(%arg7 : memref<128x128xf32, #tpu.memory_space<vmem>>) target(%dma_start3A_298 : memref<128x128xf32, #tpu.memory_space<hbm>>) target_semaphore(%arg11 : memref<!tpu.dma_semaphore, #tpu.memory_space<semaphore_mem>>)
    %mul3A_299 = arith.constant 16 : i32
    %mul3A_300 = arith.muli %add3A, %mul3A_299 : i32
    %add3A_301 = arith.constant 10 : i32
    %add3A_302 = arith.addi %mul3A_300, %add3A_301 : i32
    %mul3A_303 = arith.constant 128 : i32
    %mul3A_304 = arith.muli %add3A_302, %mul3A_303 : i32
    %dma_start3A_305 = arith.constant 0 : i32
    %dma_start3A_306 = tpu.memref_slice %arg4[%mul3A_304, %dma_start3A_305] : memref<65536x128xf32, #tpu.memory_space<hbm>> -> memref<128x128xf32, #tpu.memory_space<hbm>>
    %dma_start3A_307 = arith.constant 0 : i32
    %dma_start3A_308 = tpu.memref_slice %arg4[%mul3A_304, %dma_start3A_307] : memref<65536x128xf32, #tpu.memory_space<hbm>> -> memref<128x128xf32, #tpu.memory_space<hbm>>
    tpu.enqueue_dma source(%arg8 : memref<128x128xf32, #tpu.memory_space<vmem>>) target(%dma_start3A_308 : memref<128x128xf32, #tpu.memory_space<hbm>>) target_semaphore(%arg11 : memref<!tpu.dma_semaphore, #tpu.memory_space<semaphore_mem>>)
    %mul3A_309 = arith.constant 16 : i32
    %mul3A_310 = arith.muli %add3A, %mul3A_309 : i32
    %add3A_311 = arith.constant 11 : i32
    %add3A_312 = arith.addi %mul3A_310, %add3A_311 : i32
    %mul3A_313 = arith.constant 128 : i32
    %mul3A_314 = arith.muli %add3A_312, %mul3A_313 : i32
    %dma_start3A_315 = arith.constant 0 : i32
    %dma_start3A_316 = tpu.memref_slice %arg4[%mul3A_314, %dma_start3A_315] : memref<65536x128xf32, #tpu.memory_space<hbm>> -> memref<128x128xf32, #tpu.memory_space<hbm>>
    %dma_start3A_317 = arith.constant 0 : i32
    %dma_start3A_318 = tpu.memref_slice %arg4[%mul3A_314, %dma_start3A_317] : memref<65536x128xf32, #tpu.memory_space<hbm>> -> memref<128x128xf32, #tpu.memory_space<hbm>>
    tpu.enqueue_dma source(%arg9 : memref<128x128xf32, #tpu.memory_space<vmem>>) target(%dma_start3A_318 : memref<128x128xf32, #tpu.memory_space<hbm>>) target_semaphore(%arg11 : memref<!tpu.dma_semaphore, #tpu.memory_space<semaphore_mem>>)
    %dma_wait3A_319 = arith.constant 0 : i32
    %dma_wait3A_320 = tpu.memref_slice %arg4[%mul3A_284, %dma_wait3A_319] : memref<65536x128xf32, #tpu.memory_space<hbm>> -> memref<128x128xf32, #tpu.memory_space<hbm>>
    %dma_wait3A_321 = arith.constant 0 : i32
    %dma_wait3A_322 = tpu.memref_slice %arg4[%mul3A_284, %dma_wait3A_321] : memref<65536x128xf32, #tpu.memory_space<hbm>> -> memref<128x128xf32, #tpu.memory_space<hbm>>
    tpu.wait_dma2 semaphore(%arg11 : memref<!tpu.dma_semaphore, #tpu.memory_space<semaphore_mem>>) src(%arg6 : memref<128x128xf32, #tpu.memory_space<vmem>>) dst(%dma_wait3A_322 : memref<128x128xf32, #tpu.memory_space<hbm>>)
    %dma_wait3A_323 = arith.constant 0 : i32
    %dma_wait3A_324 = tpu.memref_slice %arg4[%mul3A_294, %dma_wait3A_323] : memref<65536x128xf32, #tpu.memory_space<hbm>> -> memref<128x128xf32, #tpu.memory_space<hbm>>
    %dma_wait3A_325 = arith.constant 0 : i32
    %dma_wait3A_326 = tpu.memref_slice %arg4[%mul3A_294, %dma_wait3A_325] : memref<65536x128xf32, #tpu.memory_space<hbm>> -> memref<128x128xf32, #tpu.memory_space<hbm>>
    tpu.wait_dma2 semaphore(%arg11 : memref<!tpu.dma_semaphore, #tpu.memory_space<semaphore_mem>>) src(%arg7 : memref<128x128xf32, #tpu.memory_space<vmem>>) dst(%dma_wait3A_326 : memref<128x128xf32, #tpu.memory_space<hbm>>)
    %dma_wait3A_327 = arith.constant 0 : i32
    %dma_wait3A_328 = tpu.memref_slice %arg4[%mul3A_304, %dma_wait3A_327] : memref<65536x128xf32, #tpu.memory_space<hbm>> -> memref<128x128xf32, #tpu.memory_space<hbm>>
    %dma_wait3A_329 = arith.constant 0 : i32
    %dma_wait3A_330 = tpu.memref_slice %arg4[%mul3A_304, %dma_wait3A_329] : memref<65536x128xf32, #tpu.memory_space<hbm>> -> memref<128x128xf32, #tpu.memory_space<hbm>>
    tpu.wait_dma2 semaphore(%arg11 : memref<!tpu.dma_semaphore, #tpu.memory_space<semaphore_mem>>) src(%arg8 : memref<128x128xf32, #tpu.memory_space<vmem>>) dst(%dma_wait3A_330 : memref<128x128xf32, #tpu.memory_space<hbm>>)
    %dma_wait3A_331 = arith.constant 0 : i32
    %dma_wait3A_332 = tpu.memref_slice %arg4[%mul3A_314, %dma_wait3A_331] : memref<65536x128xf32, #tpu.memory_space<hbm>> -> memref<128x128xf32, #tpu.memory_space<hbm>>
    %dma_wait3A_333 = arith.constant 0 : i32
    %dma_wait3A_334 = tpu.memref_slice %arg4[%mul3A_314, %dma_wait3A_333] : memref<65536x128xf32, #tpu.memory_space<hbm>> -> memref<128x128xf32, #tpu.memory_space<hbm>>
    tpu.wait_dma2 semaphore(%arg11 : memref<!tpu.dma_semaphore, #tpu.memory_space<semaphore_mem>>) src(%arg9 : memref<128x128xf32, #tpu.memory_space<vmem>>) dst(%dma_wait3A_334 : memref<128x128xf32, #tpu.memory_space<hbm>>)
    %dma_start3A_335 = arith.constant 12 : i32
    %dma_start3A_336 = arith.constant 0 : i32
    %dma_start3A_337 = tpu.memref_slice %arg5[%dma_start3A_335, %dma_start3A_336] : memref<16x128xi32, #tpu.memory_space<vmem>> -> memref<1x128xi32, #tpu.memory_space<vmem>>
    %dma_start3A_338 = tpu.memref_squeeze %dma_start3A_337 : memref<1x128xi32, #tpu.memory_space<vmem>> -> memref<128xi32, #tpu.memory_space<vmem>>
    %dma_start3A_339 = arith.constant 0 : i32
    %dma_start3A_340 = arith.constant 0 : i32
    %dma_start3A_341 = tpu.memref_slice %arg2[%dma_start3A_339, %dma_start3A_340] : memref<8192x128xf32, #tpu.memory_space<hbm>> -> memref<8192x128xf32, #tpu.memory_space<hbm>>
    tpu.enqueue_indirect_dma source(%dma_start3A_341 : memref<8192x128xf32, #tpu.memory_space<hbm>>) target(%arg6 : memref<128x128xf32, #tpu.memory_space<vmem>>) offsets(%dma_start3A_338 : memref<128xi32, #tpu.memory_space<vmem>>) semaphore(%arg10 : memref<!tpu.dma_semaphore, #tpu.memory_space<semaphore_mem>>)
    %dma_start3A_342 = arith.constant 13 : i32
    %dma_start3A_343 = arith.constant 0 : i32
    %dma_start3A_344 = tpu.memref_slice %arg5[%dma_start3A_342, %dma_start3A_343] : memref<16x128xi32, #tpu.memory_space<vmem>> -> memref<1x128xi32, #tpu.memory_space<vmem>>
    %dma_start3A_345 = tpu.memref_squeeze %dma_start3A_344 : memref<1x128xi32, #tpu.memory_space<vmem>> -> memref<128xi32, #tpu.memory_space<vmem>>
    %dma_start3A_346 = arith.constant 0 : i32
    %dma_start3A_347 = arith.constant 0 : i32
    %dma_start3A_348 = tpu.memref_slice %arg2[%dma_start3A_346, %dma_start3A_347] : memref<8192x128xf32, #tpu.memory_space<hbm>> -> memref<8192x128xf32, #tpu.memory_space<hbm>>
    tpu.enqueue_indirect_dma source(%dma_start3A_348 : memref<8192x128xf32, #tpu.memory_space<hbm>>) target(%arg7 : memref<128x128xf32, #tpu.memory_space<vmem>>) offsets(%dma_start3A_345 : memref<128xi32, #tpu.memory_space<vmem>>) semaphore(%arg10 : memref<!tpu.dma_semaphore, #tpu.memory_space<semaphore_mem>>)
    %dma_start3A_349 = arith.constant 14 : i32
    %dma_start3A_350 = arith.constant 0 : i32
    %dma_start3A_351 = tpu.memref_slice %arg5[%dma_start3A_349, %dma_start3A_350] : memref<16x128xi32, #tpu.memory_space<vmem>> -> memref<1x128xi32, #tpu.memory_space<vmem>>
    %dma_start3A_352 = tpu.memref_squeeze %dma_start3A_351 : memref<1x128xi32, #tpu.memory_space<vmem>> -> memref<128xi32, #tpu.memory_space<vmem>>
    %dma_start3A_353 = arith.constant 0 : i32
    %dma_start3A_354 = arith.constant 0 : i32
    %dma_start3A_355 = tpu.memref_slice %arg2[%dma_start3A_353, %dma_start3A_354] : memref<8192x128xf32, #tpu.memory_space<hbm>> -> memref<8192x128xf32, #tpu.memory_space<hbm>>
    tpu.enqueue_indirect_dma source(%dma_start3A_355 : memref<8192x128xf32, #tpu.memory_space<hbm>>) target(%arg8 : memref<128x128xf32, #tpu.memory_space<vmem>>) offsets(%dma_start3A_352 : memref<128xi32, #tpu.memory_space<vmem>>) semaphore(%arg10 : memref<!tpu.dma_semaphore, #tpu.memory_space<semaphore_mem>>)
    %dma_start3A_356 = arith.constant 15 : i32
    %dma_start3A_357 = arith.constant 0 : i32
    %dma_start3A_358 = tpu.memref_slice %arg5[%dma_start3A_356, %dma_start3A_357] : memref<16x128xi32, #tpu.memory_space<vmem>> -> memref<1x128xi32, #tpu.memory_space<vmem>>
    %dma_start3A_359 = tpu.memref_squeeze %dma_start3A_358 : memref<1x128xi32, #tpu.memory_space<vmem>> -> memref<128xi32, #tpu.memory_space<vmem>>
    %dma_start3A_360 = arith.constant 0 : i32
    %dma_start3A_361 = arith.constant 0 : i32
    %dma_start3A_362 = tpu.memref_slice %arg2[%dma_start3A_360, %dma_start3A_361] : memref<8192x128xf32, #tpu.memory_space<hbm>> -> memref<8192x128xf32, #tpu.memory_space<hbm>>
    tpu.enqueue_indirect_dma source(%dma_start3A_362 : memref<8192x128xf32, #tpu.memory_space<hbm>>) target(%arg9 : memref<128x128xf32, #tpu.memory_space<vmem>>) offsets(%dma_start3A_359 : memref<128xi32, #tpu.memory_space<vmem>>) semaphore(%arg10 : memref<!tpu.dma_semaphore, #tpu.memory_space<semaphore_mem>>)
    %dma_wait3A_363 = arith.constant 12 : i32
    %dma_wait3A_364 = arith.constant 0 : i32
    %dma_wait3A_365 = tpu.memref_slice %arg5[%dma_wait3A_363, %dma_wait3A_364] : memref<16x128xi32, #tpu.memory_space<vmem>> -> memref<1x128xi32, #tpu.memory_space<vmem>>
    %dma_wait3A_366 = tpu.memref_squeeze %dma_wait3A_365 : memref<1x128xi32, #tpu.memory_space<vmem>> -> memref<128xi32, #tpu.memory_space<vmem>>
    %dma_wait3A_367 = arith.constant 0 : i32
    %dma_wait3A_368 = arith.constant 0 : i32
    %dma_wait3A_369 = tpu.memref_slice %arg2[%dma_wait3A_367, %dma_wait3A_368] : memref<8192x128xf32, #tpu.memory_space<hbm>> -> memref<8192x128xf32, #tpu.memory_space<hbm>>
    tpu.wait_indirect_dma semaphore(%arg10 : memref<!tpu.dma_semaphore, #tpu.memory_space<semaphore_mem>>) src(%dma_wait3A_369 : memref<8192x128xf32, #tpu.memory_space<hbm>>) dst(%arg6 : memref<128x128xf32, #tpu.memory_space<vmem>>)
    %dma_wait3A_370 = arith.constant 13 : i32
    %dma_wait3A_371 = arith.constant 0 : i32
    %dma_wait3A_372 = tpu.memref_slice %arg5[%dma_wait3A_370, %dma_wait3A_371] : memref<16x128xi32, #tpu.memory_space<vmem>> -> memref<1x128xi32, #tpu.memory_space<vmem>>
    %dma_wait3A_373 = tpu.memref_squeeze %dma_wait3A_372 : memref<1x128xi32, #tpu.memory_space<vmem>> -> memref<128xi32, #tpu.memory_space<vmem>>
    %dma_wait3A_374 = arith.constant 0 : i32
    %dma_wait3A_375 = arith.constant 0 : i32
    %dma_wait3A_376 = tpu.memref_slice %arg2[%dma_wait3A_374, %dma_wait3A_375] : memref<8192x128xf32, #tpu.memory_space<hbm>> -> memref<8192x128xf32, #tpu.memory_space<hbm>>
    tpu.wait_indirect_dma semaphore(%arg10 : memref<!tpu.dma_semaphore, #tpu.memory_space<semaphore_mem>>) src(%dma_wait3A_376 : memref<8192x128xf32, #tpu.memory_space<hbm>>) dst(%arg7 : memref<128x128xf32, #tpu.memory_space<vmem>>)
    %dma_wait3A_377 = arith.constant 14 : i32
    %dma_wait3A_378 = arith.constant 0 : i32
    %dma_wait3A_379 = tpu.memref_slice %arg5[%dma_wait3A_377, %dma_wait3A_378] : memref<16x128xi32, #tpu.memory_space<vmem>> -> memref<1x128xi32, #tpu.memory_space<vmem>>
    %dma_wait3A_380 = tpu.memref_squeeze %dma_wait3A_379 : memref<1x128xi32, #tpu.memory_space<vmem>> -> memref<128xi32, #tpu.memory_space<vmem>>
    %dma_wait3A_381 = arith.constant 0 : i32
    %dma_wait3A_382 = arith.constant 0 : i32
    %dma_wait3A_383 = tpu.memref_slice %arg2[%dma_wait3A_381, %dma_wait3A_382] : memref<8192x128xf32, #tpu.memory_space<hbm>> -> memref<8192x128xf32, #tpu.memory_space<hbm>>
    tpu.wait_indirect_dma semaphore(%arg10 : memref<!tpu.dma_semaphore, #tpu.memory_space<semaphore_mem>>) src(%dma_wait3A_383 : memref<8192x128xf32, #tpu.memory_space<hbm>>) dst(%arg8 : memref<128x128xf32, #tpu.memory_space<vmem>>)
    %dma_wait3A_384 = arith.constant 15 : i32
    %dma_wait3A_385 = arith.constant 0 : i32
    %dma_wait3A_386 = tpu.memref_slice %arg5[%dma_wait3A_384, %dma_wait3A_385] : memref<16x128xi32, #tpu.memory_space<vmem>> -> memref<1x128xi32, #tpu.memory_space<vmem>>
    %dma_wait3A_387 = tpu.memref_squeeze %dma_wait3A_386 : memref<1x128xi32, #tpu.memory_space<vmem>> -> memref<128xi32, #tpu.memory_space<vmem>>
    %dma_wait3A_388 = arith.constant 0 : i32
    %dma_wait3A_389 = arith.constant 0 : i32
    %dma_wait3A_390 = tpu.memref_slice %arg2[%dma_wait3A_388, %dma_wait3A_389] : memref<8192x128xf32, #tpu.memory_space<hbm>> -> memref<8192x128xf32, #tpu.memory_space<hbm>>
    tpu.wait_indirect_dma semaphore(%arg10 : memref<!tpu.dma_semaphore, #tpu.memory_space<semaphore_mem>>) src(%dma_wait3A_390 : memref<8192x128xf32, #tpu.memory_space<hbm>>) dst(%arg9 : memref<128x128xf32, #tpu.memory_space<vmem>>)
    %mul3A_391 = arith.constant 16 : i32
    %mul3A_392 = arith.muli %add3A, %mul3A_391 : i32
    %add3A_393 = arith.constant 12 : i32
    %add3A_394 = arith.addi %mul3A_392, %add3A_393 : i32
    %mul3A_395 = arith.constant 128 : i32
    %mul3A_396 = arith.muli %add3A_394, %mul3A_395 : i32
    %dma_start3A_397 = arith.constant 0 : i32
    %dma_start3A_398 = tpu.memref_slice %arg4[%mul3A_396, %dma_start3A_397] : memref<65536x128xf32, #tpu.memory_space<hbm>> -> memref<128x128xf32, #tpu.memory_space<hbm>>
    %dma_start3A_399 = arith.constant 0 : i32
    %dma_start3A_400 = tpu.memref_slice %arg4[%mul3A_396, %dma_start3A_399] : memref<65536x128xf32, #tpu.memory_space<hbm>> -> memref<128x128xf32, #tpu.memory_space<hbm>>
    tpu.enqueue_dma source(%arg6 : memref<128x128xf32, #tpu.memory_space<vmem>>) target(%dma_start3A_400 : memref<128x128xf32, #tpu.memory_space<hbm>>) target_semaphore(%arg11 : memref<!tpu.dma_semaphore, #tpu.memory_space<semaphore_mem>>)
    %mul3A_401 = arith.constant 16 : i32
    %mul3A_402 = arith.muli %add3A, %mul3A_401 : i32
    %add3A_403 = arith.constant 13 : i32
    %add3A_404 = arith.addi %mul3A_402, %add3A_403 : i32
    %mul3A_405 = arith.constant 128 : i32
    %mul3A_406 = arith.muli %add3A_404, %mul3A_405 : i32
    %dma_start3A_407 = arith.constant 0 : i32
    %dma_start3A_408 = tpu.memref_slice %arg4[%mul3A_406, %dma_start3A_407] : memref<65536x128xf32, #tpu.memory_space<hbm>> -> memref<128x128xf32, #tpu.memory_space<hbm>>
    %dma_start3A_409 = arith.constant 0 : i32
    %dma_start3A_410 = tpu.memref_slice %arg4[%mul3A_406, %dma_start3A_409] : memref<65536x128xf32, #tpu.memory_space<hbm>> -> memref<128x128xf32, #tpu.memory_space<hbm>>
    tpu.enqueue_dma source(%arg7 : memref<128x128xf32, #tpu.memory_space<vmem>>) target(%dma_start3A_410 : memref<128x128xf32, #tpu.memory_space<hbm>>) target_semaphore(%arg11 : memref<!tpu.dma_semaphore, #tpu.memory_space<semaphore_mem>>)
    %mul3A_411 = arith.constant 16 : i32
    %mul3A_412 = arith.muli %add3A, %mul3A_411 : i32
    %add3A_413 = arith.constant 14 : i32
    %add3A_414 = arith.addi %mul3A_412, %add3A_413 : i32
    %mul3A_415 = arith.constant 128 : i32
    %mul3A_416 = arith.muli %add3A_414, %mul3A_415 : i32
    %dma_start3A_417 = arith.constant 0 : i32
    %dma_start3A_418 = tpu.memref_slice %arg4[%mul3A_416, %dma_start3A_417] : memref<65536x128xf32, #tpu.memory_space<hbm>> -> memref<128x128xf32, #tpu.memory_space<hbm>>
    %dma_start3A_419 = arith.constant 0 : i32
    %dma_start3A_420 = tpu.memref_slice %arg4[%mul3A_416, %dma_start3A_419] : memref<65536x128xf32, #tpu.memory_space<hbm>> -> memref<128x128xf32, #tpu.memory_space<hbm>>
    tpu.enqueue_dma source(%arg8 : memref<128x128xf32, #tpu.memory_space<vmem>>) target(%dma_start3A_420 : memref<128x128xf32, #tpu.memory_space<hbm>>) target_semaphore(%arg11 : memref<!tpu.dma_semaphore, #tpu.memory_space<semaphore_mem>>)
    %mul3A_421 = arith.constant 16 : i32
    %mul3A_422 = arith.muli %add3A, %mul3A_421 : i32
    %add3A_423 = arith.constant 15 : i32
    %add3A_424 = arith.addi %mul3A_422, %add3A_423 : i32
    %mul3A_425 = arith.constant 128 : i32
    %mul3A_426 = arith.muli %add3A_424, %mul3A_425 : i32
    %dma_start3A_427 = arith.constant 0 : i32
    %dma_start3A_428 = tpu.memref_slice %arg4[%mul3A_426, %dma_start3A_427] : memref<65536x128xf32, #tpu.memory_space<hbm>> -> memref<128x128xf32, #tpu.memory_space<hbm>>
    %dma_start3A_429 = arith.constant 0 : i32
    %dma_start3A_430 = tpu.memref_slice %arg4[%mul3A_426, %dma_start3A_429] : memref<65536x128xf32, #tpu.memory_space<hbm>> -> memref<128x128xf32, #tpu.memory_space<hbm>>
    tpu.enqueue_dma source(%arg9 : memref<128x128xf32, #tpu.memory_space<vmem>>) target(%dma_start3A_430 : memref<128x128xf32, #tpu.memory_space<hbm>>) target_semaphore(%arg11 : memref<!tpu.dma_semaphore, #tpu.memory_space<semaphore_mem>>)
    %dma_wait3A_431 = arith.constant 0 : i32
    %dma_wait3A_432 = tpu.memref_slice %arg4[%mul3A_396, %dma_wait3A_431] : memref<65536x128xf32, #tpu.memory_space<hbm>> -> memref<128x128xf32, #tpu.memory_space<hbm>>
    %dma_wait3A_433 = arith.constant 0 : i32
    %dma_wait3A_434 = tpu.memref_slice %arg4[%mul3A_396, %dma_wait3A_433] : memref<65536x128xf32, #tpu.memory_space<hbm>> -> memref<128x128xf32, #tpu.memory_space<hbm>>
    tpu.wait_dma2 semaphore(%arg11 : memref<!tpu.dma_semaphore, #tpu.memory_space<semaphore_mem>>) src(%arg6 : memref<128x128xf32, #tpu.memory_space<vmem>>) dst(%dma_wait3A_434 : memref<128x128xf32, #tpu.memory_space<hbm>>)
    %dma_wait3A_435 = arith.constant 0 : i32
    %dma_wait3A_436 = tpu.memref_slice %arg4[%mul3A_406, %dma_wait3A_435] : memref<65536x128xf32, #tpu.memory_space<hbm>> -> memref<128x128xf32, #tpu.memory_space<hbm>>
    %dma_wait3A_437 = arith.constant 0 : i32
    %dma_wait3A_438 = tpu.memref_slice %arg4[%mul3A_406, %dma_wait3A_437] : memref<65536x128xf32, #tpu.memory_space<hbm>> -> memref<128x128xf32, #tpu.memory_space<hbm>>
    tpu.wait_dma2 semaphore(%arg11 : memref<!tpu.dma_semaphore, #tpu.memory_space<semaphore_mem>>) src(%arg7 : memref<128x128xf32, #tpu.memory_space<vmem>>) dst(%dma_wait3A_438 : memref<128x128xf32, #tpu.memory_space<hbm>>)
    %dma_wait3A_439 = arith.constant 0 : i32
    %dma_wait3A_440 = tpu.memref_slice %arg4[%mul3A_416, %dma_wait3A_439] : memref<65536x128xf32, #tpu.memory_space<hbm>> -> memref<128x128xf32, #tpu.memory_space<hbm>>
    %dma_wait3A_441 = arith.constant 0 : i32
    %dma_wait3A_442 = tpu.memref_slice %arg4[%mul3A_416, %dma_wait3A_441] : memref<65536x128xf32, #tpu.memory_space<hbm>> -> memref<128x128xf32, #tpu.memory_space<hbm>>
    tpu.wait_dma2 semaphore(%arg11 : memref<!tpu.dma_semaphore, #tpu.memory_space<semaphore_mem>>) src(%arg8 : memref<128x128xf32, #tpu.memory_space<vmem>>) dst(%dma_wait3A_442 : memref<128x128xf32, #tpu.memory_space<hbm>>)
    %dma_wait3A_443 = arith.constant 0 : i32
    %dma_wait3A_444 = tpu.memref_slice %arg4[%mul3A_426, %dma_wait3A_443] : memref<65536x128xf32, #tpu.memory_space<hbm>> -> memref<128x128xf32, #tpu.memory_space<hbm>>
    %dma_wait3A_445 = arith.constant 0 : i32
    %dma_wait3A_446 = tpu.memref_slice %arg4[%mul3A_426, %dma_wait3A_445] : memref<65536x128xf32, #tpu.memory_space<hbm>> -> memref<128x128xf32, #tpu.memory_space<hbm>>
    tpu.wait_dma2 semaphore(%arg11 : memref<!tpu.dma_semaphore, #tpu.memory_space<semaphore_mem>>) src(%arg9 : memref<128x128xf32, #tpu.memory_space<vmem>>) dst(%dma_wait3A_446 : memref<128x128xf32, #tpu.memory_space<hbm>>)
    return
  }
}

#map = affine_map<(d0, d1) -> (0, 0)>
#map1 = affine_map<(d0, d1) -> (0, 0, 0)>
module attributes {stable_mosaic.version = 14 : i64} {
  func.func @k(%arg0: i32, %arg1: i32, %arg2: memref<8192x128xf32, #tpu.memory_space<hbm>>, %arg3: memref<32x16x128xi32, #tpu.memory_space<hbm>>, %arg4: memref<65536x128xf32, #tpu.memory_space<hbm>>, %arg5: memref<16x128xi32, #tpu.memory_space<vmem>>, %arg6: memref<128x128xf32, #tpu.memory_space<vmem>>, %arg7: memref<128x128xf32, #tpu.memory_space<vmem>>, %arg8: memref<128x128xf32, #tpu.memory_space<vmem>>, %arg9: memref<128x128xf32, #tpu.memory_space<vmem>>, %arg10: memref<!tpu.dma_semaphore, #tpu.memory_space<semaphore_mem>>, %arg11: memref<!tpu.dma_semaphore, #tpu.memory_space<semaphore_mem>>) attributes {dimension_semantics = [#tpu.dimension_semantics<core_parallel>, #tpu.dimension_semantics<subcore_parallel>], iteration_bounds = array<i64: 2, 16>, scalar_prefetch = 0 : i64, scratch_operands = 7 : i64, tpu.core_type = #tpu.core_type<sc_vector_subcore>, window_params = [{transform_indices = #map}, {transform_indices = #map1}, {transform_indices = #map}]} {
    %mul3A = arith.constant 2 : i32
    %mul3A_0 = arith.muli %arg1, %mul3A : i32
    %add3A = arith.addi %mul3A_0, %arg0 : i32
    "tpu.region"() ({
      %run_scoped3A = tpu.sem_alloc : memref<!tpu.dma_semaphore, #tpu.memory_space<semaphore_mem>>
      %dma_start3A_447 = arith.constant 0 : i32
      %dma_start3A_448 = arith.constant 0 : i32
      %dma_start3A_449 = tpu.memref_slice %arg3[%add3A, %dma_start3A_447, %dma_start3A_448] : memref<32x16x128xi32, #tpu.memory_space<hbm>> -> memref<1x16x128xi32, #tpu.memory_space<hbm>>
      %dma_start3A_450 = tpu.memref_squeeze %dma_start3A_449 : memref<1x16x128xi32, #tpu.memory_space<hbm>> -> memref<16x128xi32, #tpu.memory_space<hbm>>
      %dma_start3A_451 = arith.constant 0 : i32
      %dma_start3A_452 = arith.constant 0 : i32
      %dma_start3A_453 = tpu.memref_slice %arg3[%add3A, %dma_start3A_451, %dma_start3A_452] : memref<32x16x128xi32, #tpu.memory_space<hbm>> -> memref<1x16x128xi32, #tpu.memory_space<hbm>>
      %dma_start3A_454 = tpu.memref_squeeze %dma_start3A_453 : memref<1x16x128xi32, #tpu.memory_space<hbm>> -> memref<16x128xi32, #tpu.memory_space<hbm>>
      tpu.enqueue_dma source(%dma_start3A_454 : memref<16x128xi32, #tpu.memory_space<hbm>>) target(%arg5 : memref<16x128xi32, #tpu.memory_space<vmem>>) target_semaphore(%run_scoped3A : memref<!tpu.dma_semaphore, #tpu.memory_space<semaphore_mem>>)
      %dma_wait3A_455 = arith.constant 0 : i32
      %dma_wait3A_456 = arith.constant 0 : i32
      %dma_wait3A_457 = tpu.memref_slice %arg3[%add3A, %dma_wait3A_455, %dma_wait3A_456] : memref<32x16x128xi32, #tpu.memory_space<hbm>> -> memref<1x16x128xi32, #tpu.memory_space<hbm>>
      %dma_wait3A_458 = tpu.memref_squeeze %dma_wait3A_457 : memref<1x16x128xi32, #tpu.memory_space<hbm>> -> memref<16x128xi32, #tpu.memory_space<hbm>>
      %dma_wait3A_459 = arith.constant 0 : i32
      %dma_wait3A_460 = arith.constant 0 : i32
      %dma_wait3A_461 = tpu.memref_slice %arg3[%add3A, %dma_wait3A_459, %dma_wait3A_460] : memref<32x16x128xi32, #tpu.memory_space<hbm>> -> memref<1x16x128xi32, #tpu.memory_space<hbm>>
      %dma_wait3A_462 = tpu.memref_squeeze %dma_wait3A_461 : memref<1x16x128xi32, #tpu.memory_space<hbm>> -> memref<16x128xi32, #tpu.memory_space<hbm>>
      tpu.wait_dma2 semaphore(%run_scoped3A : memref<!tpu.dma_semaphore, #tpu.memory_space<semaphore_mem>>) src(%dma_wait3A_462 : memref<16x128xi32, #tpu.memory_space<hbm>>) dst(%arg5 : memref<16x128xi32, #tpu.memory_space<vmem>>)
      tpu.yield
    }) : () -> ()
    %dma_start3A = arith.constant 0 : i32
    %dma_start3A_1 = arith.constant 0 : i32
    %dma_start3A_2 = tpu.memref_slice %arg5[%dma_start3A, %dma_start3A_1] : memref<16x128xi32, #tpu.memory_space<vmem>> -> memref<1x128xi32, #tpu.memory_space<vmem>>
    %dma_start3A_3 = tpu.memref_squeeze %dma_start3A_2 : memref<1x128xi32, #tpu.memory_space<vmem>> -> memref<128xi32, #tpu.memory_space<vmem>>
    %dma_start3A_4 = arith.constant 0 : i32
    %dma_start3A_5 = arith.constant 0 : i32
    %dma_start3A_6 = tpu.memref_slice %arg2[%dma_start3A_4, %dma_start3A_5] : memref<8192x128xf32, #tpu.memory_space<hbm>> -> memref<8192x128xf32, #tpu.memory_space<hbm>>
    tpu.enqueue_indirect_dma source(%dma_start3A_6 : memref<8192x128xf32, #tpu.memory_space<hbm>>) target(%arg6 : memref<128x128xf32, #tpu.memory_space<vmem>>) offsets(%dma_start3A_3 : memref<128xi32, #tpu.memory_space<vmem>>) semaphore(%arg10 : memref<!tpu.dma_semaphore, #tpu.memory_space<semaphore_mem>>)
    %dma_start3A_7 = arith.constant 1 : i32
    %dma_start3A_8 = arith.constant 0 : i32
    %dma_start3A_9 = tpu.memref_slice %arg5[%dma_start3A_7, %dma_start3A_8] : memref<16x128xi32, #tpu.memory_space<vmem>> -> memref<1x128xi32, #tpu.memory_space<vmem>>
    %dma_start3A_10 = tpu.memref_squeeze %dma_start3A_9 : memref<1x128xi32, #tpu.memory_space<vmem>> -> memref<128xi32, #tpu.memory_space<vmem>>
    %dma_start3A_11 = arith.constant 0 : i32
    %dma_start3A_12 = arith.constant 0 : i32
    %dma_start3A_13 = tpu.memref_slice %arg2[%dma_start3A_11, %dma_start3A_12] : memref<8192x128xf32, #tpu.memory_space<hbm>> -> memref<8192x128xf32, #tpu.memory_space<hbm>>
    tpu.enqueue_indirect_dma source(%dma_start3A_13 : memref<8192x128xf32, #tpu.memory_space<hbm>>) target(%arg7 : memref<128x128xf32, #tpu.memory_space<vmem>>) offsets(%dma_start3A_10 : memref<128xi32, #tpu.memory_space<vmem>>) semaphore(%arg10 : memref<!tpu.dma_semaphore, #tpu.memory_space<semaphore_mem>>)
    %dma_start3A_14 = arith.constant 2 : i32
    %dma_start3A_15 = arith.constant 0 : i32
    %dma_start3A_16 = tpu.memref_slice %arg5[%dma_start3A_14, %dma_start3A_15] : memref<16x128xi32, #tpu.memory_space<vmem>> -> memref<1x128xi32, #tpu.memory_space<vmem>>
    %dma_start3A_17 = tpu.memref_squeeze %dma_start3A_16 : memref<1x128xi32, #tpu.memory_space<vmem>> -> memref<128xi32, #tpu.memory_space<vmem>>
    %dma_start3A_18 = arith.constant 0 : i32
    %dma_start3A_19 = arith.constant 0 : i32
    %dma_start3A_20 = tpu.memref_slice %arg2[%dma_start3A_18, %dma_start3A_19] : memref<8192x128xf32, #tpu.memory_space<hbm>> -> memref<8192x128xf32, #tpu.memory_space<hbm>>
    tpu.enqueue_indirect_dma source(%dma_start3A_20 : memref<8192x128xf32, #tpu.memory_space<hbm>>) target(%arg8 : memref<128x128xf32, #tpu.memory_space<vmem>>) offsets(%dma_start3A_17 : memref<128xi32, #tpu.memory_space<vmem>>) semaphore(%arg10 : memref<!tpu.dma_semaphore, #tpu.memory_space<semaphore_mem>>)
    %dma_start3A_21 = arith.constant 3 : i32
    %dma_start3A_22 = arith.constant 0 : i32
    %dma_start3A_23 = tpu.memref_slice %arg5[%dma_start3A_21, %dma_start3A_22] : memref<16x128xi32, #tpu.memory_space<vmem>> -> memref<1x128xi32, #tpu.memory_space<vmem>>
    %dma_start3A_24 = tpu.memref_squeeze %dma_start3A_23 : memref<1x128xi32, #tpu.memory_space<vmem>> -> memref<128xi32, #tpu.memory_space<vmem>>
    %dma_start3A_25 = arith.constant 0 : i32
    %dma_start3A_26 = arith.constant 0 : i32
    %dma_start3A_27 = tpu.memref_slice %arg2[%dma_start3A_25, %dma_start3A_26] : memref<8192x128xf32, #tpu.memory_space<hbm>> -> memref<8192x128xf32, #tpu.memory_space<hbm>>
    tpu.enqueue_indirect_dma source(%dma_start3A_27 : memref<8192x128xf32, #tpu.memory_space<hbm>>) target(%arg9 : memref<128x128xf32, #tpu.memory_space<vmem>>) offsets(%dma_start3A_24 : memref<128xi32, #tpu.memory_space<vmem>>) semaphore(%arg10 : memref<!tpu.dma_semaphore, #tpu.memory_space<semaphore_mem>>)
    %dma_wait3A = arith.constant 0 : i32
    %dma_wait3A_28 = arith.constant 0 : i32
    %dma_wait3A_29 = tpu.memref_slice %arg5[%dma_wait3A, %dma_wait3A_28] : memref<16x128xi32, #tpu.memory_space<vmem>> -> memref<1x128xi32, #tpu.memory_space<vmem>>
    %dma_wait3A_30 = tpu.memref_squeeze %dma_wait3A_29 : memref<1x128xi32, #tpu.memory_space<vmem>> -> memref<128xi32, #tpu.memory_space<vmem>>
    %dma_wait3A_31 = arith.constant 0 : i32
    %dma_wait3A_32 = arith.constant 0 : i32
    %dma_wait3A_33 = tpu.memref_slice %arg2[%dma_wait3A_31, %dma_wait3A_32] : memref<8192x128xf32, #tpu.memory_space<hbm>> -> memref<8192x128xf32, #tpu.memory_space<hbm>>
    tpu.wait_indirect_dma semaphore(%arg10 : memref<!tpu.dma_semaphore, #tpu.memory_space<semaphore_mem>>) src(%dma_wait3A_33 : memref<8192x128xf32, #tpu.memory_space<hbm>>) dst(%arg6 : memref<128x128xf32, #tpu.memory_space<vmem>>)
    %dma_wait3A_34 = arith.constant 1 : i32
    %dma_wait3A_35 = arith.constant 0 : i32
    %dma_wait3A_36 = tpu.memref_slice %arg5[%dma_wait3A_34, %dma_wait3A_35] : memref<16x128xi32, #tpu.memory_space<vmem>> -> memref<1x128xi32, #tpu.memory_space<vmem>>
    %dma_wait3A_37 = tpu.memref_squeeze %dma_wait3A_36 : memref<1x128xi32, #tpu.memory_space<vmem>> -> memref<128xi32, #tpu.memory_space<vmem>>
    %dma_wait3A_38 = arith.constant 0 : i32
    %dma_wait3A_39 = arith.constant 0 : i32
    %dma_wait3A_40 = tpu.memref_slice %arg2[%dma_wait3A_38, %dma_wait3A_39] : memref<8192x128xf32, #tpu.memory_space<hbm>> -> memref<8192x128xf32, #tpu.memory_space<hbm>>
    tpu.wait_indirect_dma semaphore(%arg10 : memref<!tpu.dma_semaphore, #tpu.memory_space<semaphore_mem>>) src(%dma_wait3A_40 : memref<8192x128xf32, #tpu.memory_space<hbm>>) dst(%arg7 : memref<128x128xf32, #tpu.memory_space<vmem>>)
    %dma_wait3A_41 = arith.constant 2 : i32
    %dma_wait3A_42 = arith.constant 0 : i32
    %dma_wait3A_43 = tpu.memref_slice %arg5[%dma_wait3A_41, %dma_wait3A_42] : memref<16x128xi32, #tpu.memory_space<vmem>> -> memref<1x128xi32, #tpu.memory_space<vmem>>
    %dma_wait3A_44 = tpu.memref_squeeze %dma_wait3A_43 : memref<1x128xi32, #tpu.memory_space<vmem>> -> memref<128xi32, #tpu.memory_space<vmem>>
    %dma_wait3A_45 = arith.constant 0 : i32
    %dma_wait3A_46 = arith.constant 0 : i32
    %dma_wait3A_47 = tpu.memref_slice %arg2[%dma_wait3A_45, %dma_wait3A_46] : memref<8192x128xf32, #tpu.memory_space<hbm>> -> memref<8192x128xf32, #tpu.memory_space<hbm>>
    tpu.wait_indirect_dma semaphore(%arg10 : memref<!tpu.dma_semaphore, #tpu.memory_space<semaphore_mem>>) src(%dma_wait3A_47 : memref<8192x128xf32, #tpu.memory_space<hbm>>) dst(%arg8 : memref<128x128xf32, #tpu.memory_space<vmem>>)
    %dma_wait3A_48 = arith.constant 3 : i32
    %dma_wait3A_49 = arith.constant 0 : i32
    %dma_wait3A_50 = tpu.memref_slice %arg5[%dma_wait3A_48, %dma_wait3A_49] : memref<16x128xi32, #tpu.memory_space<vmem>> -> memref<1x128xi32, #tpu.memory_space<vmem>>
    %dma_wait3A_51 = tpu.memref_squeeze %dma_wait3A_50 : memref<1x128xi32, #tpu.memory_space<vmem>> -> memref<128xi32, #tpu.memory_space<vmem>>
    %dma_wait3A_52 = arith.constant 0 : i32
    %dma_wait3A_53 = arith.constant 0 : i32
    %dma_wait3A_54 = tpu.memref_slice %arg2[%dma_wait3A_52, %dma_wait3A_53] : memref<8192x128xf32, #tpu.memory_space<hbm>> -> memref<8192x128xf32, #tpu.memory_space<hbm>>
    tpu.wait_indirect_dma semaphore(%arg10 : memref<!tpu.dma_semaphore, #tpu.memory_space<semaphore_mem>>) src(%dma_wait3A_54 : memref<8192x128xf32, #tpu.memory_space<hbm>>) dst(%arg9 : memref<128x128xf32, #tpu.memory_space<vmem>>)
    %mul3A_55 = arith.constant 16 : i32
    %mul3A_56 = arith.muli %add3A, %mul3A_55 : i32
    %add3A_57 = arith.constant 0 : i32
    %add3A_58 = arith.addi %mul3A_56, %add3A_57 : i32
    %mul3A_59 = arith.constant 128 : i32
    %mul3A_60 = arith.muli %add3A_58, %mul3A_59 : i32
    %dma_start3A_61 = arith.constant 0 : i32
    %dma_start3A_62 = tpu.memref_slice %arg4[%mul3A_60, %dma_start3A_61] : memref<65536x128xf32, #tpu.memory_space<hbm>> -> memref<128x128xf32, #tpu.memory_space<hbm>>
    %dma_start3A_63 = arith.constant 0 : i32
    %dma_start3A_64 = tpu.memref_slice %arg4[%mul3A_60, %dma_start3A_63] : memref<65536x128xf32, #tpu.memory_space<hbm>> -> memref<128x128xf32, #tpu.memory_space<hbm>>
    tpu.enqueue_dma source(%arg6 : memref<128x128xf32, #tpu.memory_space<vmem>>) target(%dma_start3A_64 : memref<128x128xf32, #tpu.memory_space<hbm>>) target_semaphore(%arg11 : memref<!tpu.dma_semaphore, #tpu.memory_space<semaphore_mem>>)
    %mul3A_65 = arith.constant 16 : i32
    %mul3A_66 = arith.muli %add3A, %mul3A_65 : i32
    %add3A_67 = arith.constant 1 : i32
    %add3A_68 = arith.addi %mul3A_66, %add3A_67 : i32
    %mul3A_69 = arith.constant 128 : i32
    %mul3A_70 = arith.muli %add3A_68, %mul3A_69 : i32
    %dma_start3A_71 = arith.constant 0 : i32
    %dma_start3A_72 = tpu.memref_slice %arg4[%mul3A_70, %dma_start3A_71] : memref<65536x128xf32, #tpu.memory_space<hbm>> -> memref<128x128xf32, #tpu.memory_space<hbm>>
    %dma_start3A_73 = arith.constant 0 : i32
    %dma_start3A_74 = tpu.memref_slice %arg4[%mul3A_70, %dma_start3A_73] : memref<65536x128xf32, #tpu.memory_space<hbm>> -> memref<128x128xf32, #tpu.memory_space<hbm>>
    tpu.enqueue_dma source(%arg7 : memref<128x128xf32, #tpu.memory_space<vmem>>) target(%dma_start3A_74 : memref<128x128xf32, #tpu.memory_space<hbm>>) target_semaphore(%arg11 : memref<!tpu.dma_semaphore, #tpu.memory_space<semaphore_mem>>)
    %mul3A_75 = arith.constant 16 : i32
    %mul3A_76 = arith.muli %add3A, %mul3A_75 : i32
    %add3A_77 = arith.constant 2 : i32
    %add3A_78 = arith.addi %mul3A_76, %add3A_77 : i32
    %mul3A_79 = arith.constant 128 : i32
    %mul3A_80 = arith.muli %add3A_78, %mul3A_79 : i32
    %dma_start3A_81 = arith.constant 0 : i32
    %dma_start3A_82 = tpu.memref_slice %arg4[%mul3A_80, %dma_start3A_81] : memref<65536x128xf32, #tpu.memory_space<hbm>> -> memref<128x128xf32, #tpu.memory_space<hbm>>
    %dma_start3A_83 = arith.constant 0 : i32
    %dma_start3A_84 = tpu.memref_slice %arg4[%mul3A_80, %dma_start3A_83] : memref<65536x128xf32, #tpu.memory_space<hbm>> -> memref<128x128xf32, #tpu.memory_space<hbm>>
    tpu.enqueue_dma source(%arg8 : memref<128x128xf32, #tpu.memory_space<vmem>>) target(%dma_start3A_84 : memref<128x128xf32, #tpu.memory_space<hbm>>) target_semaphore(%arg11 : memref<!tpu.dma_semaphore, #tpu.memory_space<semaphore_mem>>)
    %mul3A_85 = arith.constant 16 : i32
    %mul3A_86 = arith.muli %add3A, %mul3A_85 : i32
    %add3A_87 = arith.constant 3 : i32
    %add3A_88 = arith.addi %mul3A_86, %add3A_87 : i32
    %mul3A_89 = arith.constant 128 : i32
    %mul3A_90 = arith.muli %add3A_88, %mul3A_89 : i32
    %dma_start3A_91 = arith.constant 0 : i32
    %dma_start3A_92 = tpu.memref_slice %arg4[%mul3A_90, %dma_start3A_91] : memref<65536x128xf32, #tpu.memory_space<hbm>> -> memref<128x128xf32, #tpu.memory_space<hbm>>
    %dma_start3A_93 = arith.constant 0 : i32
    %dma_start3A_94 = tpu.memref_slice %arg4[%mul3A_90, %dma_start3A_93] : memref<65536x128xf32, #tpu.memory_space<hbm>> -> memref<128x128xf32, #tpu.memory_space<hbm>>
    tpu.enqueue_dma source(%arg9 : memref<128x128xf32, #tpu.memory_space<vmem>>) target(%dma_start3A_94 : memref<128x128xf32, #tpu.memory_space<hbm>>) target_semaphore(%arg11 : memref<!tpu.dma_semaphore, #tpu.memory_space<semaphore_mem>>)
    %dma_wait3A_95 = arith.constant 0 : i32
    %dma_wait3A_96 = tpu.memref_slice %arg4[%mul3A_60, %dma_wait3A_95] : memref<65536x128xf32, #tpu.memory_space<hbm>> -> memref<128x128xf32, #tpu.memory_space<hbm>>
    %dma_wait3A_97 = arith.constant 0 : i32
    %dma_wait3A_98 = tpu.memref_slice %arg4[%mul3A_60, %dma_wait3A_97] : memref<65536x128xf32, #tpu.memory_space<hbm>> -> memref<128x128xf32, #tpu.memory_space<hbm>>
    tpu.wait_dma2 semaphore(%arg11 : memref<!tpu.dma_semaphore, #tpu.memory_space<semaphore_mem>>) src(%arg6 : memref<128x128xf32, #tpu.memory_space<vmem>>) dst(%dma_wait3A_98 : memref<128x128xf32, #tpu.memory_space<hbm>>)
    %dma_wait3A_99 = arith.constant 0 : i32
    %dma_wait3A_100 = tpu.memref_slice %arg4[%mul3A_70, %dma_wait3A_99] : memref<65536x128xf32, #tpu.memory_space<hbm>> -> memref<128x128xf32, #tpu.memory_space<hbm>>
    %dma_wait3A_101 = arith.constant 0 : i32
    %dma_wait3A_102 = tpu.memref_slice %arg4[%mul3A_70, %dma_wait3A_101] : memref<65536x128xf32, #tpu.memory_space<hbm>> -> memref<128x128xf32, #tpu.memory_space<hbm>>
    tpu.wait_dma2 semaphore(%arg11 : memref<!tpu.dma_semaphore, #tpu.memory_space<semaphore_mem>>) src(%arg7 : memref<128x128xf32, #tpu.memory_space<vmem>>) dst(%dma_wait3A_102 : memref<128x128xf32, #tpu.memory_space<hbm>>)
    %dma_wait3A_103 = arith.constant 0 : i32
    %dma_wait3A_104 = tpu.memref_slice %arg4[%mul3A_80, %dma_wait3A_103] : memref<65536x128xf32, #tpu.memory_space<hbm>> -> memref<128x128xf32, #tpu.memory_space<hbm>>
    %dma_wait3A_105 = arith.constant 0 : i32
    %dma_wait3A_106 = tpu.memref_slice %arg4[%mul3A_80, %dma_wait3A_105] : memref<65536x128xf32, #tpu.memory_space<hbm>> -> memref<128x128xf32, #tpu.memory_space<hbm>>
    tpu.wait_dma2 semaphore(%arg11 : memref<!tpu.dma_semaphore, #tpu.memory_space<semaphore_mem>>) src(%arg8 : memref<128x128xf32, #tpu.memory_space<vmem>>) dst(%dma_wait3A_106 : memref<128x128xf32, #tpu.memory_space<hbm>>)
    %dma_wait3A_107 = arith.constant 0 : i32
    %dma_wait3A_108 = tpu.memref_slice %arg4[%mul3A_90, %dma_wait3A_107] : memref<65536x128xf32, #tpu.memory_space<hbm>> -> memref<128x128xf32, #tpu.memory_space<hbm>>
    %dma_wait3A_109 = arith.constant 0 : i32
    %dma_wait3A_110 = tpu.memref_slice %arg4[%mul3A_90, %dma_wait3A_109] : memref<65536x128xf32, #tpu.memory_space<hbm>> -> memref<128x128xf32, #tpu.memory_space<hbm>>
    tpu.wait_dma2 semaphore(%arg11 : memref<!tpu.dma_semaphore, #tpu.memory_space<semaphore_mem>>) src(%arg9 : memref<128x128xf32, #tpu.memory_space<vmem>>) dst(%dma_wait3A_110 : memref<128x128xf32, #tpu.memory_space<hbm>>)
    %dma_start3A_111 = arith.constant 4 : i32
    %dma_start3A_112 = arith.constant 0 : i32
    %dma_start3A_113 = tpu.memref_slice %arg5[%dma_start3A_111, %dma_start3A_112] : memref<16x128xi32, #tpu.memory_space<vmem>> -> memref<1x128xi32, #tpu.memory_space<vmem>>
    %dma_start3A_114 = tpu.memref_squeeze %dma_start3A_113 : memref<1x128xi32, #tpu.memory_space<vmem>> -> memref<128xi32, #tpu.memory_space<vmem>>
    %dma_start3A_115 = arith.constant 0 : i32
    %dma_start3A_116 = arith.constant 0 : i32
    %dma_start3A_117 = tpu.memref_slice %arg2[%dma_start3A_115, %dma_start3A_116] : memref<8192x128xf32, #tpu.memory_space<hbm>> -> memref<8192x128xf32, #tpu.memory_space<hbm>>
    tpu.enqueue_indirect_dma source(%dma_start3A_117 : memref<8192x128xf32, #tpu.memory_space<hbm>>) target(%arg6 : memref<128x128xf32, #tpu.memory_space<vmem>>) offsets(%dma_start3A_114 : memref<128xi32, #tpu.memory_space<vmem>>) semaphore(%arg10 : memref<!tpu.dma_semaphore, #tpu.memory_space<semaphore_mem>>)
    %dma_start3A_118 = arith.constant 5 : i32
    %dma_start3A_119 = arith.constant 0 : i32
    %dma_start3A_120 = tpu.memref_slice %arg5[%dma_start3A_118, %dma_start3A_119] : memref<16x128xi32, #tpu.memory_space<vmem>> -> memref<1x128xi32, #tpu.memory_space<vmem>>
    %dma_start3A_121 = tpu.memref_squeeze %dma_start3A_120 : memref<1x128xi32, #tpu.memory_space<vmem>> -> memref<128xi32, #tpu.memory_space<vmem>>
    %dma_start3A_122 = arith.constant 0 : i32
    %dma_start3A_123 = arith.constant 0 : i32
    %dma_start3A_124 = tpu.memref_slice %arg2[%dma_start3A_122, %dma_start3A_123] : memref<8192x128xf32, #tpu.memory_space<hbm>> -> memref<8192x128xf32, #tpu.memory_space<hbm>>
    tpu.enqueue_indirect_dma source(%dma_start3A_124 : memref<8192x128xf32, #tpu.memory_space<hbm>>) target(%arg7 : memref<128x128xf32, #tpu.memory_space<vmem>>) offsets(%dma_start3A_121 : memref<128xi32, #tpu.memory_space<vmem>>) semaphore(%arg10 : memref<!tpu.dma_semaphore, #tpu.memory_space<semaphore_mem>>)
    %dma_start3A_125 = arith.constant 6 : i32
    %dma_start3A_126 = arith.constant 0 : i32
    %dma_start3A_127 = tpu.memref_slice %arg5[%dma_start3A_125, %dma_start3A_126] : memref<16x128xi32, #tpu.memory_space<vmem>> -> memref<1x128xi32, #tpu.memory_space<vmem>>
    %dma_start3A_128 = tpu.memref_squeeze %dma_start3A_127 : memref<1x128xi32, #tpu.memory_space<vmem>> -> memref<128xi32, #tpu.memory_space<vmem>>
    %dma_start3A_129 = arith.constant 0 : i32
    %dma_start3A_130 = arith.constant 0 : i32
    %dma_start3A_131 = tpu.memref_slice %arg2[%dma_start3A_129, %dma_start3A_130] : memref<8192x128xf32, #tpu.memory_space<hbm>> -> memref<8192x128xf32, #tpu.memory_space<hbm>>
    tpu.enqueue_indirect_dma source(%dma_start3A_131 : memref<8192x128xf32, #tpu.memory_space<hbm>>) target(%arg8 : memref<128x128xf32, #tpu.memory_space<vmem>>) offsets(%dma_start3A_128 : memref<128xi32, #tpu.memory_space<vmem>>) semaphore(%arg10 : memref<!tpu.dma_semaphore, #tpu.memory_space<semaphore_mem>>)
    %dma_start3A_132 = arith.constant 7 : i32
    %dma_start3A_133 = arith.constant 0 : i32
    %dma_start3A_134 = tpu.memref_slice %arg5[%dma_start3A_132, %dma_start3A_133] : memref<16x128xi32, #tpu.memory_space<vmem>> -> memref<1x128xi32, #tpu.memory_space<vmem>>
    %dma_start3A_135 = tpu.memref_squeeze %dma_start3A_134 : memref<1x128xi32, #tpu.memory_space<vmem>> -> memref<128xi32, #tpu.memory_space<vmem>>
    %dma_start3A_136 = arith.constant 0 : i32
    %dma_start3A_137 = arith.constant 0 : i32
    %dma_start3A_138 = tpu.memref_slice %arg2[%dma_start3A_136, %dma_start3A_137] : memref<8192x128xf32, #tpu.memory_space<hbm>> -> memref<8192x128xf32, #tpu.memory_space<hbm>>
    tpu.enqueue_indirect_dma source(%dma_start3A_138 : memref<8192x128xf32, #tpu.memory_space<hbm>>) target(%arg9 : memref<128x128xf32, #tpu.memory_space<vmem>>) offsets(%dma_start3A_135 : memref<128xi32, #tpu.memory_space<vmem>>) semaphore(%arg10 : memref<!tpu.dma_semaphore, #tpu.memory_space<semaphore_mem>>)
    %dma_wait3A_139 = arith.constant 4 : i32
    %dma_wait3A_140 = arith.constant 0 : i32
    %dma_wait3A_141 = tpu.memref_slice %arg5[%dma_wait3A_139, %dma_wait3A_140] : memref<16x128xi32, #tpu.memory_space<vmem>> -> memref<1x128xi32, #tpu.memory_space<vmem>>
    %dma_wait3A_142 = tpu.memref_squeeze %dma_wait3A_141 : memref<1x128xi32, #tpu.memory_space<vmem>> -> memref<128xi32, #tpu.memory_space<vmem>>
    %dma_wait3A_143 = arith.constant 0 : i32
    %dma_wait3A_144 = arith.constant 0 : i32
    %dma_wait3A_145 = tpu.memref_slice %arg2[%dma_wait3A_143, %dma_wait3A_144] : memref<8192x128xf32, #tpu.memory_space<hbm>> -> memref<8192x128xf32, #tpu.memory_space<hbm>>
    tpu.wait_indirect_dma semaphore(%arg10 : memref<!tpu.dma_semaphore, #tpu.memory_space<semaphore_mem>>) src(%dma_wait3A_145 : memref<8192x128xf32, #tpu.memory_space<hbm>>) dst(%arg6 : memref<128x128xf32, #tpu.memory_space<vmem>>)
    %dma_wait3A_146 = arith.constant 5 : i32
    %dma_wait3A_147 = arith.constant 0 : i32
    %dma_wait3A_148 = tpu.memref_slice %arg5[%dma_wait3A_146, %dma_wait3A_147] : memref<16x128xi32, #tpu.memory_space<vmem>> -> memref<1x128xi32, #tpu.memory_space<vmem>>
    %dma_wait3A_149 = tpu.memref_squeeze %dma_wait3A_148 : memref<1x128xi32, #tpu.memory_space<vmem>> -> memref<128xi32, #tpu.memory_space<vmem>>
    %dma_wait3A_150 = arith.constant 0 : i32
    %dma_wait3A_151 = arith.constant 0 : i32
    %dma_wait3A_152 = tpu.memref_slice %arg2[%dma_wait3A_150, %dma_wait3A_151] : memref<8192x128xf32, #tpu.memory_space<hbm>> -> memref<8192x128xf32, #tpu.memory_space<hbm>>
    tpu.wait_indirect_dma semaphore(%arg10 : memref<!tpu.dma_semaphore, #tpu.memory_space<semaphore_mem>>) src(%dma_wait3A_152 : memref<8192x128xf32, #tpu.memory_space<hbm>>) dst(%arg7 : memref<128x128xf32, #tpu.memory_space<vmem>>)
    %dma_wait3A_153 = arith.constant 6 : i32
    %dma_wait3A_154 = arith.constant 0 : i32
    %dma_wait3A_155 = tpu.memref_slice %arg5[%dma_wait3A_153, %dma_wait3A_154] : memref<16x128xi32, #tpu.memory_space<vmem>> -> memref<1x128xi32, #tpu.memory_space<vmem>>
    %dma_wait3A_156 = tpu.memref_squeeze %dma_wait3A_155 : memref<1x128xi32, #tpu.memory_space<vmem>> -> memref<128xi32, #tpu.memory_space<vmem>>
    %dma_wait3A_157 = arith.constant 0 : i32
    %dma_wait3A_158 = arith.constant 0 : i32
    %dma_wait3A_159 = tpu.memref_slice %arg2[%dma_wait3A_157, %dma_wait3A_158] : memref<8192x128xf32, #tpu.memory_space<hbm>> -> memref<8192x128xf32, #tpu.memory_space<hbm>>
    tpu.wait_indirect_dma semaphore(%arg10 : memref<!tpu.dma_semaphore, #tpu.memory_space<semaphore_mem>>) src(%dma_wait3A_159 : memref<8192x128xf32, #tpu.memory_space<hbm>>) dst(%arg8 : memref<128x128xf32, #tpu.memory_space<vmem>>)
    %dma_wait3A_160 = arith.constant 7 : i32
    %dma_wait3A_161 = arith.constant 0 : i32
    %dma_wait3A_162 = tpu.memref_slice %arg5[%dma_wait3A_160, %dma_wait3A_161] : memref<16x128xi32, #tpu.memory_space<vmem>> -> memref<1x128xi32, #tpu.memory_space<vmem>>
    %dma_wait3A_163 = tpu.memref_squeeze %dma_wait3A_162 : memref<1x128xi32, #tpu.memory_space<vmem>> -> memref<128xi32, #tpu.memory_space<vmem>>
    %dma_wait3A_164 = arith.constant 0 : i32
    %dma_wait3A_165 = arith.constant 0 : i32
    %dma_wait3A_166 = tpu.memref_slice %arg2[%dma_wait3A_164, %dma_wait3A_165] : memref<8192x128xf32, #tpu.memory_space<hbm>> -> memref<8192x128xf32, #tpu.memory_space<hbm>>
    tpu.wait_indirect_dma semaphore(%arg10 : memref<!tpu.dma_semaphore, #tpu.memory_space<semaphore_mem>>) src(%dma_wait3A_166 : memref<8192x128xf32, #tpu.memory_space<hbm>>) dst(%arg9 : memref<128x128xf32, #tpu.memory_space<vmem>>)
    %mul3A_167 = arith.constant 16 : i32
    %mul3A_168 = arith.muli %add3A, %mul3A_167 : i32
    %add3A_169 = arith.constant 4 : i32
    %add3A_170 = arith.addi %mul3A_168, %add3A_169 : i32
    %mul3A_171 = arith.constant 128 : i32
    %mul3A_172 = arith.muli %add3A_170, %mul3A_171 : i32
    %dma_start3A_173 = arith.constant 0 : i32
    %dma_start3A_174 = tpu.memref_slice %arg4[%mul3A_172, %dma_start3A_173] : memref<65536x128xf32, #tpu.memory_space<hbm>> -> memref<128x128xf32, #tpu.memory_space<hbm>>
    %dma_start3A_175 = arith.constant 0 : i32
    %dma_start3A_176 = tpu.memref_slice %arg4[%mul3A_172, %dma_start3A_175] : memref<65536x128xf32, #tpu.memory_space<hbm>> -> memref<128x128xf32, #tpu.memory_space<hbm>>
    tpu.enqueue_dma source(%arg6 : memref<128x128xf32, #tpu.memory_space<vmem>>) target(%dma_start3A_176 : memref<128x128xf32, #tpu.memory_space<hbm>>) target_semaphore(%arg11 : memref<!tpu.dma_semaphore, #tpu.memory_space<semaphore_mem>>)
    %mul3A_177 = arith.constant 16 : i32
    %mul3A_178 = arith.muli %add3A, %mul3A_177 : i32
    %add3A_179 = arith.constant 5 : i32
    %add3A_180 = arith.addi %mul3A_178, %add3A_179 : i32
    %mul3A_181 = arith.constant 128 : i32
    %mul3A_182 = arith.muli %add3A_180, %mul3A_181 : i32
    %dma_start3A_183 = arith.constant 0 : i32
    %dma_start3A_184 = tpu.memref_slice %arg4[%mul3A_182, %dma_start3A_183] : memref<65536x128xf32, #tpu.memory_space<hbm>> -> memref<128x128xf32, #tpu.memory_space<hbm>>
    %dma_start3A_185 = arith.constant 0 : i32
    %dma_start3A_186 = tpu.memref_slice %arg4[%mul3A_182, %dma_start3A_185] : memref<65536x128xf32, #tpu.memory_space<hbm>> -> memref<128x128xf32, #tpu.memory_space<hbm>>
    tpu.enqueue_dma source(%arg7 : memref<128x128xf32, #tpu.memory_space<vmem>>) target(%dma_start3A_186 : memref<128x128xf32, #tpu.memory_space<hbm>>) target_semaphore(%arg11 : memref<!tpu.dma_semaphore, #tpu.memory_space<semaphore_mem>>)
    %mul3A_187 = arith.constant 16 : i32
    %mul3A_188 = arith.muli %add3A, %mul3A_187 : i32
    %add3A_189 = arith.constant 6 : i32
    %add3A_190 = arith.addi %mul3A_188, %add3A_189 : i32
    %mul3A_191 = arith.constant 128 : i32
    %mul3A_192 = arith.muli %add3A_190, %mul3A_191 : i32
    %dma_start3A_193 = arith.constant 0 : i32
    %dma_start3A_194 = tpu.memref_slice %arg4[%mul3A_192, %dma_start3A_193] : memref<65536x128xf32, #tpu.memory_space<hbm>> -> memref<128x128xf32, #tpu.memory_space<hbm>>
    %dma_start3A_195 = arith.constant 0 : i32
    %dma_start3A_196 = tpu.memref_slice %arg4[%mul3A_192, %dma_start3A_195] : memref<65536x128xf32, #tpu.memory_space<hbm>> -> memref<128x128xf32, #tpu.memory_space<hbm>>
    tpu.enqueue_dma source(%arg8 : memref<128x128xf32, #tpu.memory_space<vmem>>) target(%dma_start3A_196 : memref<128x128xf32, #tpu.memory_space<hbm>>) target_semaphore(%arg11 : memref<!tpu.dma_semaphore, #tpu.memory_space<semaphore_mem>>)
    %mul3A_197 = arith.constant 16 : i32
    %mul3A_198 = arith.muli %add3A, %mul3A_197 : i32
    %add3A_199 = arith.constant 7 : i32
    %add3A_200 = arith.addi %mul3A_198, %add3A_199 : i32
    %mul3A_201 = arith.constant 128 : i32
    %mul3A_202 = arith.muli %add3A_200, %mul3A_201 : i32
    %dma_start3A_203 = arith.constant 0 : i32
    %dma_start3A_204 = tpu.memref_slice %arg4[%mul3A_202, %dma_start3A_203] : memref<65536x128xf32, #tpu.memory_space<hbm>> -> memref<128x128xf32, #tpu.memory_space<hbm>>
    %dma_start3A_205 = arith.constant 0 : i32
    %dma_start3A_206 = tpu.memref_slice %arg4[%mul3A_202, %dma_start3A_205] : memref<65536x128xf32, #tpu.memory_space<hbm>> -> memref<128x128xf32, #tpu.memory_space<hbm>>
    tpu.enqueue_dma source(%arg9 : memref<128x128xf32, #tpu.memory_space<vmem>>) target(%dma_start3A_206 : memref<128x128xf32, #tpu.memory_space<hbm>>) target_semaphore(%arg11 : memref<!tpu.dma_semaphore, #tpu.memory_space<semaphore_mem>>)
    %dma_wait3A_207 = arith.constant 0 : i32
    %dma_wait3A_208 = tpu.memref_slice %arg4[%mul3A_172, %dma_wait3A_207] : memref<65536x128xf32, #tpu.memory_space<hbm>> -> memref<128x128xf32, #tpu.memory_space<hbm>>
    %dma_wait3A_209 = arith.constant 0 : i32
    %dma_wait3A_210 = tpu.memref_slice %arg4[%mul3A_172, %dma_wait3A_209] : memref<65536x128xf32, #tpu.memory_space<hbm>> -> memref<128x128xf32, #tpu.memory_space<hbm>>
    tpu.wait_dma2 semaphore(%arg11 : memref<!tpu.dma_semaphore, #tpu.memory_space<semaphore_mem>>) src(%arg6 : memref<128x128xf32, #tpu.memory_space<vmem>>) dst(%dma_wait3A_210 : memref<128x128xf32, #tpu.memory_space<hbm>>)
    %dma_wait3A_211 = arith.constant 0 : i32
    %dma_wait3A_212 = tpu.memref_slice %arg4[%mul3A_182, %dma_wait3A_211] : memref<65536x128xf32, #tpu.memory_space<hbm>> -> memref<128x128xf32, #tpu.memory_space<hbm>>
    %dma_wait3A_213 = arith.constant 0 : i32
    %dma_wait3A_214 = tpu.memref_slice %arg4[%mul3A_182, %dma_wait3A_213] : memref<65536x128xf32, #tpu.memory_space<hbm>> -> memref<128x128xf32, #tpu.memory_space<hbm>>
    tpu.wait_dma2 semaphore(%arg11 : memref<!tpu.dma_semaphore, #tpu.memory_space<semaphore_mem>>) src(%arg7 : memref<128x128xf32, #tpu.memory_space<vmem>>) dst(%dma_wait3A_214 : memref<128x128xf32, #tpu.memory_space<hbm>>)
    %dma_wait3A_215 = arith.constant 0 : i32
    %dma_wait3A_216 = tpu.memref_slice %arg4[%mul3A_192, %dma_wait3A_215] : memref<65536x128xf32, #tpu.memory_space<hbm>> -> memref<128x128xf32, #tpu.memory_space<hbm>>
    %dma_wait3A_217 = arith.constant 0 : i32
    %dma_wait3A_218 = tpu.memref_slice %arg4[%mul3A_192, %dma_wait3A_217] : memref<65536x128xf32, #tpu.memory_space<hbm>> -> memref<128x128xf32, #tpu.memory_space<hbm>>
    tpu.wait_dma2 semaphore(%arg11 : memref<!tpu.dma_semaphore, #tpu.memory_space<semaphore_mem>>) src(%arg8 : memref<128x128xf32, #tpu.memory_space<vmem>>) dst(%dma_wait3A_218 : memref<128x128xf32, #tpu.memory_space<hbm>>)
    %dma_wait3A_219 = arith.constant 0 : i32
    %dma_wait3A_220 = tpu.memref_slice %arg4[%mul3A_202, %dma_wait3A_219] : memref<65536x128xf32, #tpu.memory_space<hbm>> -> memref<128x128xf32, #tpu.memory_space<hbm>>
    %dma_wait3A_221 = arith.constant 0 : i32
    %dma_wait3A_222 = tpu.memref_slice %arg4[%mul3A_202, %dma_wait3A_221] : memref<65536x128xf32, #tpu.memory_space<hbm>> -> memref<128x128xf32, #tpu.memory_space<hbm>>
    tpu.wait_dma2 semaphore(%arg11 : memref<!tpu.dma_semaphore, #tpu.memory_space<semaphore_mem>>) src(%arg9 : memref<128x128xf32, #tpu.memory_space<vmem>>) dst(%dma_wait3A_222 : memref<128x128xf32, #tpu.memory_space<hbm>>)
    %dma_start3A_223 = arith.constant 8 : i32
    %dma_start3A_224 = arith.constant 0 : i32
    %dma_start3A_225 = tpu.memref_slice %arg5[%dma_start3A_223, %dma_start3A_224] : memref<16x128xi32, #tpu.memory_space<vmem>> -> memref<1x128xi32, #tpu.memory_space<vmem>>
    %dma_start3A_226 = tpu.memref_squeeze %dma_start3A_225 : memref<1x128xi32, #tpu.memory_space<vmem>> -> memref<128xi32, #tpu.memory_space<vmem>>
    %dma_start3A_227 = arith.constant 0 : i32
    %dma_start3A_228 = arith.constant 0 : i32
    %dma_start3A_229 = tpu.memref_slice %arg2[%dma_start3A_227, %dma_start3A_228] : memref<8192x128xf32, #tpu.memory_space<hbm>> -> memref<8192x128xf32, #tpu.memory_space<hbm>>
    tpu.enqueue_indirect_dma source(%dma_start3A_229 : memref<8192x128xf32, #tpu.memory_space<hbm>>) target(%arg6 : memref<128x128xf32, #tpu.memory_space<vmem>>) offsets(%dma_start3A_226 : memref<128xi32, #tpu.memory_space<vmem>>) semaphore(%arg10 : memref<!tpu.dma_semaphore, #tpu.memory_space<semaphore_mem>>)
    %dma_start3A_230 = arith.constant 9 : i32
    %dma_start3A_231 = arith.constant 0 : i32
    %dma_start3A_232 = tpu.memref_slice %arg5[%dma_start3A_230, %dma_start3A_231] : memref<16x128xi32, #tpu.memory_space<vmem>> -> memref<1x128xi32, #tpu.memory_space<vmem>>
    %dma_start3A_233 = tpu.memref_squeeze %dma_start3A_232 : memref<1x128xi32, #tpu.memory_space<vmem>> -> memref<128xi32, #tpu.memory_space<vmem>>
    %dma_start3A_234 = arith.constant 0 : i32
    %dma_start3A_235 = arith.constant 0 : i32
    %dma_start3A_236 = tpu.memref_slice %arg2[%dma_start3A_234, %dma_start3A_235] : memref<8192x128xf32, #tpu.memory_space<hbm>> -> memref<8192x128xf32, #tpu.memory_space<hbm>>
    tpu.enqueue_indirect_dma source(%dma_start3A_236 : memref<8192x128xf32, #tpu.memory_space<hbm>>) target(%arg7 : memref<128x128xf32, #tpu.memory_space<vmem>>) offsets(%dma_start3A_233 : memref<128xi32, #tpu.memory_space<vmem>>) semaphore(%arg10 : memref<!tpu.dma_semaphore, #tpu.memory_space<semaphore_mem>>)
    %dma_start3A_237 = arith.constant 10 : i32
    %dma_start3A_238 = arith.constant 0 : i32
    %dma_start3A_239 = tpu.memref_slice %arg5[%dma_start3A_237, %dma_start3A_238] : memref<16x128xi32, #tpu.memory_space<vmem>> -> memref<1x128xi32, #tpu.memory_space<vmem>>
    %dma_start3A_240 = tpu.memref_squeeze %dma_start3A_239 : memref<1x128xi32, #tpu.memory_space<vmem>> -> memref<128xi32, #tpu.memory_space<vmem>>
    %dma_start3A_241 = arith.constant 0 : i32
    %dma_start3A_242 = arith.constant 0 : i32
    %dma_start3A_243 = tpu.memref_slice %arg2[%dma_start3A_241, %dma_start3A_242] : memref<8192x128xf32, #tpu.memory_space<hbm>> -> memref<8192x128xf32, #tpu.memory_space<hbm>>
    tpu.enqueue_indirect_dma source(%dma_start3A_243 : memref<8192x128xf32, #tpu.memory_space<hbm>>) target(%arg8 : memref<128x128xf32, #tpu.memory_space<vmem>>) offsets(%dma_start3A_240 : memref<128xi32, #tpu.memory_space<vmem>>) semaphore(%arg10 : memref<!tpu.dma_semaphore, #tpu.memory_space<semaphore_mem>>)
    %dma_start3A_244 = arith.constant 11 : i32
    %dma_start3A_245 = arith.constant 0 : i32
    %dma_start3A_246 = tpu.memref_slice %arg5[%dma_start3A_244, %dma_start3A_245] : memref<16x128xi32, #tpu.memory_space<vmem>> -> memref<1x128xi32, #tpu.memory_space<vmem>>
    %dma_start3A_247 = tpu.memref_squeeze %dma_start3A_246 : memref<1x128xi32, #tpu.memory_space<vmem>> -> memref<128xi32, #tpu.memory_space<vmem>>
    %dma_start3A_248 = arith.constant 0 : i32
    %dma_start3A_249 = arith.constant 0 : i32
    %dma_start3A_250 = tpu.memref_slice %arg2[%dma_start3A_248, %dma_start3A_249] : memref<8192x128xf32, #tpu.memory_space<hbm>> -> memref<8192x128xf32, #tpu.memory_space<hbm>>
    tpu.enqueue_indirect_dma source(%dma_start3A_250 : memref<8192x128xf32, #tpu.memory_space<hbm>>) target(%arg9 : memref<128x128xf32, #tpu.memory_space<vmem>>) offsets(%dma_start3A_247 : memref<128xi32, #tpu.memory_space<vmem>>) semaphore(%arg10 : memref<!tpu.dma_semaphore, #tpu.memory_space<semaphore_mem>>)
    %dma_wait3A_251 = arith.constant 8 : i32
    %dma_wait3A_252 = arith.constant 0 : i32
    %dma_wait3A_253 = tpu.memref_slice %arg5[%dma_wait3A_251, %dma_wait3A_252] : memref<16x128xi32, #tpu.memory_space<vmem>> -> memref<1x128xi32, #tpu.memory_space<vmem>>
    %dma_wait3A_254 = tpu.memref_squeeze %dma_wait3A_253 : memref<1x128xi32, #tpu.memory_space<vmem>> -> memref<128xi32, #tpu.memory_space<vmem>>
    %dma_wait3A_255 = arith.constant 0 : i32
    %dma_wait3A_256 = arith.constant 0 : i32
    %dma_wait3A_257 = tpu.memref_slice %arg2[%dma_wait3A_255, %dma_wait3A_256] : memref<8192x128xf32, #tpu.memory_space<hbm>> -> memref<8192x128xf32, #tpu.memory_space<hbm>>
    tpu.wait_indirect_dma semaphore(%arg10 : memref<!tpu.dma_semaphore, #tpu.memory_space<semaphore_mem>>) src(%dma_wait3A_257 : memref<8192x128xf32, #tpu.memory_space<hbm>>) dst(%arg6 : memref<128x128xf32, #tpu.memory_space<vmem>>)
    %dma_wait3A_258 = arith.constant 9 : i32
    %dma_wait3A_259 = arith.constant 0 : i32
    %dma_wait3A_260 = tpu.memref_slice %arg5[%dma_wait3A_258, %dma_wait3A_259] : memref<16x128xi32, #tpu.memory_space<vmem>> -> memref<1x128xi32, #tpu.memory_space<vmem>>
    %dma_wait3A_261 = tpu.memref_squeeze %dma_wait3A_260 : memref<1x128xi32, #tpu.memory_space<vmem>> -> memref<128xi32, #tpu.memory_space<vmem>>
    %dma_wait3A_262 = arith.constant 0 : i32
    %dma_wait3A_263 = arith.constant 0 : i32
    %dma_wait3A_264 = tpu.memref_slice %arg2[%dma_wait3A_262, %dma_wait3A_263] : memref<8192x128xf32, #tpu.memory_space<hbm>> -> memref<8192x128xf32, #tpu.memory_space<hbm>>
    tpu.wait_indirect_dma semaphore(%arg10 : memref<!tpu.dma_semaphore, #tpu.memory_space<semaphore_mem>>) src(%dma_wait3A_264 : memref<8192x128xf32, #tpu.memory_space<hbm>>) dst(%arg7 : memref<128x128xf32, #tpu.memory_space<vmem>>)
    %dma_wait3A_265 = arith.constant 10 : i32
    %dma_wait3A_266 = arith.constant 0 : i32
    %dma_wait3A_267 = tpu.memref_slice %arg5[%dma_wait3A_265, %dma_wait3A_266] : memref<16x128xi32, #tpu.memory_space<vmem>> -> memref<1x128xi32, #tpu.memory_space<vmem>>
    %dma_wait3A_268 = tpu.memref_squeeze %dma_wait3A_267 : memref<1x128xi32, #tpu.memory_space<vmem>> -> memref<128xi32, #tpu.memory_space<vmem>>
    %dma_wait3A_269 = arith.constant 0 : i32
    %dma_wait3A_270 = arith.constant 0 : i32
    %dma_wait3A_271 = tpu.memref_slice %arg2[%dma_wait3A_269, %dma_wait3A_270] : memref<8192x128xf32, #tpu.memory_space<hbm>> -> memref<8192x128xf32, #tpu.memory_space<hbm>>
    tpu.wait_indirect_dma semaphore(%arg10 : memref<!tpu.dma_semaphore, #tpu.memory_space<semaphore_mem>>) src(%dma_wait3A_271 : memref<8192x128xf32, #tpu.memory_space<hbm>>) dst(%arg8 : memref<128x128xf32, #tpu.memory_space<vmem>>)
    %dma_wait3A_272 = arith.constant 11 : i32
    %dma_wait3A_273 = arith.constant 0 : i32
    %dma_wait3A_274 = tpu.memref_slice %arg5[%dma_wait3A_272, %dma_wait3A_273] : memref<16x128xi32, #tpu.memory_space<vmem>> -> memref<1x128xi32, #tpu.memory_space<vmem>>
    %dma_wait3A_275 = tpu.memref_squeeze %dma_wait3A_274 : memref<1x128xi32, #tpu.memory_space<vmem>> -> memref<128xi32, #tpu.memory_space<vmem>>
    %dma_wait3A_276 = arith.constant 0 : i32
    %dma_wait3A_277 = arith.constant 0 : i32
    %dma_wait3A_278 = tpu.memref_slice %arg2[%dma_wait3A_276, %dma_wait3A_277] : memref<8192x128xf32, #tpu.memory_space<hbm>> -> memref<8192x128xf32, #tpu.memory_space<hbm>>
    tpu.wait_indirect_dma semaphore(%arg10 : memref<!tpu.dma_semaphore, #tpu.memory_space<semaphore_mem>>) src(%dma_wait3A_278 : memref<8192x128xf32, #tpu.memory_space<hbm>>) dst(%arg9 : memref<128x128xf32, #tpu.memory_space<vmem>>)
    %mul3A_279 = arith.constant 16 : i32
    %mul3A_280 = arith.muli %add3A, %mul3A_279 : i32
    %add3A_281 = arith.constant 8 : i32
    %add3A_282 = arith.addi %mul3A_280, %add3A_281 : i32
    %mul3A_283 = arith.constant 128 : i32
    %mul3A_284 = arith.muli %add3A_282, %mul3A_283 : i32
    %dma_start3A_285 = arith.constant 0 : i32
    %dma_start3A_286 = tpu.memref_slice %arg4[%mul3A_284, %dma_start3A_285] : memref<65536x128xf32, #tpu.memory_space<hbm>> -> memref<128x128xf32, #tpu.memory_space<hbm>>
    %dma_start3A_287 = arith.constant 0 : i32
    %dma_start3A_288 = tpu.memref_slice %arg4[%mul3A_284, %dma_start3A_287] : memref<65536x128xf32, #tpu.memory_space<hbm>> -> memref<128x128xf32, #tpu.memory_space<hbm>>
    tpu.enqueue_dma source(%arg6 : memref<128x128xf32, #tpu.memory_space<vmem>>) target(%dma_start3A_288 : memref<128x128xf32, #tpu.memory_space<hbm>>) target_semaphore(%arg11 : memref<!tpu.dma_semaphore, #tpu.memory_space<semaphore_mem>>)
    %mul3A_289 = arith.constant 16 : i32
    %mul3A_290 = arith.muli %add3A, %mul3A_289 : i32
    %add3A_291 = arith.constant 9 : i32
    %add3A_292 = arith.addi %mul3A_290, %add3A_291 : i32
    %mul3A_293 = arith.constant 128 : i32
    %mul3A_294 = arith.muli %add3A_292, %mul3A_293 : i32
    %dma_start3A_295 = arith.constant 0 : i32
    %dma_start3A_296 = tpu.memref_slice %arg4[%mul3A_294, %dma_start3A_295] : memref<65536x128xf32, #tpu.memory_space<hbm>> -> memref<128x128xf32, #tpu.memory_space<hbm>>
    %dma_start3A_297 = arith.constant 0 : i32
    %dma_start3A_298 = tpu.memref_slice %arg4[%mul3A_294, %dma_start3A_297] : memref<65536x128xf32, #tpu.memory_space<hbm>> -> memref<128x128xf32, #tpu.memory_space<hbm>>
    tpu.enqueue_dma source(%arg7 : memref<128x128xf32, #tpu.memory_space<vmem>>) target(%dma_start3A_298 : memref<128x128xf32, #tpu.memory_space<hbm>>) target_semaphore(%arg11 : memref<!tpu.dma_semaphore, #tpu.memory_space<semaphore_mem>>)
    %mul3A_299 = arith.constant 16 : i32
    %mul3A_300 = arith.muli %add3A, %mul3A_299 : i32
    %add3A_301 = arith.constant 10 : i32
    %add3A_302 = arith.addi %mul3A_300, %add3A_301 : i32
    %mul3A_303 = arith.constant 128 : i32
    %mul3A_304 = arith.muli %add3A_302, %mul3A_303 : i32
    %dma_start3A_305 = arith.constant 0 : i32
    %dma_start3A_306 = tpu.memref_slice %arg4[%mul3A_304, %dma_start3A_305] : memref<65536x128xf32, #tpu.memory_space<hbm>> -> memref<128x128xf32, #tpu.memory_space<hbm>>
    %dma_start3A_307 = arith.constant 0 : i32
    %dma_start3A_308 = tpu.memref_slice %arg4[%mul3A_304, %dma_start3A_307] : memref<65536x128xf32, #tpu.memory_space<hbm>> -> memref<128x128xf32, #tpu.memory_space<hbm>>
    tpu.enqueue_dma source(%arg8 : memref<128x128xf32, #tpu.memory_space<vmem>>) target(%dma_start3A_308 : memref<128x128xf32, #tpu.memory_space<hbm>>) target_semaphore(%arg11 : memref<!tpu.dma_semaphore, #tpu.memory_space<semaphore_mem>>)
    %mul3A_309 = arith.constant 16 : i32
    %mul3A_310 = arith.muli %add3A, %mul3A_309 : i32
    %add3A_311 = arith.constant 11 : i32
    %add3A_312 = arith.addi %mul3A_310, %add3A_311 : i32
    %mul3A_313 = arith.constant 128 : i32
    %mul3A_314 = arith.muli %add3A_312, %mul3A_313 : i32
    %dma_start3A_315 = arith.constant 0 : i32
    %dma_start3A_316 = tpu.memref_slice %arg4[%mul3A_314, %dma_start3A_315] : memref<65536x128xf32, #tpu.memory_space<hbm>> -> memref<128x128xf32, #tpu.memory_space<hbm>>
    %dma_start3A_317 = arith.constant 0 : i32
    %dma_start3A_318 = tpu.memref_slice %arg4[%mul3A_314, %dma_start3A_317] : memref<65536x128xf32, #tpu.memory_space<hbm>> -> memref<128x128xf32, #tpu.memory_space<hbm>>
    tpu.enqueue_dma source(%arg9 : memref<128x128xf32, #tpu.memory_space<vmem>>) target(%dma_start3A_318 : memref<128x128xf32, #tpu.memory_space<hbm>>) target_semaphore(%arg11 : memref<!tpu.dma_semaphore, #tpu.memory_space<semaphore_mem>>)
    %dma_wait3A_319 = arith.constant 0 : i32
    %dma_wait3A_320 = tpu.memref_slice %arg4[%mul3A_284, %dma_wait3A_319] : memref<65536x128xf32, #tpu.memory_space<hbm>> -> memref<128x128xf32, #tpu.memory_space<hbm>>
    %dma_wait3A_321 = arith.constant 0 : i32
    %dma_wait3A_322 = tpu.memref_slice %arg4[%mul3A_284, %dma_wait3A_321] : memref<65536x128xf32, #tpu.memory_space<hbm>> -> memref<128x128xf32, #tpu.memory_space<hbm>>
    tpu.wait_dma2 semaphore(%arg11 : memref<!tpu.dma_semaphore, #tpu.memory_space<semaphore_mem>>) src(%arg6 : memref<128x128xf32, #tpu.memory_space<vmem>>) dst(%dma_wait3A_322 : memref<128x128xf32, #tpu.memory_space<hbm>>)
    %dma_wait3A_323 = arith.constant 0 : i32
    %dma_wait3A_324 = tpu.memref_slice %arg4[%mul3A_294, %dma_wait3A_323] : memref<65536x128xf32, #tpu.memory_space<hbm>> -> memref<128x128xf32, #tpu.memory_space<hbm>>
    %dma_wait3A_325 = arith.constant 0 : i32
    %dma_wait3A_326 = tpu.memref_slice %arg4[%mul3A_294, %dma_wait3A_325] : memref<65536x128xf32, #tpu.memory_space<hbm>> -> memref<128x128xf32, #tpu.memory_space<hbm>>
    tpu.wait_dma2 semaphore(%arg11 : memref<!tpu.dma_semaphore, #tpu.memory_space<semaphore_mem>>) src(%arg7 : memref<128x128xf32, #tpu.memory_space<vmem>>) dst(%dma_wait3A_326 : memref<128x128xf32, #tpu.memory_space<hbm>>)
    %dma_wait3A_327 = arith.constant 0 : i32
    %dma_wait3A_328 = tpu.memref_slice %arg4[%mul3A_304, %dma_wait3A_327] : memref<65536x128xf32, #tpu.memory_space<hbm>> -> memref<128x128xf32, #tpu.memory_space<hbm>>
    %dma_wait3A_329 = arith.constant 0 : i32
    %dma_wait3A_330 = tpu.memref_slice %arg4[%mul3A_304, %dma_wait3A_329] : memref<65536x128xf32, #tpu.memory_space<hbm>> -> memref<128x128xf32, #tpu.memory_space<hbm>>
    tpu.wait_dma2 semaphore(%arg11 : memref<!tpu.dma_semaphore, #tpu.memory_space<semaphore_mem>>) src(%arg8 : memref<128x128xf32, #tpu.memory_space<vmem>>) dst(%dma_wait3A_330 : memref<128x128xf32, #tpu.memory_space<hbm>>)
    %dma_wait3A_331 = arith.constant 0 : i32
    %dma_wait3A_332 = tpu.memref_slice %arg4[%mul3A_314, %dma_wait3A_331] : memref<65536x128xf32, #tpu.memory_space<hbm>> -> memref<128x128xf32, #tpu.memory_space<hbm>>
    %dma_wait3A_333 = arith.constant 0 : i32
    %dma_wait3A_334 = tpu.memref_slice %arg4[%mul3A_314, %dma_wait3A_333] : memref<65536x128xf32, #tpu.memory_space<hbm>> -> memref<128x128xf32, #tpu.memory_space<hbm>>
    tpu.wait_dma2 semaphore(%arg11 : memref<!tpu.dma_semaphore, #tpu.memory_space<semaphore_mem>>) src(%arg9 : memref<128x128xf32, #tpu.memory_space<vmem>>) dst(%dma_wait3A_334 : memref<128x128xf32, #tpu.memory_space<hbm>>)
    %dma_start3A_335 = arith.constant 12 : i32
    %dma_start3A_336 = arith.constant 0 : i32
    %dma_start3A_337 = tpu.memref_slice %arg5[%dma_start3A_335, %dma_start3A_336] : memref<16x128xi32, #tpu.memory_space<vmem>> -> memref<1x128xi32, #tpu.memory_space<vmem>>
    %dma_start3A_338 = tpu.memref_squeeze %dma_start3A_337 : memref<1x128xi32, #tpu.memory_space<vmem>> -> memref<128xi32, #tpu.memory_space<vmem>>
    %dma_start3A_339 = arith.constant 0 : i32
    %dma_start3A_340 = arith.constant 0 : i32
    %dma_start3A_341 = tpu.memref_slice %arg2[%dma_start3A_339, %dma_start3A_340] : memref<8192x128xf32, #tpu.memory_space<hbm>> -> memref<8192x128xf32, #tpu.memory_space<hbm>>
    tpu.enqueue_indirect_dma source(%dma_start3A_341 : memref<8192x128xf32, #tpu.memory_space<hbm>>) target(%arg6 : memref<128x128xf32, #tpu.memory_space<vmem>>) offsets(%dma_start3A_338 : memref<128xi32, #tpu.memory_space<vmem>>) semaphore(%arg10 : memref<!tpu.dma_semaphore, #tpu.memory_space<semaphore_mem>>)
    %dma_start3A_342 = arith.constant 13 : i32
    %dma_start3A_343 = arith.constant 0 : i32
    %dma_start3A_344 = tpu.memref_slice %arg5[%dma_start3A_342, %dma_start3A_343] : memref<16x128xi32, #tpu.memory_space<vmem>> -> memref<1x128xi32, #tpu.memory_space<vmem>>
    %dma_start3A_345 = tpu.memref_squeeze %dma_start3A_344 : memref<1x128xi32, #tpu.memory_space<vmem>> -> memref<128xi32, #tpu.memory_space<vmem>>
    %dma_start3A_346 = arith.constant 0 : i32
    %dma_start3A_347 = arith.constant 0 : i32
    %dma_start3A_348 = tpu.memref_slice %arg2[%dma_start3A_346, %dma_start3A_347] : memref<8192x128xf32, #tpu.memory_space<hbm>> -> memref<8192x128xf32, #tpu.memory_space<hbm>>
    tpu.enqueue_indirect_dma source(%dma_start3A_348 : memref<8192x128xf32, #tpu.memory_space<hbm>>) target(%arg7 : memref<128x128xf32, #tpu.memory_space<vmem>>) offsets(%dma_start3A_345 : memref<128xi32, #tpu.memory_space<vmem>>) semaphore(%arg10 : memref<!tpu.dma_semaphore, #tpu.memory_space<semaphore_mem>>)
    %dma_start3A_349 = arith.constant 14 : i32
    %dma_start3A_350 = arith.constant 0 : i32
    %dma_start3A_351 = tpu.memref_slice %arg5[%dma_start3A_349, %dma_start3A_350] : memref<16x128xi32, #tpu.memory_space<vmem>> -> memref<1x128xi32, #tpu.memory_space<vmem>>
    %dma_start3A_352 = tpu.memref_squeeze %dma_start3A_351 : memref<1x128xi32, #tpu.memory_space<vmem>> -> memref<128xi32, #tpu.memory_space<vmem>>
    %dma_start3A_353 = arith.constant 0 : i32
    %dma_start3A_354 = arith.constant 0 : i32
    %dma_start3A_355 = tpu.memref_slice %arg2[%dma_start3A_353, %dma_start3A_354] : memref<8192x128xf32, #tpu.memory_space<hbm>> -> memref<8192x128xf32, #tpu.memory_space<hbm>>
    tpu.enqueue_indirect_dma source(%dma_start3A_355 : memref<8192x128xf32, #tpu.memory_space<hbm>>) target(%arg8 : memref<128x128xf32, #tpu.memory_space<vmem>>) offsets(%dma_start3A_352 : memref<128xi32, #tpu.memory_space<vmem>>) semaphore(%arg10 : memref<!tpu.dma_semaphore, #tpu.memory_space<semaphore_mem>>)
    %dma_start3A_356 = arith.constant 15 : i32
    %dma_start3A_357 = arith.constant 0 : i32
    %dma_start3A_358 = tpu.memref_slice %arg5[%dma_start3A_356, %dma_start3A_357] : memref<16x128xi32, #tpu.memory_space<vmem>> -> memref<1x128xi32, #tpu.memory_space<vmem>>
    %dma_start3A_359 = tpu.memref_squeeze %dma_start3A_358 : memref<1x128xi32, #tpu.memory_space<vmem>> -> memref<128xi32, #tpu.memory_space<vmem>>
    %dma_start3A_360 = arith.constant 0 : i32
    %dma_start3A_361 = arith.constant 0 : i32
    %dma_start3A_362 = tpu.memref_slice %arg2[%dma_start3A_360, %dma_start3A_361] : memref<8192x128xf32, #tpu.memory_space<hbm>> -> memref<8192x128xf32, #tpu.memory_space<hbm>>
    tpu.enqueue_indirect_dma source(%dma_start3A_362 : memref<8192x128xf32, #tpu.memory_space<hbm>>) target(%arg9 : memref<128x128xf32, #tpu.memory_space<vmem>>) offsets(%dma_start3A_359 : memref<128xi32, #tpu.memory_space<vmem>>) semaphore(%arg10 : memref<!tpu.dma_semaphore, #tpu.memory_space<semaphore_mem>>)
    %dma_wait3A_363 = arith.constant 12 : i32
    %dma_wait3A_364 = arith.constant 0 : i32
    %dma_wait3A_365 = tpu.memref_slice %arg5[%dma_wait3A_363, %dma_wait3A_364] : memref<16x128xi32, #tpu.memory_space<vmem>> -> memref<1x128xi32, #tpu.memory_space<vmem>>
    %dma_wait3A_366 = tpu.memref_squeeze %dma_wait3A_365 : memref<1x128xi32, #tpu.memory_space<vmem>> -> memref<128xi32, #tpu.memory_space<vmem>>
    %dma_wait3A_367 = arith.constant 0 : i32
    %dma_wait3A_368 = arith.constant 0 : i32
    %dma_wait3A_369 = tpu.memref_slice %arg2[%dma_wait3A_367, %dma_wait3A_368] : memref<8192x128xf32, #tpu.memory_space<hbm>> -> memref<8192x128xf32, #tpu.memory_space<hbm>>
    tpu.wait_indirect_dma semaphore(%arg10 : memref<!tpu.dma_semaphore, #tpu.memory_space<semaphore_mem>>) src(%dma_wait3A_369 : memref<8192x128xf32, #tpu.memory_space<hbm>>) dst(%arg6 : memref<128x128xf32, #tpu.memory_space<vmem>>)
    %dma_wait3A_370 = arith.constant 13 : i32
    %dma_wait3A_371 = arith.constant 0 : i32
    %dma_wait3A_372 = tpu.memref_slice %arg5[%dma_wait3A_370, %dma_wait3A_371] : memref<16x128xi32, #tpu.memory_space<vmem>> -> memref<1x128xi32, #tpu.memory_space<vmem>>
    %dma_wait3A_373 = tpu.memref_squeeze %dma_wait3A_372 : memref<1x128xi32, #tpu.memory_space<vmem>> -> memref<128xi32, #tpu.memory_space<vmem>>
    %dma_wait3A_374 = arith.constant 0 : i32
    %dma_wait3A_375 = arith.constant 0 : i32
    %dma_wait3A_376 = tpu.memref_slice %arg2[%dma_wait3A_374, %dma_wait3A_375] : memref<8192x128xf32, #tpu.memory_space<hbm>> -> memref<8192x128xf32, #tpu.memory_space<hbm>>
    tpu.wait_indirect_dma semaphore(%arg10 : memref<!tpu.dma_semaphore, #tpu.memory_space<semaphore_mem>>) src(%dma_wait3A_376 : memref<8192x128xf32, #tpu.memory_space<hbm>>) dst(%arg7 : memref<128x128xf32, #tpu.memory_space<vmem>>)
    %dma_wait3A_377 = arith.constant 14 : i32
    %dma_wait3A_378 = arith.constant 0 : i32
    %dma_wait3A_379 = tpu.memref_slice %arg5[%dma_wait3A_377, %dma_wait3A_378] : memref<16x128xi32, #tpu.memory_space<vmem>> -> memref<1x128xi32, #tpu.memory_space<vmem>>
    %dma_wait3A_380 = tpu.memref_squeeze %dma_wait3A_379 : memref<1x128xi32, #tpu.memory_space<vmem>> -> memref<128xi32, #tpu.memory_space<vmem>>
    %dma_wait3A_381 = arith.constant 0 : i32
    %dma_wait3A_382 = arith.constant 0 : i32
    %dma_wait3A_383 = tpu.memref_slice %arg2[%dma_wait3A_381, %dma_wait3A_382] : memref<8192x128xf32, #tpu.memory_space<hbm>> -> memref<8192x128xf32, #tpu.memory_space<hbm>>
    tpu.wait_indirect_dma semaphore(%arg10 : memref<!tpu.dma_semaphore, #tpu.memory_space<semaphore_mem>>) src(%dma_wait3A_383 : memref<8192x128xf32, #tpu.memory_space<hbm>>) dst(%arg8 : memref<128x128xf32, #tpu.memory_space<vmem>>)
    %dma_wait3A_384 = arith.constant 15 : i32
    %dma_wait3A_385 = arith.constant 0 : i32
    %dma_wait3A_386 = tpu.memref_slice %arg5[%dma_wait3A_384, %dma_wait3A_385] : memref<16x128xi32, #tpu.memory_space<vmem>> -> memref<1x128xi32, #tpu.memory_space<vmem>>
    %dma_wait3A_387 = tpu.memref_squeeze %dma_wait3A_386 : memref<1x128xi32, #tpu.memory_space<vmem>> -> memref<128xi32, #tpu.memory_space<vmem>>
    %dma_wait3A_388 = arith.constant 0 : i32
    %dma_wait3A_389 = arith.constant 0 : i32
    %dma_wait3A_390 = tpu.memref_slice %arg2[%dma_wait3A_388, %dma_wait3A_389] : memref<8192x128xf32, #tpu.memory_space<hbm>> -> memref<8192x128xf32, #tpu.memory_space<hbm>>
    tpu.wait_indirect_dma semaphore(%arg10 : memref<!tpu.dma_semaphore, #tpu.memory_space<semaphore_mem>>) src(%dma_wait3A_390 : memref<8192x128xf32, #tpu.memory_space<hbm>>) dst(%arg9 : memref<128x128xf32, #tpu.memory_space<vmem>>)
    %mul3A_391 = arith.constant 16 : i32
    %mul3A_392 = arith.muli %add3A, %mul3A_391 : i32
    %add3A_393 = arith.constant 12 : i32
    %add3A_394 = arith.addi %mul3A_392, %add3A_393 : i32
    %mul3A_395 = arith.constant 128 : i32
    %mul3A_396 = arith.muli %add3A_394, %mul3A_395 : i32
    %dma_start3A_397 = arith.constant 0 : i32
    %dma_start3A_398 = tpu.memref_slice %arg4[%mul3A_396, %dma_start3A_397] : memref<65536x128xf32, #tpu.memory_space<hbm>> -> memref<128x128xf32, #tpu.memory_space<hbm>>
    %dma_start3A_399 = arith.constant 0 : i32
    %dma_start3A_400 = tpu.memref_slice %arg4[%mul3A_396, %dma_start3A_399] : memref<65536x128xf32, #tpu.memory_space<hbm>> -> memref<128x128xf32, #tpu.memory_space<hbm>>
    tpu.enqueue_dma source(%arg6 : memref<128x128xf32, #tpu.memory_space<vmem>>) target(%dma_start3A_400 : memref<128x128xf32, #tpu.memory_space<hbm>>) target_semaphore(%arg11 : memref<!tpu.dma_semaphore, #tpu.memory_space<semaphore_mem>>)
    %mul3A_401 = arith.constant 16 : i32
    %mul3A_402 = arith.muli %add3A, %mul3A_401 : i32
    %add3A_403 = arith.constant 13 : i32
    %add3A_404 = arith.addi %mul3A_402, %add3A_403 : i32
    %mul3A_405 = arith.constant 128 : i32
    %mul3A_406 = arith.muli %add3A_404, %mul3A_405 : i32
    %dma_start3A_407 = arith.constant 0 : i32
    %dma_start3A_408 = tpu.memref_slice %arg4[%mul3A_406, %dma_start3A_407] : memref<65536x128xf32, #tpu.memory_space<hbm>> -> memref<128x128xf32, #tpu.memory_space<hbm>>
    %dma_start3A_409 = arith.constant 0 : i32
    %dma_start3A_410 = tpu.memref_slice %arg4[%mul3A_406, %dma_start3A_409] : memref<65536x128xf32, #tpu.memory_space<hbm>> -> memref<128x128xf32, #tpu.memory_space<hbm>>
    tpu.enqueue_dma source(%arg7 : memref<128x128xf32, #tpu.memory_space<vmem>>) target(%dma_start3A_410 : memref<128x128xf32, #tpu.memory_space<hbm>>) target_semaphore(%arg11 : memref<!tpu.dma_semaphore, #tpu.memory_space<semaphore_mem>>)
    %mul3A_411 = arith.constant 16 : i32
    %mul3A_412 = arith.muli %add3A, %mul3A_411 : i32
    %add3A_413 = arith.constant 14 : i32
    %add3A_414 = arith.addi %mul3A_412, %add3A_413 : i32
    %mul3A_415 = arith.constant 128 : i32
    %mul3A_416 = arith.muli %add3A_414, %mul3A_415 : i32
    %dma_start3A_417 = arith.constant 0 : i32
    %dma_start3A_418 = tpu.memref_slice %arg4[%mul3A_416, %dma_start3A_417] : memref<65536x128xf32, #tpu.memory_space<hbm>> -> memref<128x128xf32, #tpu.memory_space<hbm>>
    %dma_start3A_419 = arith.constant 0 : i32
    %dma_start3A_420 = tpu.memref_slice %arg4[%mul3A_416, %dma_start3A_419] : memref<65536x128xf32, #tpu.memory_space<hbm>> -> memref<128x128xf32, #tpu.memory_space<hbm>>
    tpu.enqueue_dma source(%arg8 : memref<128x128xf32, #tpu.memory_space<vmem>>) target(%dma_start3A_420 : memref<128x128xf32, #tpu.memory_space<hbm>>) target_semaphore(%arg11 : memref<!tpu.dma_semaphore, #tpu.memory_space<semaphore_mem>>)
    %mul3A_421 = arith.constant 16 : i32
    %mul3A_422 = arith.muli %add3A, %mul3A_421 : i32
    %add3A_423 = arith.constant 15 : i32
    %add3A_424 = arith.addi %mul3A_422, %add3A_423 : i32
    %mul3A_425 = arith.constant 128 : i32
    %mul3A_426 = arith.muli %add3A_424, %mul3A_425 : i32
    %dma_start3A_427 = arith.constant 0 : i32
    %dma_start3A_428 = tpu.memref_slice %arg4[%mul3A_426, %dma_start3A_427] : memref<65536x128xf32, #tpu.memory_space<hbm>> -> memref<128x128xf32, #tpu.memory_space<hbm>>
    %dma_start3A_429 = arith.constant 0 : i32
    %dma_start3A_430 = tpu.memref_slice %arg4[%mul3A_426, %dma_start3A_429] : memref<65536x128xf32, #tpu.memory_space<hbm>> -> memref<128x128xf32, #tpu.memory_space<hbm>>
    tpu.enqueue_dma source(%arg9 : memref<128x128xf32, #tpu.memory_space<vmem>>) target(%dma_start3A_430 : memref<128x128xf32, #tpu.memory_space<hbm>>) target_semaphore(%arg11 : memref<!tpu.dma_semaphore, #tpu.memory_space<semaphore_mem>>)
    %dma_wait3A_431 = arith.constant 0 : i32
    %dma_wait3A_432 = tpu.memref_slice %arg4[%mul3A_396, %dma_wait3A_431] : memref<65536x128xf32, #tpu.memory_space<hbm>> -> memref<128x128xf32, #tpu.memory_space<hbm>>
    %dma_wait3A_433 = arith.constant 0 : i32
    %dma_wait3A_434 = tpu.memref_slice %arg4[%mul3A_396, %dma_wait3A_433] : memref<65536x128xf32, #tpu.memory_space<hbm>> -> memref<128x128xf32, #tpu.memory_space<hbm>>
    tpu.wait_dma2 semaphore(%arg11 : memref<!tpu.dma_semaphore, #tpu.memory_space<semaphore_mem>>) src(%arg6 : memref<128x128xf32, #tpu.memory_space<vmem>>) dst(%dma_wait3A_434 : memref<128x128xf32, #tpu.memory_space<hbm>>)
    %dma_wait3A_435 = arith.constant 0 : i32
    %dma_wait3A_436 = tpu.memref_slice %arg4[%mul3A_406, %dma_wait3A_435] : memref<65536x128xf32, #tpu.memory_space<hbm>> -> memref<128x128xf32, #tpu.memory_space<hbm>>
    %dma_wait3A_437 = arith.constant 0 : i32
    %dma_wait3A_438 = tpu.memref_slice %arg4[%mul3A_406, %dma_wait3A_437] : memref<65536x128xf32, #tpu.memory_space<hbm>> -> memref<128x128xf32, #tpu.memory_space<hbm>>
    tpu.wait_dma2 semaphore(%arg11 : memref<!tpu.dma_semaphore, #tpu.memory_space<semaphore_mem>>) src(%arg7 : memref<128x128xf32, #tpu.memory_space<vmem>>) dst(%dma_wait3A_438 : memref<128x128xf32, #tpu.memory_space<hbm>>)
    %dma_wait3A_439 = arith.constant 0 : i32
    %dma_wait3A_440 = tpu.memref_slice %arg4[%mul3A_416, %dma_wait3A_439] : memref<65536x128xf32, #tpu.memory_space<hbm>> -> memref<128x128xf32, #tpu.memory_space<hbm>>
    %dma_wait3A_441 = arith.constant 0 : i32
    %dma_wait3A_442 = tpu.memref_slice %arg4[%mul3A_416, %dma_wait3A_441] : memref<65536x128xf32, #tpu.memory_space<hbm>> -> memref<128x128xf32, #tpu.memory_space<hbm>>
    tpu.wait_dma2 semaphore(%arg11 : memref<!tpu.dma_semaphore, #tpu.memory_space<semaphore_mem>>) src(%arg8 : memref<128x128xf32, #tpu.memory_space<vmem>>) dst(%dma_wait3A_442 : memref<128x128xf32, #tpu.memory_space<hbm>>)
    %dma_wait3A_443 = arith.constant 0 : i32
    %dma_wait3A_444 = tpu.memref_slice %arg4[%mul3A_426, %dma_wait3A_443] : memref<65536x128xf32, #tpu.memory_space<hbm>> -> memref<128x128xf32, #tpu.memory_space<hbm>>
    %dma_wait3A_445 = arith.constant 0 : i32
    %dma_wait3A_446 = tpu.memref_slice %arg4[%mul3A_426, %dma_wait3A_445] : memref<65536x128xf32, #tpu.memory_space<hbm>> -> memref<128x128xf32, #tpu.memory_space<hbm>>
    tpu.wait_dma2 semaphore(%arg11 : memref<!tpu.dma_semaphore, #tpu.memory_space<semaphore_mem>>) src(%arg9 : memref<128x128xf32, #tpu.memory_space<vmem>>) dst(%dma_wait3A_446 : memref<128x128xf32, #tpu.memory_space<hbm>>)
    return
  }
}

module attributes {stable_mosaic.version = 14 : i64} {
  func.func @_knn_body(%arg0: i32, %arg1: i32, %arg2: memref<1x256x3xf32, #tpu.memory_space<vmem>>, %arg3: memref<1x3x4096xf32, #tpu.memory_space<vmem>>, %arg4: memref<1x256x64xf32, #tpu.memory_space<vmem>>, %arg5: memref<3x64xf32, #tpu.memory_space<vmem>>, %arg6: memref<1x256x16xi32, #tpu.memory_space<vmem>>, %arg7: memref<1x256x128xf32, #tpu.memory_space<vmem>>) attributes {dimension_semantics = [#tpu.dimension_semantics<arbitrary>, #tpu.dimension_semantics<arbitrary>], iteration_bounds = array<i64: 2, 16>, scalar_prefetch = 0 : i64, scratch_operands = 0 : i64, tpu.core_type = #tpu.core_type<tc>, window_params = [{transform_indices = @transform_0, window_bounds = array<i64: 1, 256, 3>}, {transform_indices = @transform_1, window_bounds = array<i64: 1, 3, 4096>}, {transform_indices = @transform_2, window_bounds = array<i64: 1, 256, 64>}, {pipeline_mode = #tpu.pipeline_mode<synchronous>, transform_indices = @transform_3, window_bounds = array<i64: 3, 64>}, {transform_indices = @transform_4, window_bounds = array<i64: 1, 256, 16>}, {transform_indices = @transform_5, window_bounds = array<i64: 1, 256, 128>}]} {
    %get3A = arith.constant 0 : index
    %get3A_0 = arith.constant 0 : index
    %get3A_1 = arith.constant 0 : index
    %get3A_2 = vector.load %arg4[%get3A, %get3A_0, %get3A_1] : memref<1x256x64xf32, #tpu.memory_space<vmem>>, vector<1x256x64xf32>
    %get3A_3 = vector.shape_cast %get3A_2 : vector<1x256x64xf32> to vector<256x64xf32>
    %get3A_4 = arith.constant 0 : index
    %get3A_5 = arith.constant 0 : index
    %get3A_6 = arith.constant 0 : index
    %get3A_7 = vector.load %arg2[%get3A_4, %get3A_5, %get3A_6] : memref<1x256x3xf32, #tpu.memory_space<vmem>>, vector<1x256x3xf32>
    %get3A_8 = vector.shape_cast %get3A_7 : vector<1x256x3xf32> to vector<256x3xf32>
    %get3A_9 = arith.constant 0 : index
    %get3A_10 = arith.constant 0 : index
    %get3A_11 = vector.load %arg5[%get3A_9, %get3A_10] : memref<3x64xf32, #tpu.memory_space<vmem>>, vector<3x64xf32>
    %dot_general3A = arith.constant dense<0.000000e+00> : vector<256x64xf32>
    %dot_general3A_12 = tpu.matmul %get3A_8, %get3A_11, %dot_general3A {dimension_numbers = #tpu.dot_dimension_numbers<[1], [0], [0], [1], [0, 0, 1, 1], [], []>, transpose_lhs_hint = false} : vector<256x3xf32>, vector<3x64xf32>, vector<256x64xf32> -> vector<256x64xf32>
    %concatenate3A = tpu.concatenate %get3A_3, %dot_general3A_12 in 1 : vector<256x64xf32>, vector<256x64xf32> -> vector<256x128xf32>
    %swap3A = arith.constant 0 : index
    %swap3A_13 = arith.constant 0 : index
    %swap3A_14 = arith.constant 0 : index
    %swap3A_15 = vector.load %arg7[%swap3A, %swap3A_13, %swap3A_14] : memref<1x256x128xf32, #tpu.memory_space<vmem>>, vector<1x256x128xf32>
    %swap3A_16 = vector.shape_cast %swap3A_15 : vector<1x256x128xf32> to vector<256x128xf32>
    %swap3A_17 = vector.shape_cast %concatenate3A : vector<256x128xf32> to vector<1x256x128xf32>
    tpu.vector_store %arg7[%swap3A, %swap3A_13, %swap3A_14], %swap3A_17 {strides = array<i32>} : memref<1x256x128xf32, #tpu.memory_space<vmem>>, vector<1x256x128xf32>,
    %get3A_18 = arith.constant 0 : index
    %get3A_19 = arith.constant 0 : index
    %get3A_20 = arith.constant 0 : index
    %get3A_21 = vector.load %arg2[%get3A_18, %get3A_19, %get3A_20] : memref<1x256x3xf32, #tpu.memory_space<vmem>>, vector<1x256x3xf32>
    %get3A_22 = vector.shape_cast %get3A_21 : vector<1x256x3xf32> to vector<256x3xf32>
    %get3A_23 = arith.constant 0 : index
    %get3A_24 = arith.constant 0 : index
    %get3A_25 = arith.constant 0 : index
    %get3A_26 = vector.load %arg3[%get3A_23, %get3A_24, %get3A_25] : memref<1x3x4096xf32, #tpu.memory_space<vmem>>, vector<1x3x4096xf32>
    %get3A_27 = vector.shape_cast %get3A_26 : vector<1x3x4096xf32> to vector<3x4096xf32>
    %broadcast_in_dim3A = arith.constant 0.000000e+00 : f32
    %broadcast_in_dim3A_28 = vector.broadcast %broadcast_in_dim3A : f32 to vector<256x4096xf32>
    %slice3A = vector.extract_strided_slice %get3A_22 {offsets = [0, 0], sizes = [256, 1], strides = [1, 1]} : vector<256x3xf32> to vector<256x1xf32>
    %slice3A_29 = vector.extract_strided_slice %get3A_27 {offsets = [0, 0], sizes = [1, 4096], strides = [1, 1]} : vector<3x4096xf32> to vector<1x4096xf32>
    %sub3A = vector.broadcast %slice3A : vector<256x1xf32> to vector<256x4096xf32>
    %sub3A_30 = vector.broadcast %slice3A_29 : vector<1x4096xf32> to vector<256x4096xf32>
    %sub3A_31 = arith.subf %sub3A, %sub3A_30 : vector<256x4096xf32>
    %mul3A = arith.mulf %sub3A_31, %sub3A_31 : vector<256x4096xf32>
    %add3A = arith.addf %broadcast_in_dim3A_28, %mul3A : vector<256x4096xf32>
    %slice3A_32 = vector.extract_strided_slice %get3A_22 {offsets = [0, 1], sizes = [256, 1], strides = [1, 1]} : vector<256x3xf32> to vector<256x1xf32>
    %slice3A_33 = vector.extract_strided_slice %get3A_27 {offsets = [1, 0], sizes = [1, 4096], strides = [1, 1]} : vector<3x4096xf32> to vector<1x4096xf32>
    %sub3A_34 = vector.broadcast %slice3A_32 : vector<256x1xf32> to vector<256x4096xf32>
    %sub3A_35 = vector.broadcast %slice3A_33 : vector<1x4096xf32> to vector<256x4096xf32>
    %sub3A_36 = arith.subf %sub3A_34, %sub3A_35 : vector<256x4096xf32>
    %mul3A_37 = arith.mulf %sub3A_36, %sub3A_36 : vector<256x4096xf32>
    %add3A_38 = arith.addf %add3A, %mul3A_37 : vector<256x4096xf32>
    %slice3A_39 = vector.extract_strided_slice %get3A_22 {offsets = [0, 2], sizes = [256, 1], strides = [1, 1]} : vector<256x3xf32> to vector<256x1xf32>
    %slice3A_40 = vector.extract_strided_slice %get3A_27 {offsets = [2, 0], sizes = [1, 4096], strides = [1, 1]} : vector<3x4096xf32> to vector<1x4096xf32>
    %sub3A_41 = vector.broadcast %slice3A_39 : vector<256x1xf32> to vector<256x4096xf32>
    %sub3A_42 = vector.broadcast %slice3A_40 : vector<1x4096xf32> to vector<256x4096xf32>
    %sub3A_43 = arith.subf %sub3A_41, %sub3A_42 : vector<256x4096xf32>
    %mul3A_44 = arith.mulf %sub3A_43, %sub3A_43 : vector<256x4096xf32>
    %add3A_45 = arith.addf %add3A_38, %mul3A_44 : vector<256x4096xf32>
    %iota3A = tpu.iota {dimensions = array<i32: 1>} : vector<256x4096xi32>
    %reshape3A = vector.shape_cast %add3A_45 : vector<256x4096xf32> to vector<256x16x256xf32>
    %reshape3A_46 = vector.shape_cast %iota3A : vector<256x4096xi32> to vector<256x16x256xi32>
    %reduce_min3A = arith.constant dense<0x7F800000> : vector<256x256xf32>
    %reduce_min3A_47 = vector.multi_reduction <minimumf>, %reshape3A, %reduce_min3A [1] : vector<256x16x256xf32> to vector<256x256xf32>
    %broadcast_in_dim3A_48 = vector.shape_cast %reduce_min3A_47 : vector<256x256xf32> to vector<256x1x256xf32>
    %le3A = vector.broadcast %broadcast_in_dim3A_48 : vector<256x1x256xf32> to vector<256x16x256xf32>
    %le3A_49 = arith.cmpf ole, %reshape3A, %le3A : vector<256x16x256xf32>
    %jit3A = arith.constant 4096 : i32
    %broadcast_in_dim3A_50 = vector.broadcast %jit3A : i32 to vector<256x16x256xi32>
    %select_n3A = arith.select %le3A_49, %reshape3A_46, %broadcast_in_dim3A_50 : vector<256x16x256xi1>, vector<256x16x256xi32>
    %reduce_min3A_51 = arith.constant dense<2147483647> : vector<256x256xi32>
    %reduce_min3A_52 = vector.multi_reduction <minsi>, %select_n3A, %reduce_min3A_51 [1] : vector<256x16x256xi32> to vector<256x256xi32>
    %broadcast_in_dim3A_53 = vector.shape_cast %reduce_min3A_52 : vector<256x256xi32> to vector<256x1x256xi32>
    %eq3A = vector.broadcast %broadcast_in_dim3A_53 : vector<256x1x256xi32> to vector<256x16x256xi32>
    %eq3A_54 = arith.cmpi eq, %reshape3A_46, %eq3A : vector<256x16x256xi32>
    %jit3A_55 = arith.constant 0x7F800000 : f32
    %broadcast_in_dim3A_56 = vector.broadcast %jit3A_55 : f32 to vector<256x16x256xf32>
    %select_n3A_57 = arith.select %eq3A_54, %broadcast_in_dim3A_56, %reshape3A : vector<256x16x256xi1>, vector<256x16x256xf32>
    %reduce_min3A_58 = arith.constant dense<0x7F800000> : vector<256x256xf32>
    %reduce_min3A_59 = vector.multi_reduction <minimumf>, %select_n3A_57, %reduce_min3A_58 [1] : vector<256x16x256xf32> to vector<256x256xf32>
    %broadcast_in_dim3A_60 = vector.shape_cast %reduce_min3A_59 : vector<256x256xf32> to vector<256x1x256xf32>
    %le3A_61 = vector.broadcast %broadcast_in_dim3A_60 : vector<256x1x256xf32> to vector<256x16x256xf32>
    %le3A_62 = arith.cmpf ole, %select_n3A_57, %le3A_61 : vector<256x16x256xf32>
    %jit3A_63 = arith.constant 4096 : i32
    %broadcast_in_dim3A_64 = vector.broadcast %jit3A_63 : i32 to vector<256x16x256xi32>
    %select_n3A_65 = arith.select %le3A_62, %reshape3A_46, %broadcast_in_dim3A_64 : vector<256x16x256xi1>, vector<256x16x256xi32>
    %reduce_min3A_66 = arith.constant dense<2147483647> : vector<256x256xi32>
    %reduce_min3A_67 = vector.multi_reduction <minsi>, %select_n3A_65, %reduce_min3A_66 [1] : vector<256x16x256xi32> to vector<256x256xi32>
    %broadcast_in_dim3A_68 = vector.shape_cast %reduce_min3A_67 : vector<256x256xi32> to vector<256x1x256xi32>
    %eq3A_69 = vector.broadcast %broadcast_in_dim3A_68 : vector<256x1x256xi32> to vector<256x16x256xi32>
    %eq3A_70 = arith.cmpi eq, %reshape3A_46, %eq3A_69 : vector<256x16x256xi32>
    %jit3A_71 = arith.constant 0x7F800000 : f32
    %broadcast_in_dim3A_72 = vector.broadcast %jit3A_71 : f32 to vector<256x16x256xf32>
    %select_n3A_73 = arith.select %eq3A_70, %broadcast_in_dim3A_72, %select_n3A_57 : vector<256x16x256xi1>, vector<256x16x256xf32>
    %reduce_min3A_74 = arith.constant dense<0x7F800000> : vector<256x256xf32>
    %reduce_min3A_75 = vector.multi_reduction <minimumf>, %select_n3A_73, %reduce_min3A_74 [1] : vector<256x16x256xf32> to vector<256x256xf32>
    %broadcast_in_dim3A_76 = vector.shape_cast %reduce_min3A_75 : vector<256x256xf32> to vector<256x1x256xf32>
    %le3A_77 = vector.broadcast %broadcast_in_dim3A_76 : vector<256x1x256xf32> to vector<256x16x256xf32>
    %le3A_78 = arith.cmpf ole, %select_n3A_73, %le3A_77 : vector<256x16x256xf32>
    %jit3A_79 = arith.constant 4096 : i32
    %broadcast_in_dim3A_80 = vector.broadcast %jit3A_79 : i32 to vector<256x16x256xi32>
    %select_n3A_81 = arith.select %le3A_78, %reshape3A_46, %broadcast_in_dim3A_80 : vector<256x16x256xi1>, vector<256x16x256xi32>
    %reduce_min3A_82 = arith.constant dense<2147483647> : vector<256x256xi32>
    %reduce_min3A_83 = vector.multi_reduction <minsi>, %select_n3A_81, %reduce_min3A_82 [1] : vector<256x16x256xi32> to vector<256x256xi32>
    %broadcast_in_dim3A_84 = vector.shape_cast %reduce_min3A_83 : vector<256x256xi32> to vector<256x1x256xi32>
    %eq3A_85 = vector.broadcast %broadcast_in_dim3A_84 : vector<256x1x256xi32> to vector<256x16x256xi32>
    %eq3A_86 = arith.cmpi eq, %reshape3A_46, %eq3A_85 : vector<256x16x256xi32>
    %jit3A_87 = arith.constant 0x7F800000 : f32
    %broadcast_in_dim3A_88 = vector.broadcast %jit3A_87 : f32 to vector<256x16x256xf32>
    %select_n3A_89 = arith.select %eq3A_86, %broadcast_in_dim3A_88, %select_n3A_73 : vector<256x16x256xi1>, vector<256x16x256xf32>
    %reduce_min3A_90 = arith.constant dense<0x7F800000> : vector<256x256xf32>
    %reduce_min3A_91 = vector.multi_reduction <minimumf>, %select_n3A_89, %reduce_min3A_90 [1] : vector<256x16x256xf32> to vector<256x256xf32>
    %concatenate3A_92 = tpu.concatenate %reduce_min3A_47, %reduce_min3A_59, %reduce_min3A_75 in 1 : vector<256x256xf32>, vector<256x256xf32>, vector<256x256xf32> -> vector<256x768xf32>
    %concatenate3A_93 = tpu.concatenate %reduce_min3A_52, %reduce_min3A_67, %reduce_min3A_83 in 1 : vector<256x256xi32>, vector<256x256xi32>, vector<256x256xi32> -> vector<256x768xi32>
    %reduce_min3A_94 = arith.constant dense<0x7F800000> : vector<256xf32>
    %reduce_min3A_95 = vector.multi_reduction <minimumf>, %concatenate3A_92, %reduce_min3A_94 [1] : vector<256x768xf32> to vector<256xf32>
    %broadcast_in_dim3A_96 = vector.shape_cast %reduce_min3A_95 : vector<256xf32> to vector<256x1xf32>
    %le3A_97 = vector.broadcast %broadcast_in_dim3A_96 : vector<256x1xf32> to vector<256x768xf32>
    %le3A_98 = arith.cmpf ole, %concatenate3A_92, %le3A_97 : vector<256x768xf32>
    %jit3A_99 = arith.constant 4096 : i32
    %broadcast_in_dim3A_100 = vector.broadcast %jit3A_99 : i32 to vector<256x768xi32>
    %select_n3A_101 = arith.select %le3A_98, %concatenate3A_93, %broadcast_in_dim3A_100 : vector<256x768xi1>, vector<256x768xi32>
    %reduce_min3A_102 = arith.constant dense<2147483647> : vector<256xi32>
    %reduce_min3A_103 = vector.multi_reduction <minsi>, %select_n3A_101, %reduce_min3A_102 [1] : vector<256x768xi32> to vector<256xi32>
    %broadcast_in_dim3A_104 = vector.shape_cast %reduce_min3A_103 : vector<256xi32> to vector<256x1xi32>
    %jit3A_105 = arith.constant 0x7F800000 : f32
    %broadcast_in_dim3A_106 = vector.broadcast %jit3A_105 : f32 to vector<256x768xf32>
    %select_n3A_107 = arith.select %le3A_98, %broadcast_in_dim3A_106, %concatenate3A_92 : vector<256x768xi1>, vector<256x768xf32>
    %reduce_min3A_108 = arith.constant dense<0x7F800000> : vector<256xf32>
    %reduce_min3A_109 = vector.multi_reduction <minimumf>, %select_n3A_107, %reduce_min3A_108 [1] : vector<256x768xf32> to vector<256xf32>
    %broadcast_in_dim3A_110 = vector.shape_cast %reduce_min3A_109 : vector<256xf32> to vector<256x1xf32>
    %le3A_111 = vector.broadcast %broadcast_in_dim3A_110 : vector<256x1xf32> to vector<256x768xf32>
    %le3A_112 = arith.cmpf ole, %select_n3A_107, %le3A_111 : vector<256x768xf32>
    %jit3A_113 = arith.constant 4096 : i32
    %broadcast_in_dim3A_114 = vector.broadcast %jit3A_113 : i32 to vector<256x768xi32>
    %select_n3A_115 = arith.select %le3A_112, %concatenate3A_93, %broadcast_in_dim3A_114 : vector<256x768xi1>, vector<256x768xi32>
    %reduce_min3A_116 = arith.constant dense<2147483647> : vector<256xi32>
    %reduce_min3A_117 = vector.multi_reduction <minsi>, %select_n3A_115, %reduce_min3A_116 [1] : vector<256x768xi32> to vector<256xi32>
    %broadcast_in_dim3A_118 = vector.shape_cast %reduce_min3A_117 : vector<256xi32> to vector<256x1xi32>
    %jit3A_119 = arith.constant 0x7F800000 : f32
    %broadcast_in_dim3A_120 = vector.broadcast %jit3A_119 : f32 to vector<256x768xf32>
    %select_n3A_121 = arith.select %le3A_112, %broadcast_in_dim3A_120, %select_n3A_107 : vector<256x768xi1>, vector<256x768xf32>
    %reduce_min3A_122 = arith.constant dense<0x7F800000> : vector<256xf32>
    %reduce_min3A_123 = vector.multi_reduction <minimumf>, %select_n3A_121, %reduce_min3A_122 [1] : vector<256x768xf32> to vector<256xf32>
    %broadcast_in_dim3A_124 = vector.shape_cast %reduce_min3A_123 : vector<256xf32> to vector<256x1xf32>
    %le3A_125 = vector.broadcast %broadcast_in_dim3A_124 : vector<256x1xf32> to vector<256x768xf32>
    %le3A_126 = arith.cmpf ole, %select_n3A_121, %le3A_125 : vector<256x768xf32>
    %jit3A_127 = arith.constant 4096 : i32
    %broadcast_in_dim3A_128 = vector.broadcast %jit3A_127 : i32 to vector<256x768xi32>
    %select_n3A_129 = arith.select %le3A_126, %concatenate3A_93, %broadcast_in_dim3A_128 : vector<256x768xi1>, vector<256x768xi32>
    %reduce_min3A_130 = arith.constant dense<2147483647> : vector<256xi32>
    %reduce_min3A_131 = vector.multi_reduction <minsi>, %select_n3A_129, %reduce_min3A_130 [1] : vector<256x768xi32> to vector<256xi32>
    %broadcast_in_dim3A_132 = vector.shape_cast %reduce_min3A_131 : vector<256xi32> to vector<256x1xi32>
    %jit3A_133 = arith.constant 0x7F800000 : f32
    %broadcast_in_dim3A_134 = vector.broadcast %jit3A_133 : f32 to vector<256x768xf32>
    %select_n3A_135 = arith.select %le3A_126, %broadcast_in_dim3A_134, %select_n3A_121 : vector<256x768xi1>, vector<256x768xf32>
    %reduce_min3A_136 = arith.constant dense<0x7F800000> : vector<256xf32>
    %reduce_min3A_137 = vector.multi_reduction <minimumf>, %select_n3A_135, %reduce_min3A_136 [1] : vector<256x768xf32> to vector<256xf32>
    %broadcast_in_dim3A_138 = vector.shape_cast %reduce_min3A_137 : vector<256xf32> to vector<256x1xf32>
    %le3A_139 = vector.broadcast %broadcast_in_dim3A_138 : vector<256x1xf32> to vector<256x768xf32>
    %le3A_140 = arith.cmpf ole, %select_n3A_135, %le3A_139 : vector<256x768xf32>
    %jit3A_141 = arith.constant 4096 : i32
    %broadcast_in_dim3A_142 = vector.broadcast %jit3A_141 : i32 to vector<256x768xi32>
    %select_n3A_143 = arith.select %le3A_140, %concatenate3A_93, %broadcast_in_dim3A_142 : vector<256x768xi1>, vector<256x768xi32>
    %reduce_min3A_144 = arith.constant dense<2147483647> : vector<256xi32>
    %reduce_min3A_145 = vector.multi_reduction <minsi>, %select_n3A_143, %reduce_min3A_144 [1] : vector<256x768xi32> to vector<256xi32>
    %broadcast_in_dim3A_146 = vector.shape_cast %reduce_min3A_145 : vector<256xi32> to vector<256x1xi32>
    %jit3A_147 = arith.constant 0x7F800000 : f32
    %broadcast_in_dim3A_148 = vector.broadcast %jit3A_147 : f32 to vector<256x768xf32>
    %select_n3A_149 = arith.select %le3A_140, %broadcast_in_dim3A_148, %select_n3A_135 : vector<256x768xi1>, vector<256x768xf32>
    %reduce_min3A_150 = arith.constant dense<0x7F800000> : vector<256xf32>
    %reduce_min3A_151 = vector.multi_reduction <minimumf>, %select_n3A_149, %reduce_min3A_150 [1] : vector<256x768xf32> to vector<256xf32>
    %broadcast_in_dim3A_152 = vector.shape_cast %reduce_min3A_151 : vector<256xf32> to vector<256x1xf32>
    %le3A_153 = vector.broadcast %broadcast_in_dim3A_152 : vector<256x1xf32> to vector<256x768xf32>
    %le3A_154 = arith.cmpf ole, %select_n3A_149, %le3A_153 : vector<256x768xf32>
    %jit3A_155 = arith.constant 4096 : i32
    %broadcast_in_dim3A_156 = vector.broadcast %jit3A_155 : i32 to vector<256x768xi32>
    %select_n3A_157 = arith.select %le3A_154, %concatenate3A_93, %broadcast_in_dim3A_156 : vector<256x768xi1>, vector<256x768xi32>
    %reduce_min3A_158 = arith.constant dense<2147483647> : vector<256xi32>
    %reduce_min3A_159 = vector.multi_reduction <minsi>, %select_n3A_157, %reduce_min3A_158 [1] : vector<256x768xi32> to vector<256xi32>
    %broadcast_in_dim3A_160 = vector.shape_cast %reduce_min3A_159 : vector<256xi32> to vector<256x1xi32>
    %jit3A_161 = arith.constant 0x7F800000 : f32
    %broadcast_in_dim3A_162 = vector.broadcast %jit3A_161 : f32 to vector<256x768xf32>
    %select_n3A_163 = arith.select %le3A_154, %broadcast_in_dim3A_162, %select_n3A_149 : vector<256x768xi1>, vector<256x768xf32>
    %reduce_min3A_164 = arith.constant dense<0x7F800000> : vector<256xf32>
    %reduce_min3A_165 = vector.multi_reduction <minimumf>, %select_n3A_163, %reduce_min3A_164 [1] : vector<256x768xf32> to vector<256xf32>
    %broadcast_in_dim3A_166 = vector.shape_cast %reduce_min3A_165 : vector<256xf32> to vector<256x1xf32>
    %le3A_167 = vector.broadcast %broadcast_in_dim3A_166 : vector<256x1xf32> to vector<256x768xf32>
    %le3A_168 = arith.cmpf ole, %select_n3A_163, %le3A_167 : vector<256x768xf32>
    %jit3A_169 = arith.constant 4096 : i32
    %broadcast_in_dim3A_170 = vector.broadcast %jit3A_169 : i32 to vector<256x768xi32>
    %select_n3A_171 = arith.select %le3A_168, %concatenate3A_93, %broadcast_in_dim3A_170 : vector<256x768xi1>, vector<256x768xi32>
    %reduce_min3A_172 = arith.constant dense<2147483647> : vector<256xi32>
    %reduce_min3A_173 = vector.multi_reduction <minsi>, %select_n3A_171, %reduce_min3A_172 [1] : vector<256x768xi32> to vector<256xi32>
    %broadcast_in_dim3A_174 = vector.shape_cast %reduce_min3A_173 : vector<256xi32> to vector<256x1xi32>
    %jit3A_175 = arith.constant 0x7F800000 : f32
    %broadcast_in_dim3A_176 = vector.broadcast %jit3A_175 : f32 to vector<256x768xf32>
    %select_n3A_177 = arith.select %le3A_168, %broadcast_in_dim3A_176, %select_n3A_163 : vector<256x768xi1>, vector<256x768xf32>
    %reduce_min3A_178 = arith.constant dense<0x7F800000> : vector<256xf32>
    %reduce_min3A_179 = vector.multi_reduction <minimumf>, %select_n3A_177, %reduce_min3A_178 [1] : vector<256x768xf32> to vector<256xf32>
    %broadcast_in_dim3A_180 = vector.shape_cast %reduce_min3A_179 : vector<256xf32> to vector<256x1xf32>
    %le3A_181 = vector.broadcast %broadcast_in_dim3A_180 : vector<256x1xf32> to vector<256x768xf32>
    %le3A_182 = arith.cmpf ole, %select_n3A_177, %le3A_181 : vector<256x768xf32>
    %jit3A_183 = arith.constant 4096 : i32
    %broadcast_in_dim3A_184 = vector.broadcast %jit3A_183 : i32 to vector<256x768xi32>
    %select_n3A_185 = arith.select %le3A_182, %concatenate3A_93, %broadcast_in_dim3A_184 : vector<256x768xi1>, vector<256x768xi32>
    %reduce_min3A_186 = arith.constant dense<2147483647> : vector<256xi32>
    %reduce_min3A_187 = vector.multi_reduction <minsi>, %select_n3A_185, %reduce_min3A_186 [1] : vector<256x768xi32> to vector<256xi32>
    %broadcast_in_dim3A_188 = vector.shape_cast %reduce_min3A_187 : vector<256xi32> to vector<256x1xi32>
    %jit3A_189 = arith.constant 0x7F800000 : f32
    %broadcast_in_dim3A_190 = vector.broadcast %jit3A_189 : f32 to vector<256x768xf32>
    %select_n3A_191 = arith.select %le3A_182, %broadcast_in_dim3A_190, %select_n3A_177 : vector<256x768xi1>, vector<256x768xf32>
    %reduce_min3A_192 = arith.constant dense<0x7F800000> : vector<256xf32>
    %reduce_min3A_193 = vector.multi_reduction <minimumf>, %select_n3A_191, %reduce_min3A_192 [1] : vector<256x768xf32> to vector<256xf32>
    %broadcast_in_dim3A_194 = vector.shape_cast %reduce_min3A_193 : vector<256xf32> to vector<256x1xf32>
    %le3A_195 = vector.broadcast %broadcast_in_dim3A_194 : vector<256x1xf32> to vector<256x768xf32>
    %le3A_196 = arith.cmpf ole, %select_n3A_191, %le3A_195 : vector<256x768xf32>
    %jit3A_197 = arith.constant 4096 : i32
    %broadcast_in_dim3A_198 = vector.broadcast %jit3A_197 : i32 to vector<256x768xi32>
    %select_n3A_199 = arith.select %le3A_196, %concatenate3A_93, %broadcast_in_dim3A_198 : vector<256x768xi1>, vector<256x768xi32>
    %reduce_min3A_200 = arith.constant dense<2147483647> : vector<256xi32>
    %reduce_min3A_201 = vector.multi_reduction <minsi>, %select_n3A_199, %reduce_min3A_200 [1] : vector<256x768xi32> to vector<256xi32>
    %broadcast_in_dim3A_202 = vector.shape_cast %reduce_min3A_201 : vector<256xi32> to vector<256x1xi32>
    %jit3A_203 = arith.constant 0x7F800000 : f32
    %broadcast_in_dim3A_204 = vector.broadcast %jit3A_203 : f32 to vector<256x768xf32>
    %select_n3A_205 = arith.select %le3A_196, %broadcast_in_dim3A_204, %select_n3A_191 : vector<256x768xi1>, vector<256x768xf32>
    %reduce_min3A_206 = arith.constant dense<0x7F800000> : vector<256xf32>
    %reduce_min3A_207 = vector.multi_reduction <minimumf>, %select_n3A_205, %reduce_min3A_206 [1] : vector<256x768xf32> to vector<256xf32>
    %broadcast_in_dim3A_208 = vector.shape_cast %reduce_min3A_207 : vector<256xf32> to vector<256x1xf32>
    %le3A_209 = vector.broadcast %broadcast_in_dim3A_208 : vector<256x1xf32> to vector<256x768xf32>
    %le3A_210 = arith.cmpf ole, %select_n3A_205, %le3A_209 : vector<256x768xf32>
    %jit3A_211 = arith.constant 4096 : i32
    %broadcast_in_dim3A_212 = vector.broadcast %jit3A_211 : i32 to vector<256x768xi32>
    %select_n3A_213 = arith.select %le3A_210, %concatenate3A_93, %broadcast_in_dim3A_212 : vector<256x768xi1>, vector<256x768xi32>
    %reduce_min3A_214 = arith.constant dense<2147483647> : vector<256xi32>
    %reduce_min3A_215 = vector.multi_reduction <minsi>, %select_n3A_213, %reduce_min3A_214 [1] : vector<256x768xi32> to vector<256xi32>
    %broadcast_in_dim3A_216 = vector.shape_cast %reduce_min3A_215 : vector<256xi32> to vector<256x1xi32>
    %jit3A_217 = arith.constant 0x7F800000 : f32
    %broadcast_in_dim3A_218 = vector.broadcast %jit3A_217 : f32 to vector<256x768xf32>
    %select_n3A_219 = arith.select %le3A_210, %broadcast_in_dim3A_218, %select_n3A_205 : vector<256x768xi1>, vector<256x768xf32>
    %reduce_min3A_220 = arith.constant dense<0x7F800000> : vector<256xf32>
    %reduce_min3A_221 = vector.multi_reduction <minimumf>, %select_n3A_219, %reduce_min3A_220 [1] : vector<256x768xf32> to vector<256xf32>
    %broadcast_in_dim3A_222 = vector.shape_cast %reduce_min3A_221 : vector<256xf32> to vector<256x1xf32>
    %le3A_223 = vector.broadcast %broadcast_in_dim3A_222 : vector<256x1xf32> to vector<256x768xf32>
    %le3A_224 = arith.cmpf ole, %select_n3A_219, %le3A_223 : vector<256x768xf32>
    %jit3A_225 = arith.constant 4096 : i32
    %broadcast_in_dim3A_226 = vector.broadcast %jit3A_225 : i32 to vector<256x768xi32>
    %select_n3A_227 = arith.select %le3A_224, %concatenate3A_93, %broadcast_in_dim3A_226 : vector<256x768xi1>, vector<256x768xi32>
    %reduce_min3A_228 = arith.constant dense<2147483647> : vector<256xi32>
    %reduce_min3A_229 = vector.multi_reduction <minsi>, %select_n3A_227, %reduce_min3A_228 [1] : vector<256x768xi32> to vector<256xi32>
    %broadcast_in_dim3A_230 = vector.shape_cast %reduce_min3A_229 : vector<256xi32> to vector<256x1xi32>
    %jit3A_231 = arith.constant 0x7F800000 : f32
    %broadcast_in_dim3A_232 = vector.broadcast %jit3A_231 : f32 to vector<256x768xf32>
    %select_n3A_233 = arith.select %le3A_224, %broadcast_in_dim3A_232, %select_n3A_219 : vector<256x768xi1>, vector<256x768xf32>
    %reduce_min3A_234 = arith.constant dense<0x7F800000> : vector<256xf32>
    %reduce_min3A_235 = vector.multi_reduction <minimumf>, %select_n3A_233, %reduce_min3A_234 [1] : vector<256x768xf32> to vector<256xf32>
    %broadcast_in_dim3A_236 = vector.shape_cast %reduce_min3A_235 : vector<256xf32> to vector<256x1xf32>
    %le3A_237 = vector.broadcast %broadcast_in_dim3A_236 : vector<256x1xf32> to vector<256x768xf32>
    %le3A_238 = arith.cmpf ole, %select_n3A_233, %le3A_237 : vector<256x768xf32>
    %jit3A_239 = arith.constant 4096 : i32
    %broadcast_in_dim3A_240 = vector.broadcast %jit3A_239 : i32 to vector<256x768xi32>
    %select_n3A_241 = arith.select %le3A_238, %concatenate3A_93, %broadcast_in_dim3A_240 : vector<256x768xi1>, vector<256x768xi32>
    %reduce_min3A_242 = arith.constant dense<2147483647> : vector<256xi32>
    %reduce_min3A_243 = vector.multi_reduction <minsi>, %select_n3A_241, %reduce_min3A_242 [1] : vector<256x768xi32> to vector<256xi32>
    %broadcast_in_dim3A_244 = vector.shape_cast %reduce_min3A_243 : vector<256xi32> to vector<256x1xi32>
    %jit3A_245 = arith.constant 0x7F800000 : f32
    %broadcast_in_dim3A_246 = vector.broadcast %jit3A_245 : f32 to vector<256x768xf32>
    %select_n3A_247 = arith.select %le3A_238, %broadcast_in_dim3A_246, %select_n3A_233 : vector<256x768xi1>, vector<256x768xf32>
    %reduce_min3A_248 = arith.constant dense<0x7F800000> : vector<256xf32>
    %reduce_min3A_249 = vector.multi_reduction <minimumf>, %select_n3A_247, %reduce_min3A_248 [1] : vector<256x768xf32> to vector<256xf32>
    %broadcast_in_dim3A_250 = vector.shape_cast %reduce_min3A_249 : vector<256xf32> to vector<256x1xf32>
    %le3A_251 = vector.broadcast %broadcast_in_dim3A_250 : vector<256x1xf32> to vector<256x768xf32>
    %le3A_252 = arith.cmpf ole, %select_n3A_247, %le3A_251 : vector<256x768xf32>
    %jit3A_253 = arith.constant 4096 : i32
    %broadcast_in_dim3A_254 = vector.broadcast %jit3A_253 : i32 to vector<256x768xi32>
    %select_n3A_255 = arith.select %le3A_252, %concatenate3A_93, %broadcast_in_dim3A_254 : vector<256x768xi1>, vector<256x768xi32>
    %reduce_min3A_256 = arith.constant dense<2147483647> : vector<256xi32>
    %reduce_min3A_257 = vector.multi_reduction <minsi>, %select_n3A_255, %reduce_min3A_256 [1] : vector<256x768xi32> to vector<256xi32>
    %broadcast_in_dim3A_258 = vector.shape_cast %reduce_min3A_257 : vector<256xi32> to vector<256x1xi32>
    %jit3A_259 = arith.constant 0x7F800000 : f32
    %broadcast_in_dim3A_260 = vector.broadcast %jit3A_259 : f32 to vector<256x768xf32>
    %select_n3A_261 = arith.select %le3A_252, %broadcast_in_dim3A_260, %select_n3A_247 : vector<256x768xi1>, vector<256x768xf32>
    %reduce_min3A_262 = arith.constant dense<0x7F800000> : vector<256xf32>
    %reduce_min3A_263 = vector.multi_reduction <minimumf>, %select_n3A_261, %reduce_min3A_262 [1] : vector<256x768xf32> to vector<256xf32>
    %broadcast_in_dim3A_264 = vector.shape_cast %reduce_min3A_263 : vector<256xf32> to vector<256x1xf32>
    %le3A_265 = vector.broadcast %broadcast_in_dim3A_264 : vector<256x1xf32> to vector<256x768xf32>
    %le3A_266 = arith.cmpf ole, %select_n3A_261, %le3A_265 : vector<256x768xf32>
    %jit3A_267 = arith.constant 4096 : i32
    %broadcast_in_dim3A_268 = vector.broadcast %jit3A_267 : i32 to vector<256x768xi32>
    %select_n3A_269 = arith.select %le3A_266, %concatenate3A_93, %broadcast_in_dim3A_268 : vector<256x768xi1>, vector<256x768xi32>
    %reduce_min3A_270 = arith.constant dense<2147483647> : vector<256xi32>
    %reduce_min3A_271 = vector.multi_reduction <minsi>, %select_n3A_269, %reduce_min3A_270 [1] : vector<256x768xi32> to vector<256xi32>
    %broadcast_in_dim3A_272 = vector.shape_cast %reduce_min3A_271 : vector<256xi32> to vector<256x1xi32>
    %jit3A_273 = arith.constant 0x7F800000 : f32
    %broadcast_in_dim3A_274 = vector.broadcast %jit3A_273 : f32 to vector<256x768xf32>
    %select_n3A_275 = arith.select %le3A_266, %broadcast_in_dim3A_274, %select_n3A_261 : vector<256x768xi1>, vector<256x768xf32>
    %reduce_min3A_276 = arith.constant dense<0x7F800000> : vector<256xf32>
    %reduce_min3A_277 = vector.multi_reduction <minimumf>, %select_n3A_275, %reduce_min3A_276 [1] : vector<256x768xf32> to vector<256xf32>
    %broadcast_in_dim3A_278 = vector.shape_cast %reduce_min3A_277 : vector<256xf32> to vector<256x1xf32>
    %le3A_279 = vector.broadcast %broadcast_in_dim3A_278 : vector<256x1xf32> to vector<256x768xf32>
    %le3A_280 = arith.cmpf ole, %select_n3A_275, %le3A_279 : vector<256x768xf32>
    %jit3A_281 = arith.constant 4096 : i32
    %broadcast_in_dim3A_282 = vector.broadcast %jit3A_281 : i32 to vector<256x768xi32>
    %select_n3A_283 = arith.select %le3A_280, %concatenate3A_93, %broadcast_in_dim3A_282 : vector<256x768xi1>, vector<256x768xi32>
    %reduce_min3A_284 = arith.constant dense<2147483647> : vector<256xi32>
    %reduce_min3A_285 = vector.multi_reduction <minsi>, %select_n3A_283, %reduce_min3A_284 [1] : vector<256x768xi32> to vector<256xi32>
    %broadcast_in_dim3A_286 = vector.shape_cast %reduce_min3A_285 : vector<256xi32> to vector<256x1xi32>
    %jit3A_287 = arith.constant 0x7F800000 : f32
    %broadcast_in_dim3A_288 = vector.broadcast %jit3A_287 : f32 to vector<256x768xf32>
    %select_n3A_289 = arith.select %le3A_280, %broadcast_in_dim3A_288, %select_n3A_275 : vector<256x768xi1>, vector<256x768xf32>
    %reduce_min3A_290 = arith.constant dense<0x7F800000> : vector<256xf32>
    %reduce_min3A_291 = vector.multi_reduction <minimumf>, %select_n3A_289, %reduce_min3A_290 [1] : vector<256x768xf32> to vector<256xf32>
    %broadcast_in_dim3A_292 = vector.shape_cast %reduce_min3A_291 : vector<256xf32> to vector<256x1xf32>
    %le3A_293 = vector.broadcast %broadcast_in_dim3A_292 : vector<256x1xf32> to vector<256x768xf32>
    %le3A_294 = arith.cmpf ole, %select_n3A_289, %le3A_293 : vector<256x768xf32>
    %jit3A_295 = arith.constant 4096 : i32
    %broadcast_in_dim3A_296 = vector.broadcast %jit3A_295 : i32 to vector<256x768xi32>
    %select_n3A_297 = arith.select %le3A_294, %concatenate3A_93, %broadcast_in_dim3A_296 : vector<256x768xi1>, vector<256x768xi32>
    %reduce_min3A_298 = arith.constant dense<2147483647> : vector<256xi32>
    %reduce_min3A_299 = vector.multi_reduction <minsi>, %select_n3A_297, %reduce_min3A_298 [1] : vector<256x768xi32> to vector<256xi32>
    %broadcast_in_dim3A_300 = vector.shape_cast %reduce_min3A_299 : vector<256xi32> to vector<256x1xi32>
    %jit3A_301 = arith.constant 0x7F800000 : f32
    %broadcast_in_dim3A_302 = vector.broadcast %jit3A_301 : f32 to vector<256x768xf32>
    %select_n3A_303 = arith.select %le3A_294, %broadcast_in_dim3A_302, %select_n3A_289 : vector<256x768xi1>, vector<256x768xf32>
    %reduce_min3A_304 = arith.constant dense<0x7F800000> : vector<256xf32>
    %reduce_min3A_305 = vector.multi_reduction <minimumf>, %select_n3A_303, %reduce_min3A_304 [1] : vector<256x768xf32> to vector<256xf32>
    %broadcast_in_dim3A_306 = vector.shape_cast %reduce_min3A_305 : vector<256xf32> to vector<256x1xf32>
    %le3A_307 = vector.broadcast %broadcast_in_dim3A_306 : vector<256x1xf32> to vector<256x768xf32>
    %le3A_308 = arith.cmpf ole, %select_n3A_303, %le3A_307 : vector<256x768xf32>
    %jit3A_309 = arith.constant 4096 : i32
    %broadcast_in_dim3A_310 = vector.broadcast %jit3A_309 : i32 to vector<256x768xi32>
    %select_n3A_311 = arith.select %le3A_308, %concatenate3A_93, %broadcast_in_dim3A_310 : vector<256x768xi1>, vector<256x768xi32>
    %reduce_min3A_312 = arith.constant dense<2147483647> : vector<256xi32>
    %reduce_min3A_313 = vector.multi_reduction <minsi>, %select_n3A_311, %reduce_min3A_312 [1] : vector<256x768xi32> to vector<256xi32>
    %broadcast_in_dim3A_314 = vector.shape_cast %reduce_min3A_313 : vector<256xi32> to vector<256x1xi32>
    %concatenate3A_315 = tpu.concatenate %broadcast_in_dim3A_104, %broadcast_in_dim3A_118, %broadcast_in_dim3A_132, %broadcast_in_dim3A_146, %broadcast_in_dim3A_160, %broadcast_in_dim3A_174, %broadcast_in_dim3A_188, %broadcast_in_dim3A_202, %broadcast_in_dim3A_216, %broadcast_in_dim3A_230, %broadcast_in_dim3A_244, %broadcast_in_dim3A_258, %broadcast_in_dim3A_272, %broadcast_in_dim3A_286, %broadcast_in_dim3A_300, %broadcast_in_dim3A_314 in 1 : vector<256x1xi32>, vector<256x1xi32>, vector<256x1xi32>, vector<256x1xi32>, vector<256x1xi32>, vector<256x1xi32>, vector<256x1xi32>, vector<256x1xi32>, vector<256x1xi32>, vector<256x1xi32>, vector<256x1xi32>, vector<256x1xi32>, vector<256x1xi32>, vector<256x1xi32>, vector<256x1xi32>, vector<256x1xi32> -> vector<256x16xi32>
    %mul3A_316 = arith.constant 4096 : i32
    %mul3A_317 = arith.muli %arg0, %mul3A_316 : i32
    %add3A_318 = vector.broadcast %mul3A_317 : i32 to vector<256x16xi32>
    %add3A_319 = arith.addi %concatenate3A_315, %add3A_318 : vector<256x16xi32>
    %swap3A_320 = arith.constant 0 : index
    %swap3A_321 = arith.constant 0 : index
    %swap3A_322 = arith.constant 0 : index
    %swap3A_323 = vector.load %arg6[%swap3A_320, %swap3A_321, %swap3A_322] : memref<1x256x16xi32, #tpu.memory_space<vmem>>, vector<1x256x16xi32>
    %swap3A_324 = vector.shape_cast %swap3A_323 : vector<1x256x16xi32> to vector<256x16xi32>
    %swap3A_325 = vector.shape_cast %add3A_319 : vector<256x16xi32> to vector<1x256x16xi32>
    tpu.vector_store %arg6[%swap3A_320, %swap3A_321, %swap3A_322], %swap3A_325 {strides = array<i32>} : memref<1x256x16xi32, #tpu.memory_space<vmem>>, vector<1x256x16xi32>,
    %le3A_326 = vector.broadcast %broadcast_in_dim3A_306 : vector<256x1xf32> to vector<256x256xf32>
    %le3A_327 = arith.cmpf ole, %reduce_min3A_91, %le3A_326 : vector<256x256xf32>
    %jit3A_328 = arith.constant 1 : i32
    %jit3A_329 = arith.constant 0 : i32
    %broadcast_in_dim3A_330 = vector.broadcast %jit3A_328 : i32 to vector<256x256xi32>
    %broadcast_in_dim3A_331 = vector.broadcast %jit3A_329 : i32 to vector<256x256xi32>
    %select_n3A_332 = arith.select %le3A_327, %broadcast_in_dim3A_330, %broadcast_in_dim3A_331 : vector<256x256xi1>, vector<256x256xi32>
    %reduce_max3A = vector.shape_cast %select_n3A_332 : vector<256x256xi32> to vector<1x256x256xi32>
    %reduce_max3A_333 = arith.constant dense<-2147483648> : vector<1xi32>
    %reduce_max3A_334 = vector.multi_reduction <maxsi>, %reduce_max3A, %reduce_max3A_333 [1, 2] : vector<1x256x256xi32> to vector<1xi32>
    %reduce_max3A_335 = vector.shape_cast %reduce_max3A_334 : vector<1xi32> to vector<1x1x1xi32>
    %reduce_max3A_336 = vector.extract %reduce_max3A_335[0, 0, 0] : i32 from vector<1x1x1xi32>
    %gt3A = arith.constant 0 : i32
    %gt3A_337 = arith.cmpi sgt, %reduce_max3A_336, %gt3A : i32
    %convert_element_type3A = arith.extui %gt3A_337 : i1 to i32
    %cond3A = arith.constant 0 : i32
    %cond3A_338 = arith.cmpi ne, %convert_element_type3A, %cond3A : i32
    scf.if %cond3A_338 {
      %get3A_339 = arith.constant 0 : index
      %get3A_340 = arith.constant 0 : index
      %get3A_341 = arith.constant 0 : index
      %get3A_342 = vector.load %arg2[%get3A_339, %get3A_340, %get3A_341] : memref<1x256x3xf32, #tpu.memory_space<vmem>>, vector<1x256x3xf32>
      %get3A_343 = vector.shape_cast %get3A_342 : vector<1x256x3xf32> to vector<256x3xf32>
      %get3A_344 = arith.constant 0 : index
      %get3A_345 = arith.constant 0 : index
      %get3A_346 = arith.constant 0 : index
      %get3A_347 = vector.load %arg3[%get3A_344, %get3A_345, %get3A_346] : memref<1x3x4096xf32, #tpu.memory_space<vmem>>, vector<1x3x4096xf32>
      %get3A_348 = vector.shape_cast %get3A_347 : vector<1x3x4096xf32> to vector<3x4096xf32>
      %broadcast_in_dim3A_349 = arith.constant 0.000000e+00 : f32
      %broadcast_in_dim3A_350 = vector.broadcast %broadcast_in_dim3A_349 : f32 to vector<256x4096xf32>
      %slice3A_351 = vector.extract_strided_slice %get3A_343 {offsets = [0, 0], sizes = [256, 1], strides = [1, 1]} : vector<256x3xf32> to vector<256x1xf32>
      %slice3A_352 = vector.extract_strided_slice %get3A_348 {offsets = [0, 0], sizes = [1, 4096], strides = [1, 1]} : vector<3x4096xf32> to vector<1x4096xf32>
      %sub3A_353 = vector.broadcast %slice3A_351 : vector<256x1xf32> to vector<256x4096xf32>
      %sub3A_354 = vector.broadcast %slice3A_352 : vector<1x4096xf32> to vector<256x4096xf32>
      %sub3A_355 = arith.subf %sub3A_353, %sub3A_354 : vector<256x4096xf32>
      %mul3A_356 = arith.mulf %sub3A_355, %sub3A_355 : vector<256x4096xf32>
      %add3A_357 = arith.addf %broadcast_in_dim3A_350, %mul3A_356 : vector<256x4096xf32>
      %slice3A_358 = vector.extract_strided_slice %get3A_343 {offsets = [0, 1], sizes = [256, 1], strides = [1, 1]} : vector<256x3xf32> to vector<256x1xf32>
      %slice3A_359 = vector.extract_strided_slice %get3A_348 {offsets = [1, 0], sizes = [1, 4096], strides = [1, 1]} : vector<3x4096xf32> to vector<1x4096xf32>
      %sub3A_360 = vector.broadcast %slice3A_358 : vector<256x1xf32> to vector<256x4096xf32>
      %sub3A_361 = vector.broadcast %slice3A_359 : vector<1x4096xf32> to vector<256x4096xf32>
      %sub3A_362 = arith.subf %sub3A_360, %sub3A_361 : vector<256x4096xf32>
      %mul3A_363 = arith.mulf %sub3A_362, %sub3A_362 : vector<256x4096xf32>
      %add3A_364 = arith.addf %add3A_357, %mul3A_363 : vector<256x4096xf32>
      %slice3A_365 = vector.extract_strided_slice %get3A_343 {offsets = [0, 2], sizes = [256, 1], strides = [1, 1]} : vector<256x3xf32> to vector<256x1xf32>
      %slice3A_366 = vector.extract_strided_slice %get3A_348 {offsets = [2, 0], sizes = [1, 4096], strides = [1, 1]} : vector<3x4096xf32> to vector<1x4096xf32>
      %sub3A_367 = vector.broadcast %slice3A_365 : vector<256x1xf32> to vector<256x4096xf32>
      %sub3A_368 = vector.broadcast %slice3A_366 : vector<1x4096xf32> to vector<256x4096xf32>
      %sub3A_369 = arith.subf %sub3A_367, %sub3A_368 : vector<256x4096xf32>
      %mul3A_370 = arith.mulf %sub3A_369, %sub3A_369 : vector<256x4096xf32>
      %add3A_371 = arith.addf %add3A_364, %mul3A_370 : vector<256x4096xf32>
      %iota3A_372 = tpu.iota {dimensions = array<i32: 1>} : vector<256x4096xi32>
      %reduce_min3A_373 = arith.constant dense<0x7F800000> : vector<256xf32>
      %reduce_min3A_374 = vector.multi_reduction <minimumf>, %add3A_371, %reduce_min3A_373 [1] : vector<256x4096xf32> to vector<256xf32>
      %broadcast_in_dim3A_375 = vector.shape_cast %reduce_min3A_374 : vector<256xf32> to vector<256x1xf32>
      %le3A_376 = vector.broadcast %broadcast_in_dim3A_375 : vector<256x1xf32> to vector<256x4096xf32>
      %le3A_377 = arith.cmpf ole, %add3A_371, %le3A_376 : vector<256x4096xf32>
      %jit3A_378 = arith.constant 4096 : i32
      %broadcast_in_dim3A_379 = vector.broadcast %jit3A_378 : i32 to vector<256x4096xi32>
      %select_n3A_380 = arith.select %le3A_377, %iota3A_372, %broadcast_in_dim3A_379 : vector<256x4096xi1>, vector<256x4096xi32>
      %reduce_min3A_381 = arith.constant dense<2147483647> : vector<256xi32>
      %reduce_min3A_382 = vector.multi_reduction <minsi>, %select_n3A_380, %reduce_min3A_381 [1] : vector<256x4096xi32> to vector<256xi32>
      %broadcast_in_dim3A_383 = vector.shape_cast %reduce_min3A_382 : vector<256xi32> to vector<256x1xi32>
      %jit3A_384 = arith.constant 0x7F800000 : f32
      %broadcast_in_dim3A_385 = vector.broadcast %jit3A_384 : f32 to vector<256x4096xf32>
      %select_n3A_386 = arith.select %le3A_377, %broadcast_in_dim3A_385, %add3A_371 : vector<256x4096xi1>, vector<256x4096xf32>
      %reduce_min3A_387 = arith.constant dense<0x7F800000> : vector<256xf32>
      %reduce_min3A_388 = vector.multi_reduction <minimumf>, %select_n3A_386, %reduce_min3A_387 [1] : vector<256x4096xf32> to vector<256xf32>
      %broadcast_in_dim3A_389 = vector.shape_cast %reduce_min3A_388 : vector<256xf32> to vector<256x1xf32>
      %le3A_390 = vector.broadcast %broadcast_in_dim3A_389 : vector<256x1xf32> to vector<256x4096xf32>
      %le3A_391 = arith.cmpf ole, %select_n3A_386, %le3A_390 : vector<256x4096xf32>
      %jit3A_392 = arith.constant 4096 : i32
      %broadcast_in_dim3A_393 = vector.broadcast %jit3A_392 : i32 to vector<256x4096xi32>
      %select_n3A_394 = arith.select %le3A_391, %iota3A_372, %broadcast_in_dim3A_393 : vector<256x4096xi1>, vector<256x4096xi32>
      %reduce_min3A_395 = arith.constant dense<2147483647> : vector<256xi32>
      %reduce_min3A_396 = vector.multi_reduction <minsi>, %select_n3A_394, %reduce_min3A_395 [1] : vector<256x4096xi32> to vector<256xi32>
      %broadcast_in_dim3A_397 = vector.shape_cast %reduce_min3A_396 : vector<256xi32> to vector<256x1xi32>
      %jit3A_398 = arith.constant 0x7F800000 : f32
      %broadcast_in_dim3A_399 = vector.broadcast %jit3A_398 : f32 to vector<256x4096xf32>
      %select_n3A_400 = arith.select %le3A_391, %broadcast_in_dim3A_399, %select_n3A_386 : vector<256x4096xi1>, vector<256x4096xf32>
      %reduce_min3A_401 = arith.constant dense<0x7F800000> : vector<256xf32>
      %reduce_min3A_402 = vector.multi_reduction <minimumf>, %select_n3A_400, %reduce_min3A_401 [1] : vector<256x4096xf32> to vector<256xf32>
      %broadcast_in_dim3A_403 = vector.shape_cast %reduce_min3A_402 : vector<256xf32> to vector<256x1xf32>
      %le3A_404 = vector.broadcast %broadcast_in_dim3A_403 : vector<256x1xf32> to vector<256x4096xf32>
      %le3A_405 = arith.cmpf ole, %select_n3A_400, %le3A_404 : vector<256x4096xf32>
      %jit3A_406 = arith.constant 4096 : i32
      %broadcast_in_dim3A_407 = vector.broadcast %jit3A_406 : i32 to vector<256x4096xi32>
      %select_n3A_408 = arith.select %le3A_405, %iota3A_372, %broadcast_in_dim3A_407 : vector<256x4096xi1>, vector<256x4096xi32>
      %reduce_min3A_409 = arith.constant dense<2147483647> : vector<256xi32>
      %reduce_min3A_410 = vector.multi_reduction <minsi>, %select_n3A_408, %reduce_min3A_409 [1] : vector<256x4096xi32> to vector<256xi32>
      %broadcast_in_dim3A_411 = vector.shape_cast %reduce_min3A_410 : vector<256xi32> to vector<256x1xi32>
      %jit3A_412 = arith.constant 0x7F800000 : f32
      %broadcast_in_dim3A_413 = vector.broadcast %jit3A_412 : f32 to vector<256x4096xf32>
      %select_n3A_414 = arith.select %le3A_405, %broadcast_in_dim3A_413, %select_n3A_400 : vector<256x4096xi1>, vector<256x4096xf32>
      %reduce_min3A_415 = arith.constant dense<0x7F800000> : vector<256xf32>
      %reduce_min3A_416 = vector.multi_reduction <minimumf>, %select_n3A_414, %reduce_min3A_415 [1] : vector<256x4096xf32> to vector<256xf32>
      %broadcast_in_dim3A_417 = vector.shape_cast %reduce_min3A_416 : vector<256xf32> to vector<256x1xf32>
      %le3A_418 = vector.broadcast %broadcast_in_dim3A_417 : vector<256x1xf32> to vector<256x4096xf32>
      %le3A_419 = arith.cmpf ole, %select_n3A_414, %le3A_418 : vector<256x4096xf32>
      %jit3A_420 = arith.constant 4096 : i32
      %broadcast_in_dim3A_421 = vector.broadcast %jit3A_420 : i32 to vector<256x4096xi32>
      %select_n3A_422 = arith.select %le3A_419, %iota3A_372, %broadcast_in_dim3A_421 : vector<256x4096xi1>, vector<256x4096xi32>
      %reduce_min3A_423 = arith.constant dense<2147483647> : vector<256xi32>
      %reduce_min3A_424 = vector.multi_reduction <minsi>, %select_n3A_422, %reduce_min3A_423 [1] : vector<256x4096xi32> to vector<256xi32>
      %broadcast_in_dim3A_425 = vector.shape_cast %reduce_min3A_424 : vector<256xi32> to vector<256x1xi32>
      %jit3A_426 = arith.constant 0x7F800000 : f32
      %broadcast_in_dim3A_427 = vector.broadcast %jit3A_426 : f32 to vector<256x4096xf32>
      %select_n3A_428 = arith.select %le3A_419, %broadcast_in_dim3A_427, %select_n3A_414 : vector<256x4096xi1>, vector<256x4096xf32>
      %reduce_min3A_429 = arith.constant dense<0x7F800000> : vector<256xf32>
      %reduce_min3A_430 = vector.multi_reduction <minimumf>, %select_n3A_428, %reduce_min3A_429 [1] : vector<256x4096xf32> to vector<256xf32>
      %broadcast_in_dim3A_431 = vector.shape_cast %reduce_min3A_430 : vector<256xf32> to vector<256x1xf32>
      %le3A_432 = vector.broadcast %broadcast_in_dim3A_431 : vector<256x1xf32> to vector<256x4096xf32>
      %le3A_433 = arith.cmpf ole, %select_n3A_428, %le3A_432 : vector<256x4096xf32>
      %jit3A_434 = arith.constant 4096 : i32
      %broadcast_in_dim3A_435 = vector.broadcast %jit3A_434 : i32 to vector<256x4096xi32>
      %select_n3A_436 = arith.select %le3A_433, %iota3A_372, %broadcast_in_dim3A_435 : vector<256x4096xi1>, vector<256x4096xi32>
      %reduce_min3A_437 = arith.constant dense<2147483647> : vector<256xi32>
      %reduce_min3A_438 = vector.multi_reduction <minsi>, %select_n3A_436, %reduce_min3A_437 [1] : vector<256x4096xi32> to vector<256xi32>
      %broadcast_in_dim3A_439 = vector.shape_cast %reduce_min3A_438 : vector<256xi32> to vector<256x1xi32>
      %jit3A_440 = arith.constant 0x7F800000 : f32
      %broadcast_in_dim3A_441 = vector.broadcast %jit3A_440 : f32 to vector<256x4096xf32>
      %select_n3A_442 = arith.select %le3A_433, %broadcast_in_dim3A_441, %select_n3A_428 : vector<256x4096xi1>, vector<256x4096xf32>
      %reduce_min3A_443 = arith.constant dense<0x7F800000> : vector<256xf32>
      %reduce_min3A_444 = vector.multi_reduction <minimumf>, %select_n3A_442, %reduce_min3A_443 [1] : vector<256x4096xf32> to vector<256xf32>
      %broadcast_in_dim3A_445 = vector.shape_cast %reduce_min3A_444 : vector<256xf32> to vector<256x1xf32>
      %le3A_446 = vector.broadcast %broadcast_in_dim3A_445 : vector<256x1xf32> to vector<256x4096xf32>
      %le3A_447 = arith.cmpf ole, %select_n3A_442, %le3A_446 : vector<256x4096xf32>
      %jit3A_448 = arith.constant 4096 : i32
      %broadcast_in_dim3A_449 = vector.broadcast %jit3A_448 : i32 to vector<256x4096xi32>
      %select_n3A_450 = arith.select %le3A_447, %iota3A_372, %broadcast_in_dim3A_449 : vector<256x4096xi1>, vector<256x4096xi32>
      %reduce_min3A_451 = arith.constant dense<2147483647> : vector<256xi32>
      %reduce_min3A_452 = vector.multi_reduction <minsi>, %select_n3A_450, %reduce_min3A_451 [1] : vector<256x4096xi32> to vector<256xi32>
      %broadcast_in_dim3A_453 = vector.shape_cast %reduce_min3A_452 : vector<256xi32> to vector<256x1xi32>
      %jit3A_454 = arith.constant 0x7F800000 : f32
      %broadcast_in_dim3A_455 = vector.broadcast %jit3A_454 : f32 to vector<256x4096xf32>
      %select_n3A_456 = arith.select %le3A_447, %broadcast_in_dim3A_455, %select_n3A_442 : vector<256x4096xi1>, vector<256x4096xf32>
      %reduce_min3A_457 = arith.constant dense<0x7F800000> : vector<256xf32>
      %reduce_min3A_458 = vector.multi_reduction <minimumf>, %select_n3A_456, %reduce_min3A_457 [1] : vector<256x4096xf32> to vector<256xf32>
      %broadcast_in_dim3A_459 = vector.shape_cast %reduce_min3A_458 : vector<256xf32> to vector<256x1xf32>
      %le3A_460 = vector.broadcast %broadcast_in_dim3A_459 : vector<256x1xf32> to vector<256x4096xf32>
      %le3A_461 = arith.cmpf ole, %select_n3A_456, %le3A_460 : vector<256x4096xf32>
      %jit3A_462 = arith.constant 4096 : i32
      %broadcast_in_dim3A_463 = vector.broadcast %jit3A_462 : i32 to vector<256x4096xi32>
      %select_n3A_464 = arith.select %le3A_461, %iota3A_372, %broadcast_in_dim3A_463 : vector<256x4096xi1>, vector<256x4096xi32>
      %reduce_min3A_465 = arith.constant dense<2147483647> : vector<256xi32>
      %reduce_min3A_466 = vector.multi_reduction <minsi>, %select_n3A_464, %reduce_min3A_465 [1] : vector<256x4096xi32> to vector<256xi32>
      %broadcast_in_dim3A_467 = vector.shape_cast %reduce_min3A_466 : vector<256xi32> to vector<256x1xi32>
      %jit3A_468 = arith.constant 0x7F800000 : f32
      %broadcast_in_dim3A_469 = vector.broadcast %jit3A_468 : f32 to vector<256x4096xf32>
      %select_n3A_470 = arith.select %le3A_461, %broadcast_in_dim3A_469, %select_n3A_456 : vector<256x4096xi1>, vector<256x4096xf32>
      %reduce_min3A_471 = arith.constant dense<0x7F800000> : vector<256xf32>
      %reduce_min3A_472 = vector.multi_reduction <minimumf>, %select_n3A_470, %reduce_min3A_471 [1] : vector<256x4096xf32> to vector<256xf32>
      %broadcast_in_dim3A_473 = vector.shape_cast %reduce_min3A_472 : vector<256xf32> to vector<256x1xf32>
      %le3A_474 = vector.broadcast %broadcast_in_dim3A_473 : vector<256x1xf32> to vector<256x4096xf32>
      %le3A_475 = arith.cmpf ole, %select_n3A_470, %le3A_474 : vector<256x4096xf32>
      %jit3A_476 = arith.constant 4096 : i32
      %broadcast_in_dim3A_477 = vector.broadcast %jit3A_476 : i32 to vector<256x4096xi32>
      %select_n3A_478 = arith.select %le3A_475, %iota3A_372, %broadcast_in_dim3A_477 : vector<256x4096xi1>, vector<256x4096xi32>
      %reduce_min3A_479 = arith.constant dense<2147483647> : vector<256xi32>
      %reduce_min3A_480 = vector.multi_reduction <minsi>, %select_n3A_478, %reduce_min3A_479 [1] : vector<256x4096xi32> to vector<256xi32>
      %broadcast_in_dim3A_481 = vector.shape_cast %reduce_min3A_480 : vector<256xi32> to vector<256x1xi32>
      %jit3A_482 = arith.constant 0x7F800000 : f32
      %broadcast_in_dim3A_483 = vector.broadcast %jit3A_482 : f32 to vector<256x4096xf32>
      %select_n3A_484 = arith.select %le3A_475, %broadcast_in_dim3A_483, %select_n3A_470 : vector<256x4096xi1>, vector<256x4096xf32>
      %reduce_min3A_485 = arith.constant dense<0x7F800000> : vector<256xf32>
      %reduce_min3A_486 = vector.multi_reduction <minimumf>, %select_n3A_484, %reduce_min3A_485 [1] : vector<256x4096xf32> to vector<256xf32>
      %broadcast_in_dim3A_487 = vector.shape_cast %reduce_min3A_486 : vector<256xf32> to vector<256x1xf32>
      %le3A_488 = vector.broadcast %broadcast_in_dim3A_487 : vector<256x1xf32> to vector<256x4096xf32>
      %le3A_489 = arith.cmpf ole, %select_n3A_484, %le3A_488 : vector<256x4096xf32>
      %jit3A_490 = arith.constant 4096 : i32
      %broadcast_in_dim3A_491 = vector.broadcast %jit3A_490 : i32 to vector<256x4096xi32>
      %select_n3A_492 = arith.select %le3A_489, %iota3A_372, %broadcast_in_dim3A_491 : vector<256x4096xi1>, vector<256x4096xi32>
      %reduce_min3A_493 = arith.constant dense<2147483647> : vector<256xi32>
      %reduce_min3A_494 = vector.multi_reduction <minsi>, %select_n3A_492, %reduce_min3A_493 [1] : vector<256x4096xi32> to vector<256xi32>
      %broadcast_in_dim3A_495 = vector.shape_cast %reduce_min3A_494 : vector<256xi32> to vector<256x1xi32>
      %jit3A_496 = arith.constant 0x7F800000 : f32
      %broadcast_in_dim3A_497 = vector.broadcast %jit3A_496 : f32 to vector<256x4096xf32>
      %select_n3A_498 = arith.select %le3A_489, %broadcast_in_dim3A_497, %select_n3A_484 : vector<256x4096xi1>, vector<256x4096xf32>
      %reduce_min3A_499 = arith.constant dense<0x7F800000> : vector<256xf32>
      %reduce_min3A_500 = vector.multi_reduction <minimumf>, %select_n3A_498, %reduce_min3A_499 [1] : vector<256x4096xf32> to vector<256xf32>
      %broadcast_in_dim3A_501 = vector.shape_cast %reduce_min3A_500 : vector<256xf32> to vector<256x1xf32>
      %le3A_502 = vector.broadcast %broadcast_in_dim3A_501 : vector<256x1xf32> to vector<256x4096xf32>
      %le3A_503 = arith.cmpf ole, %select_n3A_498, %le3A_502 : vector<256x4096xf32>
      %jit3A_504 = arith.constant 4096 : i32
      %broadcast_in_dim3A_505 = vector.broadcast %jit3A_504 : i32 to vector<256x4096xi32>
      %select_n3A_506 = arith.select %le3A_503, %iota3A_372, %broadcast_in_dim3A_505 : vector<256x4096xi1>, vector<256x4096xi32>
      %reduce_min3A_507 = arith.constant dense<2147483647> : vector<256xi32>
      %reduce_min3A_508 = vector.multi_reduction <minsi>, %select_n3A_506, %reduce_min3A_507 [1] : vector<256x4096xi32> to vector<256xi32>
      %broadcast_in_dim3A_509 = vector.shape_cast %reduce_min3A_508 : vector<256xi32> to vector<256x1xi32>
      %jit3A_510 = arith.constant 0x7F800000 : f32
      %broadcast_in_dim3A_511 = vector.broadcast %jit3A_510 : f32 to vector<256x4096xf32>
      %select_n3A_512 = arith.select %le3A_503, %broadcast_in_dim3A_511, %select_n3A_498 : vector<256x4096xi1>, vector<256x4096xf32>
      %reduce_min3A_513 = arith.constant dense<0x7F800000> : vector<256xf32>
      %reduce_min3A_514 = vector.multi_reduction <minimumf>, %select_n3A_512, %reduce_min3A_513 [1] : vector<256x4096xf32> to vector<256xf32>
      %broadcast_in_dim3A_515 = vector.shape_cast %reduce_min3A_514 : vector<256xf32> to vector<256x1xf32>
      %le3A_516 = vector.broadcast %broadcast_in_dim3A_515 : vector<256x1xf32> to vector<256x4096xf32>
      %le3A_517 = arith.cmpf ole, %select_n3A_512, %le3A_516 : vector<256x4096xf32>
      %jit3A_518 = arith.constant 4096 : i32
      %broadcast_in_dim3A_519 = vector.broadcast %jit3A_518 : i32 to vector<256x4096xi32>
      %select_n3A_520 = arith.select %le3A_517, %iota3A_372, %broadcast_in_dim3A_519 : vector<256x4096xi1>, vector<256x4096xi32>
      %reduce_min3A_521 = arith.constant dense<2147483647> : vector<256xi32>
      %reduce_min3A_522 = vector.multi_reduction <minsi>, %select_n3A_520, %reduce_min3A_521 [1] : vector<256x4096xi32> to vector<256xi32>
      %broadcast_in_dim3A_523 = vector.shape_cast %reduce_min3A_522 : vector<256xi32> to vector<256x1xi32>
      %jit3A_524 = arith.constant 0x7F800000 : f32
      %broadcast_in_dim3A_525 = vector.broadcast %jit3A_524 : f32 to vector<256x4096xf32>
      %select_n3A_526 = arith.select %le3A_517, %broadcast_in_dim3A_525, %select_n3A_512 : vector<256x4096xi1>, vector<256x4096xf32>
      %reduce_min3A_527 = arith.constant dense<0x7F800000> : vector<256xf32>
      %reduce_min3A_528 = vector.multi_reduction <minimumf>, %select_n3A_526, %reduce_min3A_527 [1] : vector<256x4096xf32> to vector<256xf32>
      %broadcast_in_dim3A_529 = vector.shape_cast %reduce_min3A_528 : vector<256xf32> to vector<256x1xf32>
      %le3A_530 = vector.broadcast %broadcast_in_dim3A_529 : vector<256x1xf32> to vector<256x4096xf32>
      %le3A_531 = arith.cmpf ole, %select_n3A_526, %le3A_530 : vector<256x4096xf32>
      %jit3A_532 = arith.constant 4096 : i32
      %broadcast_in_dim3A_533 = vector.broadcast %jit3A_532 : i32 to vector<256x4096xi32>
      %select_n3A_534 = arith.select %le3A_531, %iota3A_372, %broadcast_in_dim3A_533 : vector<256x4096xi1>, vector<256x4096xi32>
      %reduce_min3A_535 = arith.constant dense<2147483647> : vector<256xi32>
      %reduce_min3A_536 = vector.multi_reduction <minsi>, %select_n3A_534, %reduce_min3A_535 [1] : vector<256x4096xi32> to vector<256xi32>
      %broadcast_in_dim3A_537 = vector.shape_cast %reduce_min3A_536 : vector<256xi32> to vector<256x1xi32>
      %jit3A_538 = arith.constant 0x7F800000 : f32
      %broadcast_in_dim3A_539 = vector.broadcast %jit3A_538 : f32 to vector<256x4096xf32>
      %select_n3A_540 = arith.select %le3A_531, %broadcast_in_dim3A_539, %select_n3A_526 : vector<256x4096xi1>, vector<256x4096xf32>
      %reduce_min3A_541 = arith.constant dense<0x7F800000> : vector<256xf32>
      %reduce_min3A_542 = vector.multi_reduction <minimumf>, %select_n3A_540, %reduce_min3A_541 [1] : vector<256x4096xf32> to vector<256xf32>
      %broadcast_in_dim3A_543 = vector.shape_cast %reduce_min3A_542 : vector<256xf32> to vector<256x1xf32>
      %le3A_544 = vector.broadcast %broadcast_in_dim3A_543 : vector<256x1xf32> to vector<256x4096xf32>
      %le3A_545 = arith.cmpf ole, %select_n3A_540, %le3A_544 : vector<256x4096xf32>
      %jit3A_546 = arith.constant 4096 : i32
      %broadcast_in_dim3A_547 = vector.broadcast %jit3A_546 : i32 to vector<256x4096xi32>
      %select_n3A_548 = arith.select %le3A_545, %iota3A_372, %broadcast_in_dim3A_547 : vector<256x4096xi1>, vector<256x4096xi32>
      %reduce_min3A_549 = arith.constant dense<2147483647> : vector<256xi32>
      %reduce_min3A_550 = vector.multi_reduction <minsi>, %select_n3A_548, %reduce_min3A_549 [1] : vector<256x4096xi32> to vector<256xi32>
      %broadcast_in_dim3A_551 = vector.shape_cast %reduce_min3A_550 : vector<256xi32> to vector<256x1xi32>
      %jit3A_552 = arith.constant 0x7F800000 : f32
      %broadcast_in_dim3A_553 = vector.broadcast %jit3A_552 : f32 to vector<256x4096xf32>
      %select_n3A_554 = arith.select %le3A_545, %broadcast_in_dim3A_553, %select_n3A_540 : vector<256x4096xi1>, vector<256x4096xf32>
      %reduce_min3A_555 = arith.constant dense<0x7F800000> : vector<256xf32>
      %reduce_min3A_556 = vector.multi_reduction <minimumf>, %select_n3A_554, %reduce_min3A_555 [1] : vector<256x4096xf32> to vector<256xf32>
      %broadcast_in_dim3A_557 = vector.shape_cast %reduce_min3A_556 : vector<256xf32> to vector<256x1xf32>
      %le3A_558 = vector.broadcast %broadcast_in_dim3A_557 : vector<256x1xf32> to vector<256x4096xf32>
      %le3A_559 = arith.cmpf ole, %select_n3A_554, %le3A_558 : vector<256x4096xf32>
      %jit3A_560 = arith.constant 4096 : i32
      %broadcast_in_dim3A_561 = vector.broadcast %jit3A_560 : i32 to vector<256x4096xi32>
      %select_n3A_562 = arith.select %le3A_559, %iota3A_372, %broadcast_in_dim3A_561 : vector<256x4096xi1>, vector<256x4096xi32>
      %reduce_min3A_563 = arith.constant dense<2147483647> : vector<256xi32>
      %reduce_min3A_564 = vector.multi_reduction <minsi>, %select_n3A_562, %reduce_min3A_563 [1] : vector<256x4096xi32> to vector<256xi32>
      %broadcast_in_dim3A_565 = vector.shape_cast %reduce_min3A_564 : vector<256xi32> to vector<256x1xi32>
      %jit3A_566 = arith.constant 0x7F800000 : f32
      %broadcast_in_dim3A_567 = vector.broadcast %jit3A_566 : f32 to vector<256x4096xf32>
      %select_n3A_568 = arith.select %le3A_559, %broadcast_in_dim3A_567, %select_n3A_554 : vector<256x4096xi1>, vector<256x4096xf32>
      %reduce_min3A_569 = arith.constant dense<0x7F800000> : vector<256xf32>
      %reduce_min3A_570 = vector.multi_reduction <minimumf>, %select_n3A_568, %reduce_min3A_569 [1] : vector<256x4096xf32> to vector<256xf32>
      %broadcast_in_dim3A_571 = vector.shape_cast %reduce_min3A_570 : vector<256xf32> to vector<256x1xf32>
      %le3A_572 = vector.broadcast %broadcast_in_dim3A_571 : vector<256x1xf32> to vector<256x4096xf32>
      %le3A_573 = arith.cmpf ole, %select_n3A_568, %le3A_572 : vector<256x4096xf32>
      %jit3A_574 = arith.constant 4096 : i32
      %broadcast_in_dim3A_575 = vector.broadcast %jit3A_574 : i32 to vector<256x4096xi32>
      %select_n3A_576 = arith.select %le3A_573, %iota3A_372, %broadcast_in_dim3A_575 : vector<256x4096xi1>, vector<256x4096xi32>
      %reduce_min3A_577 = arith.constant dense<2147483647> : vector<256xi32>
      %reduce_min3A_578 = vector.multi_reduction <minsi>, %select_n3A_576, %reduce_min3A_577 [1] : vector<256x4096xi32> to vector<256xi32>
      %broadcast_in_dim3A_579 = vector.shape_cast %reduce_min3A_578 : vector<256xi32> to vector<256x1xi32>
      %jit3A_580 = arith.constant 0x7F800000 : f32
      %broadcast_in_dim3A_581 = vector.broadcast %jit3A_580 : f32 to vector<256x4096xf32>
      %select_n3A_582 = arith.select %le3A_573, %broadcast_in_dim3A_581, %select_n3A_568 : vector<256x4096xi1>, vector<256x4096xf32>
      %reduce_min3A_583 = arith.constant dense<0x7F800000> : vector<256xf32>
      %reduce_min3A_584 = vector.multi_reduction <minimumf>, %select_n3A_582, %reduce_min3A_583 [1] : vector<256x4096xf32> to vector<256xf32>
      %broadcast_in_dim3A_585 = vector.shape_cast %reduce_min3A_584 : vector<256xf32> to vector<256x1xf32>
      %le3A_586 = vector.broadcast %broadcast_in_dim3A_585 : vector<256x1xf32> to vector<256x4096xf32>
      %le3A_587 = arith.cmpf ole, %select_n3A_582, %le3A_586 : vector<256x4096xf32>
      %jit3A_588 = arith.constant 4096 : i32
      %broadcast_in_dim3A_589 = vector.broadcast %jit3A_588 : i32 to vector<256x4096xi32>
      %select_n3A_590 = arith.select %le3A_587, %iota3A_372, %broadcast_in_dim3A_589 : vector<256x4096xi1>, vector<256x4096xi32>
      %reduce_min3A_591 = arith.constant dense<2147483647> : vector<256xi32>
      %reduce_min3A_592 = vector.multi_reduction <minsi>, %select_n3A_590, %reduce_min3A_591 [1] : vector<256x4096xi32> to vector<256xi32>
      %broadcast_in_dim3A_593 = vector.shape_cast %reduce_min3A_592 : vector<256xi32> to vector<256x1xi32>
      %concatenate3A_594 = tpu.concatenate %broadcast_in_dim3A_383, %broadcast_in_dim3A_397, %broadcast_in_dim3A_411, %broadcast_in_dim3A_425, %broadcast_in_dim3A_439, %broadcast_in_dim3A_453, %broadcast_in_dim3A_467, %broadcast_in_dim3A_481, %broadcast_in_dim3A_495, %broadcast_in_dim3A_509, %broadcast_in_dim3A_523, %broadcast_in_dim3A_537, %broadcast_in_dim3A_551, %broadcast_in_dim3A_565, %broadcast_in_dim3A_579, %broadcast_in_dim3A_593 in 1 : vector<256x1xi32>, vector<256x1xi32>, vector<256x1xi32>, vector<256x1xi32>, vector<256x1xi32>, vector<256x1xi32>, vector<256x1xi32>, vector<256x1xi32>, vector<256x1xi32>, vector<256x1xi32>, vector<256x1xi32>, vector<256x1xi32>, vector<256x1xi32>, vector<256x1xi32>, vector<256x1xi32>, vector<256x1xi32> -> vector<256x16xi32>
      %mul3A_595 = arith.constant 4096 : i32
      %mul3A_596 = arith.muli %arg0, %mul3A_595 : i32
      %add3A_597 = vector.broadcast %mul3A_596 : i32 to vector<256x16xi32>
      %add3A_598 = arith.addi %concatenate3A_594, %add3A_597 : vector<256x16xi32>
      %swap3A_599 = arith.constant 0 : index
      %swap3A_600 = arith.constant 0 : index
      %swap3A_601 = arith.constant 0 : index
      %swap3A_602 = vector.load %arg6[%swap3A_599, %swap3A_600, %swap3A_601] : memref<1x256x16xi32, #tpu.memory_space<vmem>>, vector<1x256x16xi32>
      %swap3A_603 = vector.shape_cast %swap3A_602 : vector<1x256x16xi32> to vector<256x16xi32>
      %swap3A_604 = vector.shape_cast %add3A_598 : vector<256x16xi32> to vector<1x256x16xi32>
      tpu.vector_store %arg6[%swap3A_599, %swap3A_600, %swap3A_601], %swap3A_604 {strides = array<i32>} : memref<1x256x16xi32, #tpu.memory_space<vmem>>, vector<1x256x16xi32>,
    } else {
    }
    return
  }
  func.func @transform_0(%arg0: i32, %arg1: i32) -> (i32, i32, i32) {
    %c0_i32 = arith.constant 0 : i32
    %c0_i32_0 = arith.constant 0 : i32
    return %arg0, %arg1, %c0_i32 : i32, i32, i32
  }
  func.func @transform_1(%arg0: i32, %arg1: i32) -> (i32, i32, i32) {
    %c0_i32 = arith.constant 0 : i32
    %c0_i32_0 = arith.constant 0 : i32
    %c0_i32_1 = arith.constant 0 : i32
    return %arg0, %c0_i32, %c0_i32_0 : i32, i32, i32
  }
  func.func @transform_2(%arg0: i32, %arg1: i32) -> (i32, i32, i32) {
    %c0_i32 = arith.constant 0 : i32
    %c0_i32_0 = arith.constant 0 : i32
    return %arg0, %arg1, %c0_i32 : i32, i32, i32
  }
  func.func @transform_3(%arg0: i32, %arg1: i32) -> (i32, i32) {
    %c0_i32 = arith.constant 0 : i32
    %c0_i32_0 = arith.constant 0 : i32
    %c0_i32_1 = arith.constant 0 : i32
    return %c0_i32, %c0_i32_0 : i32, i32
  }
  func.func @transform_4(%arg0: i32, %arg1: i32) -> (i32, i32, i32) {
    %c0_i32 = arith.constant 0 : i32
    %c0_i32_0 = arith.constant 0 : i32
    return %arg0, %arg1, %c0_i32 : i32, i32, i32
  }
  func.func @transform_5(%arg0: i32, %arg1: i32) -> (i32, i32, i32) {
    %c0_i32 = arith.constant 0 : i32
    %c0_i32_0 = arith.constant 0 : i32
    return %arg0, %arg1, %c0_i32 : i32, i32, i32
  }
}

module attributes {stable_mosaic.version = 14 : i64} {
  func.func @_attn_body(%arg0: i32, %arg1: i32, %arg2: memref<1x256x128xf32, #tpu.memory_space<vmem>>, %arg3: memref<1x4096x128xf32, #tpu.memory_space<vmem>>, %arg4: memref<64x64xf32, #tpu.memory_space<vmem>>, %arg5: memref<64x128xf32, #tpu.memory_space<vmem>>, %arg6: memref<1x64xf32, #tpu.memory_space<vmem>>, %arg7: memref<64x64xf32, #tpu.memory_space<vmem>>, %arg8: memref<1x64xf32, #tpu.memory_space<vmem>>, %arg9: memref<64x64xf32, #tpu.memory_space<vmem>>, %arg10: memref<1x64xf32, #tpu.memory_space<vmem>>, %arg11: memref<64x64xf32, #tpu.memory_space<vmem>>, %arg12: memref<1x64xf32, #tpu.memory_space<vmem>>, %arg13: memref<64x64xf32, #tpu.memory_space<vmem>>, %arg14: memref<1x64xf32, #tpu.memory_space<vmem>>, %arg15: memref<1x256x64xf32, #tpu.memory_space<vmem>>) attributes {dimension_semantics = [#tpu.dimension_semantics<arbitrary>, #tpu.dimension_semantics<arbitrary>], iteration_bounds = array<i64: 1, 16>, scalar_prefetch = 0 : i64, scratch_operands = 0 : i64, tpu.core_type = #tpu.core_type<tc>, window_params = [{transform_indices = @transform_0, window_bounds = array<i64: 1, 256, 128>}, {transform_indices = @transform_1, window_bounds = array<i64: 1, 4096, 128>}, {pipeline_mode = #tpu.pipeline_mode<synchronous>, transform_indices = @transform_2, window_bounds = array<i64: 64, 64>}, {pipeline_mode = #tpu.pipeline_mode<synchronous>, transform_indices = @transform_3, window_bounds = array<i64: 64, 128>}, {pipeline_mode = #tpu.pipeline_mode<synchronous>, transform_indices = @transform_4, window_bounds = array<i64: 1, 64>}, {pipeline_mode = #tpu.pipeline_mode<synchronous>, transform_indices = @transform_5, window_bounds = array<i64: 64, 64>}, {pipeline_mode = #tpu.pipeline_mode<synchronous>, transform_indices = @transform_6, window_bounds = array<i64: 1, 64>}, {pipeline_mode = #tpu.pipeline_mode<synchronous>, transform_indices = @transform_7, window_bounds = array<i64: 64, 64>}, {pipeline_mode = #tpu.pipeline_mode<synchronous>, transform_indices = @transform_8, window_bounds = array<i64: 1, 64>}, {pipeline_mode = #tpu.pipeline_mode<synchronous>, transform_indices = @transform_9, window_bounds = array<i64: 64, 64>}, {pipeline_mode = #tpu.pipeline_mode<synchronous>, transform_indices = @transform_10, window_bounds = array<i64: 1, 64>}, {pipeline_mode = #tpu.pipeline_mode<synchronous>, transform_indices = @transform_11, window_bounds = array<i64: 64, 64>}, {pipeline_mode = #tpu.pipeline_mode<synchronous>, transform_indices = @transform_12, window_bounds = array<i64: 1, 64>}, {transform_indices = @transform_13, window_bounds = array<i64: 1, 256, 64>}]} {
    %get3A = arith.constant 0 : index
    %get3A_0 = arith.constant 0 : index
    %get3A_1 = arith.constant 0 : index
    %get3A_2 = vector.load %arg2[%get3A, %get3A_0, %get3A_1] : memref<1x256x128xf32, #tpu.memory_space<vmem>>, vector<1x256x128xf32>
    %get3A_3 = vector.shape_cast %get3A_2 : vector<1x256x128xf32> to vector<256x128xf32>
    %get3A_4 = arith.constant 0 : index
    %get3A_5 = arith.constant 0 : index
    %get3A_6 = arith.constant 0 : index
    %get3A_7 = vector.load %arg3[%get3A_4, %get3A_5, %get3A_6] : memref<1x4096x128xf32, #tpu.memory_space<vmem>>, vector<1x4096x128xf32>
    %get3A_8 = vector.shape_cast %get3A_7 : vector<1x4096x128xf32> to vector<4096x128xf32>
    %slice3A = vector.extract_strided_slice %get3A_3 {offsets = [0, 0], sizes = [256, 64], strides = [1, 1]} : vector<256x128xf32> to vector<256x64xf32>
    %slice3A_9 = vector.extract_strided_slice %get3A_3 {offsets = [0, 64], sizes = [256, 64], strides = [1, 1]} : vector<256x128xf32> to vector<256x64xf32>
    %slice3A_10 = vector.extract_strided_slice %get3A_8 {offsets = [0, 0], sizes = [4096, 64], strides = [1, 1]} : vector<4096x128xf32> to vector<4096x64xf32>
    %slice3A_11 = vector.extract_strided_slice %get3A_8 {offsets = [0, 64], sizes = [4096, 64], strides = [1, 1]} : vector<4096x128xf32> to vector<4096x64xf32>
    %get3A_12 = arith.constant 0 : index
    %get3A_13 = arith.constant 0 : index
    %get3A_14 = vector.load %arg4[%get3A_12, %get3A_13] : memref<64x64xf32, #tpu.memory_space<vmem>>, vector<64x64xf32>
    %dot_general3A = arith.constant dense<0.000000e+00> : vector<256x64xf32>
    %dot_general3A_15 = tpu.matmul %slice3A, %get3A_14, %dot_general3A {dimension_numbers = #tpu.dot_dimension_numbers<[1], [0], [0], [1], [0, 0, 1, 1], [], []>, transpose_lhs_hint = false} : vector<256x64xf32>, vector<64x64xf32>, vector<256x64xf32> -> vector<256x64xf32>
    %get3A_16 = arith.constant 0 : index
    %get3A_17 = arith.constant 0 : index
    %get3A_18 = vector.load %arg5[%get3A_16, %get3A_17] : memref<64x128xf32, #tpu.memory_space<vmem>>, vector<64x128xf32>
    %dot_general3A_19 = arith.constant dense<0.000000e+00> : vector<4096x128xf32>
    %dot_general3A_20 = tpu.matmul %slice3A_10, %get3A_18, %dot_general3A_19 {dimension_numbers = #tpu.dot_dimension_numbers<[1], [0], [0], [1], [0, 0, 1, 1], [], []>, transpose_lhs_hint = false} : vector<4096x64xf32>, vector<64x128xf32>, vector<4096x128xf32> -> vector<4096x128xf32>
    %broadcast_in_dim3A = vector.shape_cast %slice3A_9 : vector<256x64xf32> to vector<256x1x64xf32>
    %reshape3A = vector.shape_cast %slice3A_11 : vector<4096x64xf32> to vector<256x16x64xf32>
    %sub3A = vector.broadcast %broadcast_in_dim3A : vector<256x1x64xf32> to vector<256x16x64xf32>
    %sub3A_21 = arith.subf %sub3A, %reshape3A : vector<256x16x64xf32>
    %get3A_22 = arith.constant 0 : index
    %get3A_23 = arith.constant 0 : index
    %get3A_24 = vector.load %arg6[%get3A_22, %get3A_23] : memref<1x64xf32, #tpu.memory_space<vmem>>, vector<1x64xf32>
    %broadcast_in_dim3A_25 = vector.shape_cast %get3A_24 : vector<1x64xf32> to vector<1x1x64xf32>
    %add3A = vector.broadcast %broadcast_in_dim3A_25 : vector<1x1x64xf32> to vector<256x16x64xf32>
    %add3A_26 = arith.addf %sub3A_21, %add3A : vector<256x16x64xf32>
    %reshape3A_27 = vector.shape_cast %add3A_26 : vector<256x16x64xf32> to vector<4096x64xf32>
    %max3A = arith.constant 0.000000e+00 : f32
    %max3A_28 = vector.broadcast %max3A : f32 to vector<4096x64xf32>
    %max3A_29 = arith.maximumf %reshape3A_27, %max3A_28 : vector<4096x64xf32>
    %get3A_30 = arith.constant 0 : index
    %get3A_31 = arith.constant 0 : index
    %get3A_32 = vector.load %arg7[%get3A_30, %get3A_31] : memref<64x64xf32, #tpu.memory_space<vmem>>, vector<64x64xf32>
    %dot_general3A_33 = arith.constant dense<0.000000e+00> : vector<4096x64xf32>
    %dot_general3A_34 = tpu.matmul %max3A_29, %get3A_32, %dot_general3A_33 {dimension_numbers = #tpu.dot_dimension_numbers<[1], [0], [0], [1], [0, 0, 1, 1], [], []>, transpose_lhs_hint = false} : vector<4096x64xf32>, vector<64x64xf32>, vector<4096x64xf32> -> vector<4096x64xf32>
    %get3A_35 = arith.constant 0 : index
    %get3A_36 = arith.constant 0 : index
    %get3A_37 = vector.load %arg8[%get3A_35, %get3A_36] : memref<1x64xf32, #tpu.memory_space<vmem>>, vector<1x64xf32>
    %add3A_38 = vector.broadcast %get3A_37 : vector<1x64xf32> to vector<4096x64xf32>
    %add3A_39 = arith.addf %dot_general3A_34, %add3A_38 : vector<4096x64xf32>
    %broadcast_in_dim3A_40 = vector.shape_cast %dot_general3A_15 : vector<256x64xf32> to vector<256x1x64xf32>
    %slice3A_41 = vector.extract_strided_slice %dot_general3A_20 {offsets = [0, 0], sizes = [4096, 64], strides = [1, 1]} : vector<4096x128xf32> to vector<4096x64xf32>
    %reshape3A_42 = vector.shape_cast %slice3A_41 : vector<4096x64xf32> to vector<256x16x64xf32>
    %sub3A_43 = vector.broadcast %broadcast_in_dim3A_40 : vector<256x1x64xf32> to vector<256x16x64xf32>
    %sub3A_44 = arith.subf %sub3A_43, %reshape3A_42 : vector<256x16x64xf32>
    %reshape3A_45 = vector.shape_cast %add3A_39 : vector<4096x64xf32> to vector<256x16x64xf32>
    %add3A_46 = arith.addf %sub3A_44, %reshape3A_45 : vector<256x16x64xf32>
    %reshape3A_47 = vector.shape_cast %add3A_46 : vector<256x16x64xf32> to vector<4096x64xf32>
    %get3A_48 = arith.constant 0 : index
    %get3A_49 = arith.constant 0 : index
    %get3A_50 = vector.load %arg9[%get3A_48, %get3A_49] : memref<64x64xf32, #tpu.memory_space<vmem>>, vector<64x64xf32>
    %dot_general3A_51 = arith.constant dense<0.000000e+00> : vector<4096x64xf32>
    %dot_general3A_52 = tpu.matmul %reshape3A_47, %get3A_50, %dot_general3A_51 {dimension_numbers = #tpu.dot_dimension_numbers<[1], [0], [0], [1], [0, 0, 1, 1], [], []>, transpose_lhs_hint = false} : vector<4096x64xf32>, vector<64x64xf32>, vector<4096x64xf32> -> vector<4096x64xf32>
    %get3A_53 = arith.constant 0 : index
    %get3A_54 = arith.constant 0 : index
    %get3A_55 = vector.load %arg10[%get3A_53, %get3A_54] : memref<1x64xf32, #tpu.memory_space<vmem>>, vector<1x64xf32>
    %add3A_56 = vector.broadcast %get3A_55 : vector<1x64xf32> to vector<4096x64xf32>
    %add3A_57 = arith.addf %dot_general3A_52, %add3A_56 : vector<4096x64xf32>
    %max3A_58 = arith.constant 0.000000e+00 : f32
    %max3A_59 = vector.broadcast %max3A_58 : f32 to vector<4096x64xf32>
    %max3A_60 = arith.maximumf %add3A_57, %max3A_59 : vector<4096x64xf32>
    %get3A_61 = arith.constant 0 : index
    %get3A_62 = arith.constant 0 : index
    %get3A_63 = vector.load %arg11[%get3A_61, %get3A_62] : memref<64x64xf32, #tpu.memory_space<vmem>>, vector<64x64xf32>
    %dot_general3A_64 = arith.constant dense<0.000000e+00> : vector<4096x64xf32>
    %dot_general3A_65 = tpu.matmul %max3A_60, %get3A_63, %dot_general3A_64 {dimension_numbers = #tpu.dot_dimension_numbers<[1], [0], [0], [1], [0, 0, 1, 1], [], []>, transpose_lhs_hint = false} : vector<4096x64xf32>, vector<64x64xf32>, vector<4096x64xf32> -> vector<4096x64xf32>
    %get3A_66 = arith.constant 0 : index
    %get3A_67 = arith.constant 0 : index
    %get3A_68 = vector.load %arg12[%get3A_66, %get3A_67] : memref<1x64xf32, #tpu.memory_space<vmem>>, vector<1x64xf32>
    %add3A_69 = vector.broadcast %get3A_68 : vector<1x64xf32> to vector<4096x64xf32>
    %add3A_70 = arith.addf %dot_general3A_65, %add3A_69 : vector<4096x64xf32>
    %reshape3A_71 = vector.shape_cast %add3A_70 : vector<4096x64xf32> to vector<256x16x64xf32>
    %mul3A = arith.constant 1.250000e-01 : f32
    %mul3A_72 = vector.broadcast %mul3A : f32 to vector<256x16x64xf32>
    %mul3A_73 = arith.mulf %reshape3A_71, %mul3A_72 : vector<256x16x64xf32>
    %reduce_max3A = arith.constant dense<0xFF800000> : vector<256x64xf32>
    %reduce_max3A_74 = vector.multi_reduction <maximumf>, %mul3A_73, %reduce_max3A [1] : vector<256x16x64xf32> to vector<256x64xf32>
    %broadcast_in_dim3A_75 = vector.shape_cast %reduce_max3A_74 : vector<256x64xf32> to vector<256x1x64xf32>
    %sub3A_76 = vector.broadcast %broadcast_in_dim3A_75 : vector<256x1x64xf32> to vector<256x16x64xf32>
    %sub3A_77 = arith.subf %mul3A_73, %sub3A_76 : vector<256x16x64xf32>
    %exp3A = math.exp %sub3A_77 : vector<256x16x64xf32>
    %reduce_sum3A = arith.constant dense<0.000000e+00> : vector<256x64xf32>
    %reduce_sum3A_78 = vector.multi_reduction <add>, %exp3A, %reduce_sum3A [1] : vector<256x16x64xf32> to vector<256x64xf32>
    %broadcast_in_dim3A_79 = vector.shape_cast %reduce_sum3A_78 : vector<256x64xf32> to vector<256x1x64xf32>
    %div3A = vector.broadcast %broadcast_in_dim3A_79 : vector<256x1x64xf32> to vector<256x16x64xf32>
    %div3A_80 = arith.divf %exp3A, %div3A : vector<256x16x64xf32>
    %slice3A_81 = vector.extract_strided_slice %dot_general3A_20 {offsets = [0, 64], sizes = [4096, 64], strides = [1, 1]} : vector<4096x128xf32> to vector<4096x64xf32>
    %reshape3A_82 = vector.shape_cast %slice3A_81 : vector<4096x64xf32> to vector<256x16x64xf32>
    %reshape3A_83 = vector.shape_cast %add3A_39 : vector<4096x64xf32> to vector<256x16x64xf32>
    %add3A_84 = arith.addf %reshape3A_82, %reshape3A_83 : vector<256x16x64xf32>
    %mul3A_85 = arith.mulf %div3A_80, %add3A_84 : vector<256x16x64xf32>
    %reduce_sum3A_86 = arith.constant dense<0.000000e+00> : vector<256x64xf32>
    %reduce_sum3A_87 = vector.multi_reduction <add>, %mul3A_85, %reduce_sum3A_86 [1] : vector<256x16x64xf32> to vector<256x64xf32>
    %get3A_88 = arith.constant 0 : index
    %get3A_89 = arith.constant 0 : index
    %get3A_90 = vector.load %arg13[%get3A_88, %get3A_89] : memref<64x64xf32, #tpu.memory_space<vmem>>, vector<64x64xf32>
    %dot_general3A_91 = arith.constant dense<0.000000e+00> : vector<256x64xf32>
    %dot_general3A_92 = tpu.matmul %reduce_sum3A_87, %get3A_90, %dot_general3A_91 {dimension_numbers = #tpu.dot_dimension_numbers<[1], [0], [0], [1], [0, 0, 1, 1], [], []>, transpose_lhs_hint = false} : vector<256x64xf32>, vector<64x64xf32>, vector<256x64xf32> -> vector<256x64xf32>
    %get3A_93 = arith.constant 0 : index
    %get3A_94 = arith.constant 0 : index
    %get3A_95 = vector.load %arg14[%get3A_93, %get3A_94] : memref<1x64xf32, #tpu.memory_space<vmem>>, vector<1x64xf32>
    %add3A_96 = vector.broadcast %get3A_95 : vector<1x64xf32> to vector<256x64xf32>
    %add3A_97 = arith.addf %dot_general3A_92, %add3A_96 : vector<256x64xf32>
    %add3A_98 = arith.addf %add3A_97, %slice3A : vector<256x64xf32>
    %swap3A = arith.constant 0 : index
    %swap3A_99 = arith.constant 0 : index
    %swap3A_100 = arith.constant 0 : index
    %swap3A_101 = vector.load %arg15[%swap3A, %swap3A_99, %swap3A_100] : memref<1x256x64xf32, #tpu.memory_space<vmem>>, vector<1x256x64xf32>
    %swap3A_102 = vector.shape_cast %swap3A_101 : vector<1x256x64xf32> to vector<256x64xf32>
    %swap3A_103 = vector.shape_cast %add3A_98 : vector<256x64xf32> to vector<1x256x64xf32>
    tpu.vector_store %arg15[%swap3A, %swap3A_99, %swap3A_100], %swap3A_103 {strides = array<i32>} : memref<1x256x64xf32, #tpu.memory_space<vmem>>, vector<1x256x64xf32>,
    return
  }
  func.func @transform_0(%arg0: i32, %arg1: i32) -> (i32, i32, i32) {
    %c0_i32 = arith.constant 0 : i32
    %c0_i32_0 = arith.constant 0 : i32
    return %arg0, %arg1, %c0_i32 : i32, i32, i32
  }
  func.func @transform_1(%arg0: i32, %arg1: i32) -> (i32, i32, i32) {
    %c0_i32 = arith.constant 0 : i32
    %c0_i32_0 = arith.constant 0 : i32
    return %arg0, %arg1, %c0_i32 : i32, i32, i32
  }
  func.func @transform_2(%arg0: i32, %arg1: i32) -> (i32, i32) {
    %c0_i32 = arith.constant 0 : i32
    %c0_i32_0 = arith.constant 0 : i32
    %c0_i32_1 = arith.constant 0 : i32
    return %c0_i32, %c0_i32_0 : i32, i32
  }
  func.func @transform_3(%arg0: i32, %arg1: i32) -> (i32, i32) {
    %c0_i32 = arith.constant 0 : i32
    %c0_i32_0 = arith.constant 0 : i32
    %c0_i32_1 = arith.constant 0 : i32
    return %c0_i32, %c0_i32_0 : i32, i32
  }
  func.func @transform_4(%arg0: i32, %arg1: i32) -> (i32, i32) {
    %c0_i32 = arith.constant 0 : i32
    %c0_i32_0 = arith.constant 0 : i32
    %c0_i32_1 = arith.constant 0 : i32
    return %c0_i32, %c0_i32_0 : i32, i32
  }
  func.func @transform_5(%arg0: i32, %arg1: i32) -> (i32, i32) {
    %c0_i32 = arith.constant 0 : i32
    %c0_i32_0 = arith.constant 0 : i32
    %c0_i32_1 = arith.constant 0 : i32
    return %c0_i32, %c0_i32_0 : i32, i32
  }
  func.func @transform_6(%arg0: i32, %arg1: i32) -> (i32, i32) {
    %c0_i32 = arith.constant 0 : i32
    %c0_i32_0 = arith.constant 0 : i32
    %c0_i32_1 = arith.constant 0 : i32
    return %c0_i32, %c0_i32_0 : i32, i32
  }
  func.func @transform_7(%arg0: i32, %arg1: i32) -> (i32, i32) {
    %c0_i32 = arith.constant 0 : i32
    %c0_i32_0 = arith.constant 0 : i32
    %c0_i32_1 = arith.constant 0 : i32
    return %c0_i32, %c0_i32_0 : i32, i32
  }
  func.func @transform_8(%arg0: i32, %arg1: i32) -> (i32, i32) {
    %c0_i32 = arith.constant 0 : i32
    %c0_i32_0 = arith.constant 0 : i32
    %c0_i32_1 = arith.constant 0 : i32
    return %c0_i32, %c0_i32_0 : i32, i32
  }
  func.func @transform_9(%arg0: i32, %arg1: i32) -> (i32, i32) {
    %c0_i32 = arith.constant 0 : i32
    %c0_i32_0 = arith.constant 0 : i32
    %c0_i32_1 = arith.constant 0 : i32
    return %c0_i32, %c0_i32_0 : i32, i32
  }
  func.func @transform_10(%arg0: i32, %arg1: i32) -> (i32, i32) {
    %c0_i32 = arith.constant 0 : i32
    %c0_i32_0 = arith.constant 0 : i32
    %c0_i32_1 = arith.constant 0 : i32
    return %c0_i32, %c0_i32_0 : i32, i32
  }
  func.func @transform_11(%arg0: i32, %arg1: i32) -> (i32, i32) {
    %c0_i32 = arith.constant 0 : i32
    %c0_i32_0 = arith.constant 0 : i32
    %c0_i32_1 = arith.constant 0 : i32
    return %c0_i32, %c0_i32_0 : i32, i32
  }
  func.func @transform_12(%arg0: i32, %arg1: i32) -> (i32, i32) {
    %c0_i32 = arith.constant 0 : i32
    %c0_i32_0 = arith.constant 0 : i32
    %c0_i32_1 = arith.constant 0 : i32
    return %c0_i32, %c0_i32_0 : i32, i32
  }
  func.func @transform_13(%arg0: i32, %arg1: i32) -> (i32, i32, i32) {
    %c0_i32 = arith.constant 0 : i32
    %c0_i32_0 = arith.constant 0 : i32
    return %arg0, %arg1, %c0_i32 : i32, i32, i32
  }
}

</mosaic_0001>

<sc_bundles>
// kernel: kernel.10.cloned.1.call-start
scs
__scs_entry_jumppad:
0x0: {  	(pc) =	sbr.rel $0x88, $3  }
0x1: {  	(tag) =	ssettag $0x0;
	lr =	simm.s32 $0x1  }
0x2: {  	[smem:$0x3F92] =	sst lr;
	_ =	strace $0xD0000000  }
0x3: {  	_ = 	snop  }
0x4: {  	_ = 	snop  }
0x5: {  	_ = 	snop  }
0x6: {  	_ = 	snop  }
0x7: {  	_ = 	snop  }
__scs_overlays_trampoline_lowered:
0x8: {  	[smem:$0x3FA1] =	sst s0  }
0x9: {  	[smem:$0x3FA2] =	sst s1  }
0xa: {  	[smem:$0x3FA3] =	sst s2  }
0xb: {  	[smem:$0x3FA4] =	sst s3  }
0xc: {  	[smem:$0x3FA5] =	sst s4  }
0xd: {  	[smem:$0x3FA6] =	sst s5  }
0xe: {  	[smem:$0x3FA7] =	sst s6  }
0xf: {  	[smem:$0x3FA8] =	sst s7  }
0x10: {  	[smem:$0x3FA9] =	sst s8  }
0x11: {  	[smem:$0x3FAA] =	sst s9;
	s0 =	simm.s32 @!p0 $0x0  }
0x12: {  	s1 =	sld [smem:$0x3F90];
	s0 =	simm.s32 @p0 $0x1  }
0x13: {  	[smem:$0x3FAB] =	sst s0;
	s0 =	simm.s32 @!p1 $0x0  }
0x14: {  	s2 =	sld [smem:$0x3F8F];
	s0 =	simm.s32 @p1 $0x1  }
0x15: {  	[smem:$0x3FAC] =	sst s0;
	s0 =	simm.s32 @!p2 $0x0  }
0x16: {  	s3 =	sld [smem:$0x3FDB];
	s0 =	simm.s32 @p2 $0x1  }
0x17: {  	s4 =	simm.s32 $0x1BF5;
	[smem:$0x3FAE] =	sst s0  }
0x18: {  	s0 =	sld [smem:$0x3F91];
	_ =	swait.ge [sflag:s4], $0x0  }
0x19: {  	s7 =	sld [smem:$0x3F92]  }
0x1a: {  	s8 =	sadd.s32 $0xFFFFE003, lr  }
0x1b: {  	s9 =	sadd.s32 $0xFFFFFEF7, lr;
	s5 =	simm.s32 $0xFFFFFFFF;
	p2 =	slt.u32 s8, $0xFFFFF086  }
0x1c: {  	p1 =	slt.u32 s9, $0xF7A;
	s5 =	simm.s32 @!p2 $0x0  }
0x1d: {  	s5 =	simm.s32 @p1 $0x1;
	p0 =	seq.s32 s7, s2  }
0x1e: {  	s7 =	smul.u32 @!p0 $0xF7A, s2;
	p2 =	seq.s32 @!p0 s5, $0x0  }
0x1f: {  	s9 =	smul.u32 $0xF7A, s1;
	s8 =	simm.s32 @!p0 $0x1BF5;
	p2 =	por !p2, p0  }
0x20: {  	[sflag:s8] =	ssyncset.s32 @!p0 $0xFFFFF086;
	s6 =	sadd.s32 @!p0 s3, s7;
	s7 =	simm.s32 @!p0 $0x108  }
0x21: {  	s3 =	sadd.s32 s3, s9;
	s6 =	sadd.s32 @!p0 $0x88, s6;
	s7 =	simm.s32 @p2 $0x1082  }
0x22: {  	[simem:s7], [sflag:s8] =	dma.local @!p0 [hbm:s6], $0xF7A  }
0x23: {  	s9 =	sor.u32 $0xD0000000, s2;
	s6 =	simm.s32 $0x108;
	_ =	swait.ge @!p0 [sflag:s8], $0x0  }
0x24: {  	s3 =	sadd.s32 $0x88, s3;
	s6 =	simm.s32 @!p1 $0x1082;
	[sflag:s4] =	ssyncset.s32 $0xFFFFF086  }
0x25: {  	[simem:s6], [sflag:s4] =	dma.local [hbm:s3], $0xF7A  }
0x26: {  	[smem:$0x3F92] =	sst s1;
	(tag) =	ssettag s2;
	_ =	strace s9  }
0x27: {  	s1 =	sld [smem:$0x3FA2]  }
0x28: {  	s2 =	sld [smem:$0x3FA3]  }
0x29: {  	s4 =	sld [smem:$0x3FA5]  }
0x2a: {  	p0 =	seq.s32 s5, $0x0;
	s5 =	sld [smem:$0x3FA6]  }
0x2b: {  	s6 =	sld [smem:$0x3FA7]  }
0x2c: {  	s7 =	sld [smem:$0x3FA8]  }
0x2d: {  	s3 =	simm.s32 $0x108;
	s8 =	sld [smem:$0x3FA9]  }
0x2e: {  	s3 =	simm.s32 @!p0 $0x1082;
	s9 =	sld [smem:$0x3FAA]  }
0x2f: {  	lr =	sadd.s32 s0, s3;
	s0 =	sld [smem:$0x3FA1]  }
0x30: {  	s3 =	sld [smem:$0x3FA4]  }
0x31: {  	[smem:$0x3FAD] =	sst s10  }
0x32: {  	s10 =	sld [smem:$0x3FAB];
	_ =	sdelay $0x3  }
0x33: {  	p0 =	seq.s32 s10, $0x1;
	s10 =	sld [smem:$0x3FAD];
	_ =	sdelay $0x3  }
0x34: {  	[smem:$0x3FAD] =	sst s10  }
0x35: {  	s10 =	sld [smem:$0x3FAC];
	_ =	sdelay $0x3  }
0x36: {  	p1 =	seq.s32 s10, $0x1;
	s10 =	sld [smem:$0x3FAD];
	_ =	sdelay $0x3  }
0x37: {  	[smem:$0x3FAD] =	sst s10  }
0x38: {  	s10 =	sld [smem:$0x3FAE]  }
0x39: {  	_ = 	snop;
	(pc) =	sbr.ind lr, $3  }
0x3a: {  	_ = 	snop  }
0x3b: {  	_ = 	snop  }
0x3c: {  	p2 =	seq.s32 s10, $0x1;
	s10 =	sld [smem:$0x3FAD]  }
0x3d: {  	_ =	shalt  }
0x3e: {  	_ =	shalt  }
0x3f: {  	_ =	shalt  }
0x40: {  	_ =	shalt  }
0x41: {  	_ =	shalt  }
0x42: {  	_ =	shalt  }
0x43: {  	_ =	shalt  }
0x44: {  	_ =	shalt  }
0x45: {  	_ =	shalt  }
0x46: {  	_ =	shalt  }
0x47: {  	_ =	shalt  }
0x48: {  	_ =	shalt  }
0x49: {  	_ =	shalt  }
0x4a: {  	_ =	shalt  }
0x4b: {  	_ =	shalt  }
0x4c: {  	_ =	shalt  }
0x4d: {  	_ =	shalt  }
0x4e: {  	_ =	shalt  }
0x4f: {  	_ =	shalt  }
0x50: {  	_ =	shalt  }
0x51: {  	_ =	shalt  }
0x52: {  	_ =	shalt  }
0x53: {  	_ =	shalt  }
0x54: {  	_ =	shalt  }
0x55: {  	_ =	shalt  }
0x56: {  	_ =	shalt  }
0x57: {  	_ =	shalt  }
0x58: {  	_ =	shalt  }
0x59: {  	_ =	shalt  }
0x5a: {  	_ =	shalt  }
0x5b: {  	_ =	shalt  }
0x5c: {  	_ =	shalt  }
0x5d: {  	_ =	shalt  }
0x5e: {  	_ =	shalt  }
0x5f: {  	_ =	shalt  }
0x60: {  	_ =	shalt  }
0x61: {  	_ =	shalt  }
0x62: {  	_ =	shalt  }
0x63: {  	_ =	shalt  }
0x64: {  	_ =	shalt  }
0x65: {  	_ =	shalt  }
0x66: {  	_ =	shalt  }
0x67: {  	_ =	shalt  }
0x68: {  	_ =	shalt  }
0x69: {  	_ =	shalt  }
0x6a: {  	_ =	shalt  }
0x6b: {  	_ =	shalt  }
0x6c: {  	_ =	shalt  }
0x6d: {  	_ =	shalt  }
0x6e: {  	_ =	shalt  }
0x6f: {  	_ =	shalt  }
0x70: {  	_ =	shalt  }
0x71: {  	_ =	shalt  }
0x72: {  	_ =	shalt  }
0x73: {  	_ =	shalt  }
0x74: {  	_ =	shalt  }
0x75: {  	_ =	shalt  }
0x76: {  	_ =	shalt  }
0x77: {  	_ =	shalt  }
0x78: {  	_ =	shalt  }
0x79: {  	_ =	shalt  }
0x7a: {  	_ =	shalt  }
0x7b: {  	_ =	shalt  }
0x7c: {  	_ =	shalt  }
0x7d: {  	_ =	shalt  }
0x7e: {  	_ =	shalt  }
0x7f: {  	_ =	shalt  }
0x80: {  	_ =	shalt  }
0x81: {  	_ =	shalt  }
0x82: {  	_ =	shalt  }
0x83: {  	_ =	shalt  }
0x84: {  	_ =	shalt  }
0x85: {  	_ =	shalt  }
0x86: {  	_ =	shalt  }
0x87: {  	_ =	shalt  }
.Lfunc_end0:
.L_simem_size_0:
called_computation.1_lowered:
.L_overlay_start_0:
0x88: {  	s2 =	sld [smem:$0x3FD9]  }
0x89: {  	s3 =	sld [smem:$0x3FFE];
	_ =	sdelay $0x1  }
0x8a: {  	s1 =	srdreg.scid  }
0x8b: {  	s0 =	sand.u32 $0x1, s1  }
0x8c: {  	s17 =	sshll.u32 s0, $0xA;
	s2 =	sadd.s32 s3, s2  }
0x8d: {  	s2 =	sadd.s32 s2, s17  }
0x8e: {  	[smem:$0x3FB9] =	sst s2  }
0x8f: {  	_ = 	snop  }
0x90: {  	s2 =	sld [smem:$0x3FD0];
	(tm) =	ssettm $0x1  }
0x91: {  	s18 =	sld [smem:$0x3FFB];
	_ =	sdelay $0x3  }
0x92: {  	_ =	strace s18  }
0x93: {  	s3 =	sld [smem:$0x3FFC];
	_ =	sdelay $0x3  }
0x94: {  	_ =	strace s3  }
0x95: {  	s3 =	sld [smem:$0x3FFD];
	_ =	sdelay $0x3  }
0x96: {  	_ =	strace s3  }
0x97: {  	_ =	strace $0x8FFFFFFF  }
0x98: {  	s19 =	sld [smem:$0x3FDB];
	_ =	sdelay $0x1  }
0x99: {  	s4 =	simm.s32 $_scs_section_size  }
0x9a: {  	s5 =	simm.s32 $_size__tile_overlayer_lowered;
	s6 =	simm.s32 $_tile_overlayer_lowered  }
0x9b: {  	s22 =	simm.s32 $0x1BFF;
	s21 =	sshll.u32 s6, $0x1;
	s3 =	sadd.s32 s4, s19  }
0x9c: {  	s7 =	simm.s32 $0x0;
	s20 =	sshll.u32 s5, $0x1;
	s5 =	sadd.s32 s21, s3  }
0x9d: {  	[timem:s7], [sflag:s22] =	dma.local [hbm:s5], s20  }
0x9e: {  	_ =	swait.ge [sflag:s22], s20  }
0x9f: {  	s4 =	ssub.s32 $0x0, s20;
	[sflag:s22] =	ssyncset.done $0x0  }
0xa0: {  	[sflag:s22] =	ssyncadd.s32 s4;
	_ =	sdelay $0x1  }
0xa1: {  	s23 =	simm.s32 $0x1B8B  }
0xa2: {  	_ =	swait.ge [sflag:s23], $0x1  }
0xa3: {  	[sflag:s23] =	ssyncset.done $0x0  }
0xa4: {  	s25 =	simm.s32 $0x1B8E;
	s24 =	sld [smem:$0x3FFE];
	[sflag:s23] =	ssyncadd.s32 $0xFFFFFFFF  }
0xa5: {  	s26 =	simm.s32 $execute0_lowered;
	[smem:$0x3FD2] =	sst s25  }
0xa6: {  	s5 =	sshll.u32 s26, $0x1;
	_ =	strace $0x80000046;
	[dreg:$0x1] =	wrdreg $0xFFFFFFFF  }
0xa7: {  	s28 =	simm.s32 $_size_execute0_lowered;
	s3 =	sadd.s32 s3, s5;
	[dreg:$0x0] =	wrdreg $0x0  }
0xa8: {  	s5 =	sshll.u32 s28, $0x1;
	[dreg:$0x2] =	wrdreg s3  }
0xa9: {  	[dreg:$0x3] =	wrdreg s5  }
0xaa: {  	[dreg:$0x4] =	wrdreg $0xC0  }
0xab: {  	_ =	task [dreg:s7], $0x5FFFF  }
0xac: {  	[dreg:$0x1] =	wrdreg $0xFFFFFFFF  }
0xad: {  	[dreg:$0x0] =	wrdreg $0x60  }
0xae: {  	[dreg:$0x2] =	wrdreg s24  }
0xaf: {  	[dreg:$0x3] =	wrdreg s2  }
0xb0: {  	[dreg:$0x4] =	wrdreg $0xA  }
0xb1: {  	_ =	task.clear_ibuf [dreg:s7], $0x5FFFF;
	_ =	strace $0x90000046  }
0xb2: {  	s29 =	simm.s32 $0xA;
	_ =	strace $0x80000048  }
0xb3: {  	_ =	swait.ge [sflag:s29], $0x1  }
0xb4: {  	[sflag:s29] =	ssyncadd.s32 $0xFFFFFFFF  }
0xb5: {  	_ =	strace $0x90000048  }
0xb6: {  	_ =	sfence  }
0xb7: {  	s30 =	sld [smem:$0x0];
	_ =	sdelay $0x2  }
0xb8: {  	s31 =	sshll.u32 s1, $0xD;
	s1 =	sshrl.u32 s1, $0x2  }
0xb9: {  	s3 =	sand.u32 $0x4000, s31;
	s1 =	sadd.s32 s1, s30  }
0xba: {  	s0 =	sor.u32 s3, s0;
	s1 =	sshll.u32 s1, $0x11  }
0xbb: {  	s0 =	sor.u32 s1, s0  }
0xbc: {  	s0 =	sadd.s32 $0x8F2B, s0  }
0xbd: {  	[sflag:s0] =	ssyncadd.remote.s32 $0x1  }
0xbe: {  	_ =	sfence.sel $0xFFFF  }
0xbf: {  	[dreg:$0x0] =	wrdreg $0xFFFFFFFF;
	(pc) =	sbr.abs _section_cstart, $3  }
0xc0: {  	[dreg:$0x1] =	wrdreg $0xFFFFFFFF  }
0xc1: {  	_ =	task.clear_ibuf [dreg:s7], $0x2FFFF;
	_ =	strace $0x9FFFFFFF  }
0xc2: {  	(tm) =	ssettm $0x7FFFFFFF  }
0xc3: {  	_ =	shalt  }
tec
execute0_lowered:
.L_overlay_start_1:
0x0: {  	(tag) =	ssettag $0x1  }
0x1: {  	s0 =	rddreg [dreg:$0x0];
	s1 =	srdreg.scid  }
0x2: {  	s16 =	stileid.u32;
	s3 =	rddreg [dreg:$0x1]  }
0x3: {  	s2 =	simm.s32 $0x0;
	s29 =	simm.s32 $0x3;
	s9 =	simm.s32 $0x800  }
0x4: {  	s10 =	simm.s32 $0x4800;
	s31 =	simm.s32 $0x180;
	s25 =	simm.s32 $0x200  }
0x5: {  	s26 =	simm.s32 $0x280;
	s1 =	sand.u32 $0x1, s1;
	s4 =	sshll.u32 s16, $0x1  }
0x6: {  	s28 =	simm.s32 $0x300;
	s30 =	simm.s32 $0x380;
	s4 =	sor.u32 s1, s4  }
0x7: {  	p0 =	por $0x0, $0x0;
	s5 =	sshll.u32 s4, $0xF;
	s4 =	sshll.u32 s4, $0x8  }
0x8: {  	[smem:$0x7FF] =	sst s2;
	s8 =	sadd.s32 s5, s0;
	s3 =	sadd.s32 s3, s4  }
0x9: {  	_ =	strace $0x80000047;
	[dreg:$0x3] =	wrdreg s3;
	s11 =	sadd.s32 $0x22E00, s8  }
0xa: {  	s1 =	ssub.s32 $0x2, s1;
	s12 =	sadd.s32 $0x23600, s8;
	[dreg:$0x4] =	wrdreg s11  }
0xb: {  	s21 =	sshrl.u32 s1, $0x1;
	s13 =	sadd.s32 $0x23E00, s8;
	[dreg:$0x5] =	wrdreg s12  }
0xc: {  	s1 =	ssub.s32 s1, s21;
	s14 =	sadd.s32 $0x24600, s8;
	[dreg:$0x6] =	wrdreg s13  }
0xd: {  	s4 =	simm.s32 $0x2;
	s15 =	sadd.s32 $0x24E00, s8;
	[dreg:$0x7] =	wrdreg s14  }
0xe: {  	s17 =	sadd.s32 $0x25600, s8;
	s18 =	sadd.s32 $0x25E00, s8;
	[dreg:$0x8] =	wrdreg s15  }
0xf: {  	s3 =	sadd.s32 $0x2E00, s0;
	s19 =	sadd.s32 $0x26600, s8;
	[dreg:$0x9] =	wrdreg s17  }
0x10: {  	s20 =	sadd.s32 $0x26E00, s8;
	s22 =	sadd.s32 $0x27600, s8;
	[dreg:$0xa] =	wrdreg s18  }
0x11: {  	s23 =	sadd.s32 $0x27E00, s8;
	s5 =	sadd.s32 $0x28E00, s8;
	[dreg:$0xb] =	wrdreg s19  }
0x12: {  	s6 =	sadd.s32 $0x29600, s8;
	s7 =	sadd.s32 $0x29E00, s8;
	[dreg:$0xc] =	wrdreg s20  }
0x13: {  	s24 =	smax.u32 s1, $0x1;
	s1 =	simm.s32 $0x100;
	[dreg:$0xd] =	wrdreg s22  }
0x14: {  	[dreg:$0xe] =	wrdreg s23;
	s15 =	sadd.s32 $0x28600, s8;
	p1 =	sne.s32 s24, $0x1  }
.Ltmp0:
0x15: {  	s8 =	sadd.s32 $0x2A600, s8;
	s14 =	simm.s32 $0x80;
	(pc) =	sbr.rel @!p1 .LBB2_1-.Ltmp0, $4  }
0x16: {  	s11 =	simm.s32 $0x8800;
	s12 =	simm.s32 $0xC800;
	s13 =	simm.s32 $0x1  }
0x17: {  	s22 =	simm.s32 $0x480;
	s21 =	sadd.s32 $0xFFFFFFFF, s24;
	s23 =	simm.s32 $0x500  }
0x18: {  	s24 =	simm.s32 $0x580;
	s17 =	simm.s32 $0x600;
	s18 =	simm.s32 $0x680  }
0x19: {  	s19 =	simm.s32 $0x700;
	s20 =	simm.s32 $0x780;
	s0 =	rddreg [dreg:$0x3]  }
0x1a: {  	[tilespmem:s2], [sflag:$0x3] =	stream.linear.gather [hbm4b:s0+s2], $0x800, $0x38;
	[tilespmem:$0x10800] =	vst v63  }
0x1b: {  	_ =	swait.ge [sflag:s29], $0x800  }
0x1c: {  	[sflag:s29] =	ssyncset.done $0x0  }
0x1d: {  	[sflag:s29] =	ssyncadd.s32 $0xFFFFF800  }
0x1e: {  	[tilespmem:s9], [sflag:$0x1] =	stream.indirect.gather [hbm4b:s3+s14], $0x80, s2, s14, $0xb8;
	[tilespmem:$0x10800] =	vst v63  }
0x1f: {  	_ = 	snop  }
0x20: {  	[tilespmem:s10], [sflag:$0x1] =	stream.indirect.gather [hbm4b:s3+s14], $0x80, s14, s14, $0xb8;
	[tilespmem:$0x10800] =	vst v63  }
0x21: {  	_ = 	snop  }
0x22: {  	[tilespmem:s11], [sflag:$0x1] =	stream.indirect.gather [hbm4b:s3+s14], $0x80, s1, s14, $0xb8;
	[tilespmem:$0x10800] =	vst v63  }
0x23: {  	_ = 	snop  }
0x24: {  	[tilespmem:s12], [sflag:$0x1] =	stream.indirect.gather [hbm4b:s3+s14], $0x80, s31, s14, $0xb8;
	[tilespmem:$0x10800] =	vst v63  }
0x25: {  	_ =	swait.ge [sflag:s13], $0x4000  }
0x26: {  	[sflag:s13] =	ssyncset.done $0x0  }
0x27: {  	[sflag:s13] =	ssyncadd.s32 $0xFFFFC000  }
0x28: {  	_ =	swait.ge [sflag:s13], $0x4000  }
0x29: {  	[sflag:s13] =	ssyncset.done $0x0  }
0x2a: {  	[sflag:s13] =	ssyncadd.s32 $0xFFFFC000  }
0x2b: {  	_ =	swait.ge [sflag:s13], $0x4000  }
0x2c: {  	[sflag:s13] =	ssyncset.done $0x0  }
0x2d: {  	[sflag:s13] =	ssyncadd.s32 $0xFFFFC000  }
0x2e: {  	_ =	swait.ge [sflag:s13], $0x4000  }
0x2f: {  	[sflag:s13] =	ssyncset.done $0x0  }
0x30: {  	s0 =	rddreg [dreg:$0x4];
	[sflag:s13] =	ssyncadd.s32 $0xFFFFC000  }
0x31: {  	[hbm4b:s0+s2] =	stream.linear.scatter [tilespmem:s9], [sflag:$0x2], $0x4000, $0x38;
	[tilespmem:$0x10800] =	vst v63  }
0x32: {  	s1 =	rddreg [dreg:$0x5]  }
0x33: {  	[hbm4b:s1+s2] =	stream.linear.scatter [tilespmem:s10], [sflag:$0x2], $0x4000, $0x38;
	[tilespmem:$0x10800] =	vst v63  }
0x34: {  	s0 =	rddreg [dreg:$0x6]  }
0x35: {  	[hbm4b:s0+s2] =	stream.linear.scatter [tilespmem:s11], [sflag:$0x2], $0x4000, $0x38;
	[tilespmem:$0x10800] =	vst v63  }
0x36: {  	s1 =	rddreg [dreg:$0x7]  }
0x37: {  	[hbm4b:s1+s2] =	stream.linear.scatter [tilespmem:s12], [sflag:$0x2], $0x4000, $0x38;
	[tilespmem:$0x10800] =	vst v63  }
0x38: {  	_ =	swait.ge [sflag:s4], $0x4000  }
0x39: {  	[sflag:s4] =	ssyncset.done $0x0  }
0x3a: {  	[sflag:s4] =	ssyncadd.s32 $0xFFFFC000  }
0x3b: {  	_ =	swait.ge [sflag:s4], $0x4000  }
0x3c: {  	[sflag:s4] =	ssyncset.done $0x0  }
0x3d: {  	[sflag:s4] =	ssyncadd.s32 $0xFFFFC000  }
0x3e: {  	_ =	swait.ge [sflag:s4], $0x4000  }
0x3f: {  	[sflag:s4] =	ssyncset.done $0x0  }
0x40: {  	[sflag:s4] =	ssyncadd.s32 $0xFFFFC000  }
0x41: {  	_ =	swait.ge [sflag:s4], $0x4000  }
0x42: {  	[sflag:s4] =	ssyncset.done $0x0  }
0x43: {  	[sflag:s4] =	ssyncadd.s32 $0xFFFFC000  }
0x44: {  	[tilespmem:s9], [sflag:$0x1] =	stream.indirect.gather [hbm4b:s3+s14], $0x80, s25, s14, $0xb8;
	[tilespmem:$0x10800] =	vst v63  }
0x45: {  	_ = 	snop  }
0x46: {  	[tilespmem:s10], [sflag:$0x1] =	stream.indirect.gather [hbm4b:s3+s14], $0x80, s26, s14, $0xb8;
	[tilespmem:$0x10800] =	vst v63  }
0x47: {  	_ = 	snop  }
0x48: {  	[tilespmem:s11], [sflag:$0x1] =	stream.indirect.gather [hbm4b:s3+s14], $0x80, s28, s14, $0xb8;
	[tilespmem:$0x10800] =	vst v63  }
0x49: {  	_ = 	snop  }
0x4a: {  	[tilespmem:s12], [sflag:$0x1] =	stream.indirect.gather [hbm4b:s3+s14], $0x80, s30, s14, $0xb8;
	[tilespmem:$0x10800] =	vst v63  }
0x4b: {  	_ =	swait.ge [sflag:s13], $0x4000  }
0x4c: {  	[sflag:s13] =	ssyncset.done $0x0  }
0x4d: {  	[sflag:s13] =	ssyncadd.s32 $0xFFFFC000  }
0x4e: {  	_ =	swait.ge [sflag:s13], $0x4000  }
0x4f: {  	[sflag:s13] =	ssyncset.done $0x0  }
0x50: {  	[sflag:s13] =	ssyncadd.s32 $0xFFFFC000  }
0x51: {  	_ =	swait.ge [sflag:s13], $0x4000  }
0x52: {  	[sflag:s13] =	ssyncset.done $0x0  }
0x53: {  	[sflag:s13] =	ssyncadd.s32 $0xFFFFC000  }
0x54: {  	_ =	swait.ge [sflag:s13], $0x4000  }
0x55: {  	[sflag:s13] =	ssyncset.done $0x0  }
0x56: {  	s0 =	rddreg [dreg:$0x8];
	[sflag:s13] =	ssyncadd.s32 $0xFFFFC000  }
0x57: {  	[hbm4b:s0+s2] =	stream.linear.scatter [tilespmem:s9], [sflag:$0x2], $0x4000, $0x38;
	[tilespmem:$0x10800] =	vst v63  }
0x58: {  	s1 =	rddreg [dreg:$0x9]  }
0x59: {  	[hbm4b:s1+s2] =	stream.linear.scatter [tilespmem:s10], [sflag:$0x2], $0x4000, $0x38;
	[tilespmem:$0x10800] =	vst v63  }
0x5a: {  	s0 =	rddreg [dreg:$0xa]  }
0x5b: {  	[hbm4b:s0+s2] =	stream.linear.scatter [tilespmem:s11], [sflag:$0x2], $0x4000, $0x38;
	[tilespmem:$0x10800] =	vst v63  }
0x5c: {  	s1 =	rddreg [dreg:$0xb]  }
0x5d: {  	[hbm4b:s1+s2] =	stream.linear.scatter [tilespmem:s12], [sflag:$0x2], $0x4000, $0x38;
	[tilespmem:$0x10800] =	vst v63  }
0x5e: {  	_ =	swait.ge [sflag:s4], $0x4000  }
0x5f: {  	[sflag:s4] =	ssyncset.done $0x0  }
0x60: {  	[sflag:s4] =	ssyncadd.s32 $0xFFFFC000  }
0x61: {  	_ =	swait.ge [sflag:s4], $0x4000  }
0x62: {  	[sflag:s4] =	ssyncset.done $0x0  }
0x63: {  	[sflag:s4] =	ssyncadd.s32 $0xFFFFC000  }
0x64: {  	_ =	swait.ge [sflag:s4], $0x4000  }
0x65: {  	[sflag:s4] =	ssyncset.done $0x0  }
0x66: {  	[sflag:s4] =	ssyncadd.s32 $0xFFFFC000  }
0x67: {  	_ =	swait.ge [sflag:s4], $0x4000  }
0x68: {  	[sflag:s4] =	ssyncset.done $0x0  }
0x69: {  	s1 =	simm.s32 $0x400;
	[sflag:s4] =	ssyncadd.s32 $0xFFFFC000  }
0x6a: {  	[tilespmem:s9], [sflag:$0x1] =	stream.indirect.gather [hbm4b:s3+s14], $0x80, s1, s14, $0xb8;
	[tilespmem:$0x10800] =	vst v63  }
0x6b: {  	_ = 	snop  }
0x6c: {  	[tilespmem:s10], [sflag:$0x1] =	stream.indirect.gather [hbm4b:s3+s14], $0x80, s22, s14, $0xb8;
	[tilespmem:$0x10800] =	vst v63  }
0x6d: {  	_ = 	snop  }
0x6e: {  	[tilespmem:s11], [sflag:$0x1] =	stream.indirect.gather [hbm4b:s3+s14], $0x80, s23, s14, $0xb8;
	[tilespmem:$0x10800] =	vst v63  }
0x6f: {  	_ = 	snop  }
0x70: {  	[tilespmem:s12], [sflag:$0x1] =	stream.indirect.gather [hbm4b:s3+s14], $0x80, s24, s14, $0xb8;
	[tilespmem:$0x10800] =	vst v63  }
0x71: {  	_ =	swait.ge [sflag:s13], $0x4000  }
0x72: {  	[sflag:s13] =	ssyncset.done $0x0  }
0x73: {  	[sflag:s13] =	ssyncadd.s32 $0xFFFFC000  }
0x74: {  	_ =	swait.ge [sflag:s13], $0x4000  }
0x75: {  	[sflag:s13] =	ssyncset.done $0x0  }
0x76: {  	[sflag:s13] =	ssyncadd.s32 $0xFFFFC000  }
0x77: {  	_ =	swait.ge [sflag:s13], $0x4000  }
0x78: {  	[sflag:s13] =	ssyncset.done $0x0  }
0x79: {  	[sflag:s13] =	ssyncadd.s32 $0xFFFFC000  }
0x7a: {  	_ =	swait.ge [sflag:s13], $0x4000  }
0x7b: {  	[sflag:s13] =	ssyncset.done $0x0  }
0x7c: {  	s0 =	rddreg [dreg:$0xc];
	[sflag:s13] =	ssyncadd.s32 $0xFFFFC000  }
0x7d: {  	[hbm4b:s0+s2] =	stream.linear.scatter [tilespmem:s9], [sflag:$0x2], $0x4000, $0x38;
	[tilespmem:$0x10800] =	vst v63  }
0x7e: {  	s1 =	rddreg [dreg:$0xd]  }
0x7f: {  	[hbm4b:s1+s2] =	stream.linear.scatter [tilespmem:s10], [sflag:$0x2], $0x4000, $0x38;
	[tilespmem:$0x10800] =	vst v63  }
0x80: {  	s0 =	rddreg [dreg:$0xe]  }
0x81: {  	[hbm4b:s0+s2] =	stream.linear.scatter [tilespmem:s11], [sflag:$0x2], $0x4000, $0x38;
	[tilespmem:$0x10800] =	vst v63  }
0x82: {  	_ = 	snop  }
0x83: {  	[hbm4b:s15+s2] =	stream.linear.scatter [tilespmem:s12], [sflag:$0x2], $0x4000, $0x38;
	[tilespmem:$0x10800] =	vst v63  }
0x84: {  	_ =	swait.ge [sflag:s4], $0x4000  }
0x85: {  	[sflag:s4] =	ssyncset.done $0x0  }
0x86: {  	[sflag:s4] =	ssyncadd.s32 $0xFFFFC000  }
0x87: {  	_ =	swait.ge [sflag:s4], $0x4000  }
0x88: {  	[sflag:s4] =	ssyncset.done $0x0  }
0x89: {  	[sflag:s4] =	ssyncadd.s32 $0xFFFFC000  }
0x8a: {  	_ =	swait.ge [sflag:s4], $0x4000  }
0x8b: {  	[sflag:s4] =	ssyncset.done $0x0  }
0x8c: {  	[sflag:s4] =	ssyncadd.s32 $0xFFFFC000  }
0x8d: {  	_ =	swait.ge [sflag:s4], $0x4000  }
0x8e: {  	[sflag:s4] =	ssyncset.done $0x0  }
0x8f: {  	[sflag:s4] =	ssyncadd.s32 $0xFFFFC000  }
0x90: {  	[tilespmem:s9], [sflag:$0x1] =	stream.indirect.gather [hbm4b:s3+s14], $0x80, s17, s14, $0xb8;
	[tilespmem:$0x10800] =	vst v63  }
0x91: {  	_ = 	snop  }
0x92: {  	[tilespmem:s10], [sflag:$0x1] =	stream.indirect.gather [hbm4b:s3+s14], $0x80, s18, s14, $0xb8;
	[tilespmem:$0x10800] =	vst v63  }
0x93: {  	_ = 	snop  }
0x94: {  	[tilespmem:s11], [sflag:$0x1] =	stream.indirect.gather [hbm4b:s3+s14], $0x80, s19, s14, $0xb8;
	[tilespmem:$0x10800] =	vst v63  }
0x95: {  	_ = 	snop  }
0x96: {  	[tilespmem:s12], [sflag:$0x1] =	stream.indirect.gather [hbm4b:s3+s14], $0x80, s20, s14, $0xb8;
	[tilespmem:$0x10800] =	vst v63  }
0x97: {  	_ =	swait.ge [sflag:s13], $0x4000  }
0x98: {  	[sflag:s13] =	ssyncset.done $0x0  }
0x99: {  	[sflag:s13] =	ssyncadd.s32 $0xFFFFC000  }
0x9a: {  	_ =	swait.ge [sflag:s13], $0x4000  }
0x9b: {  	[sflag:s13] =	ssyncset.done $0x0  }
0x9c: {  	[sflag:s13] =	ssyncadd.s32 $0xFFFFC000  }
0x9d: {  	_ =	swait.ge [sflag:s13], $0x4000  }
0x9e: {  	[sflag:s13] =	ssyncset.done $0x0  }
0x9f: {  	[sflag:s13] =	ssyncadd.s32 $0xFFFFC000  }
0xa0: {  	_ =	swait.ge [sflag:s13], $0x4000  }
0xa1: {  	[sflag:s13] =	ssyncset.done $0x0  }
0xa2: {  	[sflag:s13] =	ssyncadd.s32 $0xFFFFC000  }
0xa3: {  	[hbm4b:s5+s2] =	stream.linear.scatter [tilespmem:s9], [sflag:$0x2], $0x4000, $0x38;
	[tilespmem:$0x10800] =	vst v63  }
0xa4: {  	_ = 	snop  }
0xa5: {  	[hbm4b:s6+s2] =	stream.linear.scatter [tilespmem:s10], [sflag:$0x2], $0x4000, $0x38;
	[tilespmem:$0x10800] =	vst v63  }
0xa6: {  	_ = 	snop  }
0xa7: {  	[hbm4b:s7+s2] =	stream.linear.scatter [tilespmem:s11], [sflag:$0x2], $0x4000, $0x38;
	[tilespmem:$0x10800] =	vst v63  }
0xa8: {  	_ = 	snop  }
0xa9: {  	[hbm4b:s8+s2] =	stream.linear.scatter [tilespmem:s12], [sflag:$0x2], $0x4000, $0x38;
	[tilespmem:$0x10800] =	vst v63  }
0xaa: {  	_ =	swait.ge [sflag:s4], $0x4000  }
0xab: {  	[sflag:s4] =	ssyncset.done $0x0  }
0xac: {  	[sflag:s4] =	ssyncadd.s32 $0xFFFFC000  }
0xad: {  	_ =	swait.ge [sflag:s4], $0x4000  }
0xae: {  	s16 =	smov.u32 s21;
	[sflag:s4] =	ssyncset.done $0x0  }
0xaf: {  	p1 =	sne.s32 s16, $0x1;
	[sflag:s4] =	ssyncadd.s32 $0xFFFFC000  }
.Ltmp1:
0xb0: {  	_ =	swait.ge [sflag:s4], $0x4000;
	(pc) =	sbr.rel @!p1 .LBB2_3-.Ltmp1, $4  }
0xb1: {  	[sflag:s4] =	ssyncset.done $0x0  }
0xb2: {  	s21 =	simm.s32 $0x180;
	[sflag:s4] =	ssyncadd.s32 $0xFFFFC000  }
0xb3: {  	p0 =	por $0x1, $0x1;
	s31 =	simm.s32 $0x100;
	_ =	swait.ge [sflag:s4], $0x4000  }
0xb4: {  	s1 =	sadd.s32 $0xFFFFFFFF, s16;
	s0 =	rddreg [dreg:$0x3];
	[sflag:s4] =	ssyncset.done $0x0  }
.LBB2_4:
0xb5: {  	[sflag:s4] =	ssyncadd.s32 $0xFFFFC000  }
0xb6: {  	[tilespmem:s2], [sflag:$0x3] =	stream.linear.gather [hbm4b:s0+s2], $0x800, $0x38;
	[tilespmem:$0x10800] =	vst v63  }
0xb7: {  	_ =	swait.ge [sflag:s29], $0x800  }
0xb8: {  	[sflag:s29] =	ssyncset.done $0x0  }
0xb9: {  	[sflag:s29] =	ssyncadd.s32 $0xFFFFF800  }
0xba: {  	[tilespmem:s9], [sflag:$0x1] =	stream.indirect.gather [hbm4b:s3+s14], $0x80, s2, s14, $0xb8;
	[tilespmem:$0x10800] =	vst v63  }
0xbb: {  	_ = 	snop  }
0xbc: {  	[tilespmem:s10], [sflag:$0x1] =	stream.indirect.gather [hbm4b:s3+s14], $0x80, s14, s14, $0xb8;
	[tilespmem:$0x10800] =	vst v63  }
0xbd: {  	_ = 	snop  }
0xbe: {  	[tilespmem:s11], [sflag:$0x1] =	stream.indirect.gather [hbm4b:s3+s14], $0x80, s31, s14, $0xb8;
	[tilespmem:$0x10800] =	vst v63  }
0xbf: {  	_ = 	snop  }
0xc0: {  	[tilespmem:s12], [sflag:$0x1] =	stream.indirect.gather [hbm4b:s3+s14], $0x80, s21, s14, $0xb8;
	[tilespmem:$0x10800] =	vst v63  }
0xc1: {  	_ =	swait.ge [sflag:s13], $0x4000  }
0xc2: {  	[sflag:s13] =	ssyncset.done $0x0  }
0xc3: {  	[sflag:s13] =	ssyncadd.s32 $0xFFFFC000  }
0xc4: {  	_ =	swait.ge [sflag:s13], $0x4000  }
0xc5: {  	[sflag:s13] =	ssyncset.done $0x0  }
0xc6: {  	[sflag:s13] =	ssyncadd.s32 $0xFFFFC000  }
0xc7: {  	_ =	swait.ge [sflag:s13], $0x4000  }
0xc8: {  	[sflag:s13] =	ssyncset.done $0x0  }
0xc9: {  	[sflag:s13] =	ssyncadd.s32 $0xFFFFC000  }
0xca: {  	_ =	swait.ge [sflag:s13], $0x4000  }
0xcb: {  	[sflag:s13] =	ssyncset.done $0x0  }
0xcc: {  	s0 =	rddreg [dreg:$0x4];
	[sflag:s13] =	ssyncadd.s32 $0xFFFFC000  }
0xcd: {  	[hbm4b:s0+s2] =	stream.linear.scatter [tilespmem:s9], [sflag:$0x2], $0x4000, $0x38;
	[tilespmem:$0x10800] =	vst v63  }
0xce: {  	s16 =	rddreg [dreg:$0x5]  }
0xcf: {  	[hbm4b:s16+s2] =	stream.linear.scatter [tilespmem:s10], [sflag:$0x2], $0x4000, $0x38;
	[tilespmem:$0x10800] =	vst v63  }
0xd0: {  	s0 =	rddreg [dreg:$0x6]  }
0xd1: {  	[hbm4b:s0+s2] =	stream.linear.scatter [tilespmem:s11], [sflag:$0x2], $0x4000, $0x38;
	[tilespmem:$0x10800] =	vst v63  }
0xd2: {  	s16 =	rddreg [dreg:$0x7]  }
0xd3: {  	[hbm4b:s16+s2] =	stream.linear.scatter [tilespmem:s12], [sflag:$0x2], $0x4000, $0x38;
	[tilespmem:$0x10800] =	vst v63  }
0xd4: {  	_ =	swait.ge [sflag:s4], $0x4000  }
0xd5: {  	[sflag:s4] =	ssyncset.done $0x0  }
0xd6: {  	[sflag:s4] =	ssyncadd.s32 $0xFFFFC000  }
0xd7: {  	_ =	swait.ge [sflag:s4], $0x4000  }
0xd8: {  	[sflag:s4] =	ssyncset.done $0x0  }
0xd9: {  	[sflag:s4] =	ssyncadd.s32 $0xFFFFC000  }
0xda: {  	_ =	swait.ge [sflag:s4], $0x4000  }
0xdb: {  	[sflag:s4] =	ssyncset.done $0x0  }
0xdc: {  	[sflag:s4] =	ssyncadd.s32 $0xFFFFC000  }
0xdd: {  	_ =	swait.ge [sflag:s4], $0x4000  }
0xde: {  	[sflag:s4] =	ssyncset.done $0x0  }
0xdf: {  	[sflag:s4] =	ssyncadd.s32 $0xFFFFC000  }
0xe0: {  	[tilespmem:s9], [sflag:$0x1] =	stream.indirect.gather [hbm4b:s3+s14], $0x80, s25, s14, $0xb8;
	[tilespmem:$0x10800] =	vst v63  }
0xe1: {  	_ = 	snop  }
0xe2: {  	[tilespmem:s10], [sflag:$0x1] =	stream.indirect.gather [hbm4b:s3+s14], $0x80, s26, s14, $0xb8;
	[tilespmem:$0x10800] =	vst v63  }
0xe3: {  	_ = 	snop  }
0xe4: {  	[tilespmem:s11], [sflag:$0x1] =	stream.indirect.gather [hbm4b:s3+s14], $0x80, s28, s14, $0xb8;
	[tilespmem:$0x10800] =	vst v63  }
0xe5: {  	_ = 	snop  }
0xe6: {  	[tilespmem:s12], [sflag:$0x1] =	stream.indirect.gather [hbm4b:s3+s14], $0x80, s30, s14, $0xb8;
	[tilespmem:$0x10800] =	vst v63  }
0xe7: {  	_ =	swait.ge [sflag:s13], $0x4000  }
0xe8: {  	[sflag:s13] =	ssyncset.done $0x0  }
0xe9: {  	[sflag:s13] =	ssyncadd.s32 $0xFFFFC000  }
0xea: {  	_ =	swait.ge [sflag:s13], $0x4000  }
0xeb: {  	[sflag:s13] =	ssyncset.done $0x0  }
0xec: {  	[sflag:s13] =	ssyncadd.s32 $0xFFFFC000  }
0xed: {  	_ =	swait.ge [sflag:s13], $0x4000  }
0xee: {  	[sflag:s13] =	ssyncset.done $0x0  }
0xef: {  	[sflag:s13] =	ssyncadd.s32 $0xFFFFC000  }
0xf0: {  	_ =	swait.ge [sflag:s13], $0x4000  }
0xf1: {  	[sflag:s13] =	ssyncset.done $0x0  }
0xf2: {  	s0 =	rddreg [dreg:$0x8];
	[sflag:s13] =	ssyncadd.s32 $0xFFFFC000  }
0xf3: {  	[hbm4b:s0+s2] =	stream.linear.scatter [tilespmem:s9], [sflag:$0x2], $0x4000, $0x38;
	[tilespmem:$0x10800] =	vst v63  }
0xf4: {  	s16 =	rddreg [dreg:$0x9]  }
0xf5: {  	[hbm4b:s16+s2] =	stream.linear.scatter [tilespmem:s10], [sflag:$0x2], $0x4000, $0x38;
	[tilespmem:$0x10800] =	vst v63  }
0xf6: {  	s0 =	rddreg [dreg:$0xa]  }
0xf7: {  	[hbm4b:s0+s2] =	stream.linear.scatter [tilespmem:s11], [sflag:$0x2], $0x4000, $0x38;
	[tilespmem:$0x10800] =	vst v63  }
0xf8: {  	s16 =	rddreg [dreg:$0xb]  }
0xf9: {  	[hbm4b:s16+s2] =	stream.linear.scatter [tilespmem:s12], [sflag:$0x2], $0x4000, $0x38;
	[tilespmem:$0x10800] =	vst v63  }
0xfa: {  	_ =	swait.ge [sflag:s4], $0x4000  }
0xfb: {  	[sflag:s4] =	ssyncset.done $0x0  }
0xfc: {  	[sflag:s4] =	ssyncadd.s32 $0xFFFFC000  }
0xfd: {  	_ =	swait.ge [sflag:s4], $0x4000  }
0xfe: {  	[sflag:s4] =	ssyncset.done $0x0  }
0xff: {  	[sflag:s4] =	ssyncadd.s32 $0xFFFFC000  }
0x100: {  	_ =	swait.ge [sflag:s4], $0x4000  }
0x101: {  	[sflag:s4] =	ssyncset.done $0x0  }
0x102: {  	[sflag:s4] =	ssyncadd.s32 $0xFFFFC000  }
0x103: {  	_ =	swait.ge [sflag:s4], $0x4000  }
0x104: {  	[sflag:s4] =	ssyncset.done $0x0  }
0x105: {  	s16 =	simm.s32 $0x400;
	[sflag:s4] =	ssyncadd.s32 $0xFFFFC000  }
0x106: {  	[tilespmem:s9], [sflag:$0x1] =	stream.indirect.gather [hbm4b:s3+s14], $0x80, s16, s14, $0xb8;
	[tilespmem:$0x10800] =	vst v63  }
0x107: {  	_ = 	snop  }
0x108: {  	[tilespmem:s10], [sflag:$0x1] =	stream.indirect.gather [hbm4b:s3+s14], $0x80, s22, s14, $0xb8;
	[tilespmem:$0x10800] =	vst v63  }
0x109: {  	_ = 	snop  }
0x10a: {  	[tilespmem:s11], [sflag:$0x1] =	stream.indirect.gather [hbm4b:s3+s14], $0x80, s23, s14, $0xb8;
	[tilespmem:$0x10800] =	vst v63  }
0x10b: {  	_ = 	snop  }
0x10c: {  	[tilespmem:s12], [sflag:$0x1] =	stream.indirect.gather [hbm4b:s3+s14], $0x80, s24, s14, $0xb8;
	[tilespmem:$0x10800] =	vst v63  }
0x10d: {  	_ =	swait.ge [sflag:s13], $0x4000  }
0x10e: {  	[sflag:s13] =	ssyncset.done $0x0  }
0x10f: {  	[sflag:s13] =	ssyncadd.s32 $0xFFFFC000  }
0x110: {  	_ =	swait.ge [sflag:s13], $0x4000  }
0x111: {  	[sflag:s13] =	ssyncset.done $0x0  }
0x112: {  	[sflag:s13] =	ssyncadd.s32 $0xFFFFC000  }
0x113: {  	_ =	swait.ge [sflag:s13], $0x4000  }
0x114: {  	[sflag:s13] =	ssyncset.done $0x0  }
0x115: {  	[sflag:s13] =	ssyncadd.s32 $0xFFFFC000  }
0x116: {  	_ =	swait.ge [sflag:s13], $0x4000  }
0x117: {  	[sflag:s13] =	ssyncset.done $0x0  }
0x118: {  	s0 =	rddreg [dreg:$0xc];
	[sflag:s13] =	ssyncadd.s32 $0xFFFFC000  }
0x119: {  	[hbm4b:s0+s2] =	stream.linear.scatter [tilespmem:s9], [sflag:$0x2], $0x4000, $0x38;
	[tilespmem:$0x10800] =	vst v63  }
0x11a: {  	s16 =	rddreg [dreg:$0xd]  }
0x11b: {  	[hbm4b:s16+s2] =	stream.linear.scatter [tilespmem:s10], [sflag:$0x2], $0x4000, $0x38;
	[tilespmem:$0x10800] =	vst v63  }
0x11c: {  	s0 =	rddreg [dreg:$0xe]  }
0x11d: {  	[hbm4b:s0+s2] =	stream.linear.scatter [tilespmem:s11], [sflag:$0x2], $0x4000, $0x38;
	[tilespmem:$0x10800] =	vst v63  }
0x11e: {  	_ = 	snop  }
0x11f: {  	[hbm4b:s15+s2] =	stream.linear.scatter [tilespmem:s12], [sflag:$0x2], $0x4000, $0x38;
	[tilespmem:$0x10800] =	vst v63  }
0x120: {  	_ =	swait.ge [sflag:s4], $0x4000  }
0x121: {  	[sflag:s4] =	ssyncset.done $0x0  }
0x122: {  	[sflag:s4] =	ssyncadd.s32 $0xFFFFC000  }
0x123: {  	_ =	swait.ge [sflag:s4], $0x4000  }
0x124: {  	[sflag:s4] =	ssyncset.done $0x0  }
0x125: {  	[sflag:s4] =	ssyncadd.s32 $0xFFFFC000  }
0x126: {  	_ =	swait.ge [sflag:s4], $0x4000  }
0x127: {  	[sflag:s4] =	ssyncset.done $0x0  }
0x128: {  	[sflag:s4] =	ssyncadd.s32 $0xFFFFC000  }
0x129: {  	_ =	swait.ge [sflag:s4], $0x4000  }
0x12a: {  	[sflag:s4] =	ssyncset.done $0x0  }
0x12b: {  	[sflag:s4] =	ssyncadd.s32 $0xFFFFC000  }
0x12c: {  	[tilespmem:s9], [sflag:$0x1] =	stream.indirect.gather [hbm4b:s3+s14], $0x80, s17, s14, $0xb8;
	[tilespmem:$0x10800] =	vst v63  }
0x12d: {  	_ = 	snop  }
0x12e: {  	[tilespmem:s10], [sflag:$0x1] =	stream.indirect.gather [hbm4b:s3+s14], $0x80, s18, s14, $0xb8;
	[tilespmem:$0x10800] =	vst v63  }
0x12f: {  	_ = 	snop  }
0x130: {  	[tilespmem:s11], [sflag:$0x1] =	stream.indirect.gather [hbm4b:s3+s14], $0x80, s19, s14, $0xb8;
	[tilespmem:$0x10800] =	vst v63  }
0x131: {  	_ = 	snop  }
0x132: {  	[tilespmem:s12], [sflag:$0x1] =	stream.indirect.gather [hbm4b:s3+s14], $0x80, s20, s14, $0xb8;
	[tilespmem:$0x10800] =	vst v63  }
0x133: {  	_ =	swait.ge [sflag:s13], $0x4000  }
0x134: {  	[sflag:s13] =	ssyncset.done $0x0  }
0x135: {  	[sflag:s13] =	ssyncadd.s32 $0xFFFFC000  }
0x136: {  	_ =	swait.ge [sflag:s13], $0x4000  }
0x137: {  	[sflag:s13] =	ssyncset.done $0x0  }
0x138: {  	[sflag:s13] =	ssyncadd.s32 $0xFFFFC000  }
0x139: {  	_ =	swait.ge [sflag:s13], $0x4000  }
0x13a: {  	[sflag:s13] =	ssyncset.done $0x0  }
0x13b: {  	[sflag:s13] =	ssyncadd.s32 $0xFFFFC000  }
0x13c: {  	_ =	swait.ge [sflag:s13], $0x4000  }
0x13d: {  	[sflag:s13] =	ssyncset.done $0x0  }
0x13e: {  	[sflag:s13] =	ssyncadd.s32 $0xFFFFC000  }
0x13f: {  	[hbm4b:s5+s2] =	stream.linear.scatter [tilespmem:s9], [sflag:$0x2], $0x4000, $0x38;
	[tilespmem:$0x10800] =	vst v63  }
0x140: {  	_ = 	snop  }
0x141: {  	[hbm4b:s6+s2] =	stream.linear.scatter [tilespmem:s10], [sflag:$0x2], $0x4000, $0x38;
	[tilespmem:$0x10800] =	vst v63  }
0x142: {  	_ = 	snop  }
0x143: {  	[hbm4b:s7+s2] =	stream.linear.scatter [tilespmem:s11], [sflag:$0x2], $0x4000, $0x38;
	[tilespmem:$0x10800] =	vst v63  }
0x144: {  	_ = 	snop  }
0x145: {  	[hbm4b:s8+s2] =	stream.linear.scatter [tilespmem:s12], [sflag:$0x2], $0x4000, $0x38;
	[tilespmem:$0x10800] =	vst v63  }
0x146: {  	_ =	swait.ge [sflag:s4], $0x4000  }
0x147: {  	[sflag:s4] =	ssyncset.done $0x0  }
0x148: {  	[sflag:s4] =	ssyncadd.s32 $0xFFFFC000  }
0x149: {  	_ =	swait.ge [sflag:s4], $0x4000  }
0x14a: {  	[sflag:s4] =	ssyncset.done $0x0  }
0x14b: {  	p1 =	sne.s32 s1, $0x1;
	[sflag:s4] =	ssyncadd.s32 $0xFFFFC000  }
.Ltmp2:
0x14c: {  	_ =	swait.ge [sflag:s4], $0x4000;
	(pc) =	sbr.rel @p1 .LBB2_4-.Ltmp2, $4  }
0x14d: {  	[sflag:s4] =	ssyncset.done $0x0  }
0x14e: {  	[sflag:s4] =	ssyncadd.s32 $0xFFFFC000  }
0x14f: {  	_ =	swait.ge [sflag:s4], $0x4000  }
0x150: {  	s1 =	sadd.s32 $0xFFFFFFFF, s1;
	s0 =	rddreg [dreg:$0x3];
	[sflag:s4] =	ssyncset.done $0x0  }
0x151: {  	s30 =	simm.s32 $0x380;
	s28 =	simm.s32 $0x300;
	s26 =	simm.s32 $0x280  }
0x152: {  	s25 =	simm.s32 $0x200;
	s24 =	simm.s32 $0x580;
	s23 =	simm.s32 $0x500  }
0x153: {  	s22 =	simm.s32 $0x480;
	s21 =	simm.s32 $0x400;
	s20 =	simm.s32 $0x780  }
0x154: {  	s19 =	simm.s32 $0x700;
	s18 =	simm.s32 $0x680;
	s17 =	simm.s32 $0x600  }
0x155: {  	s16 =	stileid.u32;
	s1 =	simm.s32 $0x100;
	s31 =	simm.s32 $0x180  }
.LBB2_6:
0x156: {  	[sflag:s4] =	ssyncadd.s32 @p0 $0xFFFFC000  }
0x157: {  	[tilespmem:s2], [sflag:$0x3] =	stream.linear.gather [hbm4b:s0+s2], $0x800, $0x38;
	[tilespmem:$0x10800] =	vst v63  }
0x158: {  	_ =	swait.ge [sflag:s29], $0x800  }
0x159: {  	[sflag:s29] =	ssyncset.done $0x0  }
0x15a: {  	[sflag:s29] =	ssyncadd.s32 $0xFFFFF800  }
0x15b: {  	[tilespmem:s9], [sflag:$0x1] =	stream.indirect.gather [hbm4b:s3+s14], $0x80, s2, s14, $0xb8;
	[tilespmem:$0x10800] =	vst v63  }
0x15c: {  	_ = 	snop  }
0x15d: {  	[tilespmem:s10], [sflag:$0x1] =	stream.indirect.gather [hbm4b:s3+s14], $0x80, s14, s14, $0xb8;
	[tilespmem:$0x10800] =	vst v63  }
0x15e: {  	_ = 	snop  }
0x15f: {  	[tilespmem:s11], [sflag:$0x1] =	stream.indirect.gather [hbm4b:s3+s14], $0x80, s1, s14, $0xb8;
	[tilespmem:$0x10800] =	vst v63  }
0x160: {  	_ = 	snop  }
0x161: {  	[tilespmem:s12], [sflag:$0x1] =	stream.indirect.gather [hbm4b:s3+s14], $0x80, s31, s14, $0xb8;
	[tilespmem:$0x10800] =	vst v63  }
0x162: {  	_ =	swait.ge [sflag:s13], $0x4000  }
0x163: {  	[sflag:s13] =	ssyncset.done $0x0  }
0x164: {  	[sflag:s13] =	ssyncadd.s32 $0xFFFFC000  }
0x165: {  	_ =	swait.ge [sflag:s13], $0x4000  }
0x166: {  	[sflag:s13] =	ssyncset.done $0x0  }
0x167: {  	[sflag:s13] =	ssyncadd.s32 $0xFFFFC000  }
0x168: {  	_ =	swait.ge [sflag:s13], $0x4000  }
0x169: {  	[sflag:s13] =	ssyncset.done $0x0  }
0x16a: {  	[sflag:s13] =	ssyncadd.s32 $0xFFFFC000  }
0x16b: {  	_ =	swait.ge [sflag:s13], $0x4000  }
0x16c: {  	[sflag:s13] =	ssyncset.done $0x0  }
0x16d: {  	s29 =	rddreg [dreg:$0x4];
	[sflag:s13] =	ssyncadd.s32 $0xFFFFC000  }
0x16e: {  	[hbm4b:s29+s2] =	stream.linear.scatter [tilespmem:s9], [sflag:$0x2], $0x4000, $0x38;
	[tilespmem:$0x10800] =	vst v63  }
0x16f: {  	s31 =	rddreg [dreg:$0x5]  }
0x170: {  	[hbm4b:s31+s2] =	stream.linear.scatter [tilespmem:s10], [sflag:$0x2], $0x4000, $0x38;
	[tilespmem:$0x10800] =	vst v63  }
0x171: {  	s29 =	rddreg [dreg:$0x6]  }
0x172: {  	[hbm4b:s29+s2] =	stream.linear.scatter [tilespmem:s11], [sflag:$0x2], $0x4000, $0x38;
	[tilespmem:$0x10800] =	vst v63  }
0x173: {  	s31 =	rddreg [dreg:$0x7]  }
0x174: {  	[hbm4b:s31+s2] =	stream.linear.scatter [tilespmem:s12], [sflag:$0x2], $0x4000, $0x38;
	[tilespmem:$0x10800] =	vst v63  }
0x175: {  	_ =	swait.ge [sflag:s4], $0x4000  }
0x176: {  	[sflag:s4] =	ssyncset.done $0x0  }
0x177: {  	[sflag:s4] =	ssyncadd.s32 $0xFFFFC000  }
0x178: {  	_ =	swait.ge [sflag:s4], $0x4000  }
0x179: {  	[sflag:s4] =	ssyncset.done $0x0  }
0x17a: {  	[sflag:s4] =	ssyncadd.s32 $0xFFFFC000  }
0x17b: {  	_ =	swait.ge [sflag:s4], $0x4000  }
0x17c: {  	[sflag:s4] =	ssyncset.done $0x0  }
0x17d: {  	[sflag:s4] =	ssyncadd.s32 $0xFFFFC000  }
0x17e: {  	_ =	swait.ge [sflag:s4], $0x4000  }
0x17f: {  	[sflag:s4] =	ssyncset.done $0x0  }
0x180: {  	[sflag:s4] =	ssyncadd.s32 $0xFFFFC000  }
0x181: {  	[tilespmem:s9], [sflag:$0x1] =	stream.indirect.gather [hbm4b:s3+s14], $0x80, s25, s14, $0xb8;
	[tilespmem:$0x10800] =	vst v63  }
0x182: {  	_ = 	snop  }
0x183: {  	[tilespmem:s10], [sflag:$0x1] =	stream.indirect.gather [hbm4b:s3+s14], $0x80, s26, s14, $0xb8;
	[tilespmem:$0x10800] =	vst v63  }
0x184: {  	_ = 	snop  }
0x185: {  	[tilespmem:s11], [sflag:$0x1] =	stream.indirect.gather [hbm4b:s3+s14], $0x80, s28, s14, $0xb8;
	[tilespmem:$0x10800] =	vst v63  }
0x186: {  	_ = 	snop  }
0x187: {  	[tilespmem:s12], [sflag:$0x1] =	stream.indirect.gather [hbm4b:s3+s14], $0x80, s30, s14, $0xb8;
	[tilespmem:$0x10800] =	vst v63  }
0x188: {  	_ =	swait.ge [sflag:s13], $0x4000  }
0x189: {  	[sflag:s13] =	ssyncset.done $0x0  }
0x18a: {  	[sflag:s13] =	ssyncadd.s32 $0xFFFFC000  }
0x18b: {  	_ =	swait.ge [sflag:s13], $0x4000  }
0x18c: {  	[sflag:s13] =	ssyncset.done $0x0  }
0x18d: {  	[sflag:s13] =	ssyncadd.s32 $0xFFFFC000  }
0x18e: {  	_ =	swait.ge [sflag:s13], $0x4000  }
0x18f: {  	[sflag:s13] =	ssyncset.done $0x0  }
0x190: {  	[sflag:s13] =	ssyncadd.s32 $0xFFFFC000  }
0x191: {  	_ =	swait.ge [sflag:s13], $0x4000  }
0x192: {  	[sflag:s13] =	ssyncset.done $0x0  }
0x193: {  	s1 =	rddreg [dreg:$0x8];
	[sflag:s13] =	ssyncadd.s32 $0xFFFFC000  }
0x194: {  	[hbm4b:s1+s2] =	stream.linear.scatter [tilespmem:s9], [sflag:$0x2], $0x4000, $0x38;
	[tilespmem:$0x10800] =	vst v63  }
0x195: {  	s25 =	rddreg [dreg:$0x9]  }
0x196: {  	[hbm4b:s25+s2] =	stream.linear.scatter [tilespmem:s10], [sflag:$0x2], $0x4000, $0x38;
	[tilespmem:$0x10800] =	vst v63  }
0x197: {  	s26 =	rddreg [dreg:$0xa]  }
0x198: {  	[hbm4b:s26+s2] =	stream.linear.scatter [tilespmem:s11], [sflag:$0x2], $0x4000, $0x38;
	[tilespmem:$0x10800] =	vst v63  }
0x199: {  	s28 =	rddreg [dreg:$0xb]  }
0x19a: {  	[hbm4b:s28+s2] =	stream.linear.scatter [tilespmem:s12], [sflag:$0x2], $0x4000, $0x38;
	[tilespmem:$0x10800] =	vst v63  }
0x19b: {  	_ =	swait.ge [sflag:s4], $0x4000  }
0x19c: {  	[sflag:s4] =	ssyncset.done $0x0  }
0x19d: {  	[sflag:s4] =	ssyncadd.s32 $0xFFFFC000  }
0x19e: {  	_ =	swait.ge [sflag:s4], $0x4000  }
0x19f: {  	[sflag:s4] =	ssyncset.done $0x0  }
0x1a0: {  	[sflag:s4] =	ssyncadd.s32 $0xFFFFC000  }
0x1a1: {  	_ =	swait.ge [sflag:s4], $0x4000  }
0x1a2: {  	[sflag:s4] =	ssyncset.done $0x0  }
0x1a3: {  	[sflag:s4] =	ssyncadd.s32 $0xFFFFC000  }
0x1a4: {  	_ =	swait.ge [sflag:s4], $0x4000  }
0x1a5: {  	[sflag:s4] =	ssyncset.done $0x0  }
0x1a6: {  	[sflag:s4] =	ssyncadd.s32 $0xFFFFC000  }
0x1a7: {  	[tilespmem:s9], [sflag:$0x1] =	stream.indirect.gather [hbm4b:s3+s14], $0x80, s21, s14, $0xb8;
	[tilespmem:$0x10800] =	vst v63  }
0x1a8: {  	_ = 	snop  }
0x1a9: {  	[tilespmem:s10], [sflag:$0x1] =	stream.indirect.gather [hbm4b:s3+s14], $0x80, s22, s14, $0xb8;
	[tilespmem:$0x10800] =	vst v63  }
0x1aa: {  	_ = 	snop  }
0x1ab: {  	[tilespmem:s11], [sflag:$0x1] =	stream.indirect.gather [hbm4b:s3+s14], $0x80, s23, s14, $0xb8;
	[tilespmem:$0x10800] =	vst v63  }
0x1ac: {  	_ = 	snop  }
0x1ad: {  	[tilespmem:s12], [sflag:$0x1] =	stream.indirect.gather [hbm4b:s3+s14], $0x80, s24, s14, $0xb8;
	[tilespmem:$0x10800] =	vst v63  }
0x1ae: {  	_ =	swait.ge [sflag:s13], $0x4000  }
0x1af: {  	[sflag:s13] =	ssyncset.done $0x0  }
0x1b0: {  	[sflag:s13] =	ssyncadd.s32 $0xFFFFC000  }
0x1b1: {  	_ =	swait.ge [sflag:s13], $0x4000  }
0x1b2: {  	[sflag:s13] =	ssyncset.done $0x0  }
0x1b3: {  	[sflag:s13] =	ssyncadd.s32 $0xFFFFC000  }
0x1b4: {  	_ =	swait.ge [sflag:s13], $0x4000  }
0x1b5: {  	[sflag:s13] =	ssyncset.done $0x0  }
0x1b6: {  	[sflag:s13] =	ssyncadd.s32 $0xFFFFC000  }
0x1b7: {  	_ =	swait.ge [sflag:s13], $0x4000  }
0x1b8: {  	[sflag:s13] =	ssyncset.done $0x0  }
0x1b9: {  	s29 =	rddreg [dreg:$0xc];
	[sflag:s13] =	ssyncadd.s32 $0xFFFFC000  }
0x1ba: {  	[hbm4b:s29+s2] =	stream.linear.scatter [tilespmem:s9], [sflag:$0x2], $0x4000, $0x38;
	[tilespmem:$0x10800] =	vst v63  }
0x1bb: {  	s30 =	rddreg [dreg:$0xd]  }
0x1bc: {  	[hbm4b:s30+s2] =	stream.linear.scatter [tilespmem:s10], [sflag:$0x2], $0x4000, $0x38;
	[tilespmem:$0x10800] =	vst v63  }
0x1bd: {  	s31 =	rddreg [dreg:$0xe]  }
0x1be: {  	[hbm4b:s31+s2] =	stream.linear.scatter [tilespmem:s11], [sflag:$0x2], $0x4000, $0x38;
	[tilespmem:$0x10800] =	vst v63  }
0x1bf: {  	_ = 	snop  }
0x1c0: {  	[hbm4b:s15+s2] =	stream.linear.scatter [tilespmem:s12], [sflag:$0x2], $0x4000, $0x38;
	[tilespmem:$0x10800] =	vst v63  }
0x1c1: {  	_ =	swait.ge [sflag:s4], $0x4000  }
0x1c2: {  	[sflag:s4] =	ssyncset.done $0x0  }
0x1c3: {  	[sflag:s4] =	ssyncadd.s32 $0xFFFFC000  }
0x1c4: {  	_ =	swait.ge [sflag:s4], $0x4000  }
0x1c5: {  	[sflag:s4] =	ssyncset.done $0x0  }
0x1c6: {  	[sflag:s4] =	ssyncadd.s32 $0xFFFFC000  }
0x1c7: {  	_ =	swait.ge [sflag:s4], $0x4000  }
0x1c8: {  	[sflag:s4] =	ssyncset.done $0x0  }
0x1c9: {  	[sflag:s4] =	ssyncadd.s32 $0xFFFFC000  }
0x1ca: {  	_ =	swait.ge [sflag:s4], $0x4000  }
0x1cb: {  	[sflag:s4] =	ssyncset.done $0x0  }
0x1cc: {  	[sflag:s4] =	ssyncadd.s32 $0xFFFFC000  }
0x1cd: {  	[tilespmem:s9], [sflag:$0x1] =	stream.indirect.gather [hbm4b:s3+s14], $0x80, s17, s14, $0xb8;
	[tilespmem:$0x10800] =	vst v63  }
0x1ce: {  	_ = 	snop  }
0x1cf: {  	[tilespmem:s10], [sflag:$0x1] =	stream.indirect.gather [hbm4b:s3+s14], $0x80, s18, s14, $0xb8;
	[tilespmem:$0x10800] =	vst v63  }
0x1d0: {  	_ = 	snop  }
0x1d1: {  	[tilespmem:s11], [sflag:$0x1] =	stream.indirect.gather [hbm4b:s3+s14], $0x80, s19, s14, $0xb8;
	[tilespmem:$0x10800] =	vst v63  }
0x1d2: {  	_ = 	snop  }
0x1d3: {  	[tilespmem:s12], [sflag:$0x1] =	stream.indirect.gather [hbm4b:s3+s14], $0x80, s20, s14, $0xb8;
	[tilespmem:$0x10800] =	vst v63  }
0x1d4: {  	_ =	swait.ge [sflag:s13], $0x4000  }
0x1d5: {  	[sflag:s13] =	ssyncset.done $0x0  }
0x1d6: {  	[sflag:s13] =	ssyncadd.s32 $0xFFFFC000  }
0x1d7: {  	_ =	swait.ge [sflag:s13], $0x4000  }
0x1d8: {  	[sflag:s13] =	ssyncset.done $0x0  }
0x1d9: {  	[sflag:s13] =	ssyncadd.s32 $0xFFFFC000  }
0x1da: {  	_ =	swait.ge [sflag:s13], $0x4000  }
0x1db: {  	[sflag:s13] =	ssyncset.done $0x0  }
0x1dc: {  	[sflag:s13] =	ssyncadd.s32 $0xFFFFC000  }
0x1dd: {  	_ =	swait.ge [sflag:s13], $0x4000  }
0x1de: {  	[sflag:s13] =	ssyncset.done $0x0  }
0x1df: {  	[sflag:s13] =	ssyncadd.s32 $0xFFFFC000  }
0x1e0: {  	[hbm4b:s5+s2] =	stream.linear.scatter [tilespmem:s9], [sflag:$0x2], $0x4000, $0x38;
	[tilespmem:$0x10800] =	vst v63  }
0x1e1: {  	_ = 	snop  }
0x1e2: {  	[hbm4b:s6+s2] =	stream.linear.scatter [tilespmem:s10], [sflag:$0x2], $0x4000, $0x38;
	[tilespmem:$0x10800] =	vst v63  }
0x1e3: {  	_ = 	snop  }
0x1e4: {  	[hbm4b:s7+s2] =	stream.linear.scatter [tilespmem:s11], [sflag:$0x2], $0x4000, $0x38;
	[tilespmem:$0x10800] =	vst v63  }
0x1e5: {  	_ = 	snop  }
0x1e6: {  	[hbm4b:s8+s2] =	stream.linear.scatter [tilespmem:s12], [sflag:$0x2], $0x4000, $0x38;
	[tilespmem:$0x10800] =	vst v63  }
0x1e7: {  	_ =	swait.ge [sflag:s4], $0x4000  }
0x1e8: {  	[sflag:s4] =	ssyncset.done $0x0  }
0x1e9: {  	[sflag:s4] =	ssyncadd.s32 $0xFFFFC000  }
0x1ea: {  	_ =	swait.ge [sflag:s4], $0x4000  }
0x1eb: {  	[sflag:s4] =	ssyncset.done $0x0  }
0x1ec: {  	[sflag:s4] =	ssyncadd.s32 $0xFFFFC000  }
0x1ed: {  	_ =	swait.ge [sflag:s4], $0x4000  }
0x1ee: {  	[sflag:s4] =	ssyncset.done $0x0  }
0x1ef: {  	[sflag:s4] =	ssyncadd.s32 $0xFFFFC000  }
0x1f0: {  	_ =	swait.ge [sflag:s4], $0x4000  }
0x1f1: {  	[sflag:s4] =	ssyncset.done $0x0  }
0x1f2: {  	[sflag:s4] =	ssyncadd.s32 $0xFFFFC000  }
0x1f3: {  	_ =	sfence.sel $0x180000  }
0x1f4: {  	[bflag:$0x0] =	sbarrier.arrive $0xFFFF  }
0x1f5: {  	_ =	strace $0x90000047  }
0x1f6: {  	[bflag:$0x2] =	sbarrier.arrive $0xFFFF  }
0x1f7: {  	p0 =	sne.s32 s16, $0x0;
	s0 =	rddreg [dreg:$0x2]  }
0x1f8: {  	s0 =	sadd.s32 @!p0 $0x100000, s0  }
0x1f9: {  	[sflag:s0] =	ssyncadd.tile.s32 @!p0 $0x1;
	_ =	shalt  }
.LBB2_1:
.Ltmp3:
0x1fa: {  	(pc) =	sbr.rel .LBB2_6-.Ltmp3, $4  }
0x1fb: {  	s30 =	simm.s32 $0x380;
	s28 =	simm.s32 $0x300;
	s26 =	simm.s32 $0x280  }
0x1fc: {  	s25 =	simm.s32 $0x200;
	s24 =	simm.s32 $0x580;
	s23 =	simm.s32 $0x500  }
0x1fd: {  	s22 =	simm.s32 $0x480;
	s21 =	simm.s32 $0x400;
	s20 =	simm.s32 $0x780  }
0x1fe: {  	s19 =	simm.s32 $0x700;
	s18 =	simm.s32 $0x680;
	s17 =	simm.s32 $0x600  }
.LBB2_3:
0x1ff: {  	s30 =	simm.s32 $0x380  }
.Ltmp4:
0x200: {  	s28 =	simm.s32 $0x300;
	s26 =	simm.s32 $0x280;
	(pc) =	sbr.rel .LBB2_6-.Ltmp4, $4  }
0x201: {  	s25 =	simm.s32 $0x200;
	s24 =	simm.s32 $0x580;
	s23 =	simm.s32 $0x500  }
0x202: {  	s22 =	simm.s32 $0x480;
	s21 =	simm.s32 $0x400;
	s20 =	simm.s32 $0x780  }
0x203: {  	s19 =	simm.s32 $0x700;
	s18 =	simm.s32 $0x680;
	s17 =	simm.s32 $0x600  }
0x204: {  	s16 =	stileid.u32;
	s1 =	simm.s32 $0x100;
	s31 =	simm.s32 $0x180  }
.Lfunc_end2:
_tile_overlayer_lowered:
.L_overlay_start_2:
0x205: {  	(tag) =	ssettag $0x2  }
0x206: {  	s0 =	rddreg [dreg:$0x0];
	s2 =	stileid.u32  }
0x207: {  	s1 =	rddreg [dreg:$0x1];
	p0 =	sne.s32 s2, $0x0  }
0x208: {  	s3 =	rddreg [dreg:$0x2];
	[bflag:$0x3] =	sbarrier.arrive $0xFFFF;
	s2 =	simm.s32 @!p0 $0x1C03  }
0x209: {  	[timem:s3], [sflag:s2] =	dma.local @!p0 [hbm:s0], s1  }
0x20a: {  	s0 =	simm.s32 @!p0 $0x3  }
0x20b: {  	_ =	swait.ge @!p0 [sflag:s0], s1  }
0x20c: {  	s1 =	ssub.s32 @!p0 $0x0, s1;
	[sflag:s0] =	ssyncset.done @!p0 $0x0  }
0x20d: {  	[sflag:s0] =	ssyncadd.s32 @!p0 s1  }
0x20e: {  	[bflag:$0x3] =	sbarrier.arrive $0xFFFF  }
0x20f: {  	_ =	shalt  }

// kernel: kernel.7.cloned.1.call-start
scs
__scs_entry_jumppad:
0x0: {  	(pc) =	sbr.rel $0x88, $3  }
0x1: {  	(tag) =	ssettag $0x0;
	lr =	simm.s32 $0x1  }
0x2: {  	[smem:$0x3F92] =	sst lr;
	_ =	strace $0xD0000000  }
0x3: {  	_ = 	snop  }
0x4: {  	_ = 	snop  }
0x5: {  	_ = 	snop  }
0x6: {  	_ = 	snop  }
0x7: {  	_ = 	snop  }
__scs_overlays_trampoline_lowered:
0x8: {  	[smem:$0x3FA1] =	sst s0  }
0x9: {  	[smem:$0x3FA2] =	sst s1  }
0xa: {  	[smem:$0x3FA3] =	sst s2  }
0xb: {  	[smem:$0x3FA4] =	sst s3  }
0xc: {  	[smem:$0x3FA5] =	sst s4  }
0xd: {  	[smem:$0x3FA6] =	sst s5  }
0xe: {  	[smem:$0x3FA7] =	sst s6  }
0xf: {  	[smem:$0x3FA8] =	sst s7  }
0x10: {  	[smem:$0x3FA9] =	sst s8  }
0x11: {  	[smem:$0x3FAA] =	sst s9;
	s0 =	simm.s32 @!p0 $0x0  }
0x12: {  	s1 =	sld [smem:$0x3F90];
	s0 =	simm.s32 @p0 $0x1  }
0x13: {  	[smem:$0x3FAB] =	sst s0;
	s0 =	simm.s32 @!p1 $0x0  }
0x14: {  	s2 =	sld [smem:$0x3F8F];
	s0 =	simm.s32 @p1 $0x1  }
0x15: {  	[smem:$0x3FAC] =	sst s0;
	s0 =	simm.s32 @!p2 $0x0  }
0x16: {  	s3 =	sld [smem:$0x3FDB];
	s0 =	simm.s32 @p2 $0x1  }
0x17: {  	s4 =	simm.s32 $0x1BF5;
	[smem:$0x3FAE] =	sst s0  }
0x18: {  	s0 =	sld [smem:$0x3F91];
	_ =	swait.ge [sflag:s4], $0x0  }
0x19: {  	s7 =	sld [smem:$0x3F92]  }
0x1a: {  	s8 =	sadd.s32 $0xFFFFE003, lr  }
0x1b: {  	s9 =	sadd.s32 $0xFFFFFEF7, lr;
	s5 =	simm.s32 $0xFFFFFFFF;
	p2 =	slt.u32 s8, $0xFFFFF086  }
0x1c: {  	p1 =	slt.u32 s9, $0xF7A;
	s5 =	simm.s32 @!p2 $0x0  }
0x1d: {  	s5 =	simm.s32 @p1 $0x1;
	p0 =	seq.s32 s7, s2  }
0x1e: {  	s7 =	smul.u32 @!p0 $0xF7A, s2;
	p2 =	seq.s32 @!p0 s5, $0x0  }
0x1f: {  	s9 =	smul.u32 $0xF7A, s1;
	s8 =	simm.s32 @!p0 $0x1BF5;
	p2 =	por !p2, p0  }
0x20: {  	[sflag:s8] =	ssyncset.s32 @!p0 $0xFFFFF086;
	s6 =	sadd.s32 @!p0 s3, s7;
	s7 =	simm.s32 @!p0 $0x108  }
0x21: {  	s3 =	sadd.s32 s3, s9;
	s6 =	sadd.s32 @!p0 $0x88, s6;
	s7 =	simm.s32 @p2 $0x1082  }
0x22: {  	[simem:s7], [sflag:s8] =	dma.local @!p0 [hbm:s6], $0xF7A  }
0x23: {  	s9 =	sor.u32 $0xD0000000, s2;
	s6 =	simm.s32 $0x108;
	_ =	swait.ge @!p0 [sflag:s8], $0x0  }
0x24: {  	s3 =	sadd.s32 $0x88, s3;
	s6 =	simm.s32 @!p1 $0x1082;
	[sflag:s4] =	ssyncset.s32 $0xFFFFF086  }
0x25: {  	[simem:s6], [sflag:s4] =	dma.local [hbm:s3], $0xF7A  }
0x26: {  	[smem:$0x3F92] =	sst s1;
	(tag) =	ssettag s2;
	_ =	strace s9  }
0x27: {  	s1 =	sld [smem:$0x3FA2]  }
0x28: {  	s2 =	sld [smem:$0x3FA3]  }
0x29: {  	s4 =	sld [smem:$0x3FA5]  }
0x2a: {  	p0 =	seq.s32 s5, $0x0;
	s5 =	sld [smem:$0x3FA6]  }
0x2b: {  	s6 =	sld [smem:$0x3FA7]  }
0x2c: {  	s7 =	sld [smem:$0x3FA8]  }
0x2d: {  	s3 =	simm.s32 $0x108;
	s8 =	sld [smem:$0x3FA9]  }
0x2e: {  	s3 =	simm.s32 @!p0 $0x1082;
	s9 =	sld [smem:$0x3FAA]  }
0x2f: {  	lr =	sadd.s32 s0, s3;
	s0 =	sld [smem:$0x3FA1]  }
0x30: {  	s3 =	sld [smem:$0x3FA4]  }
0x31: {  	[smem:$0x3FAD] =	sst s10  }
0x32: {  	s10 =	sld [smem:$0x3FAB];
	_ =	sdelay $0x3  }
0x33: {  	p0 =	seq.s32 s10, $0x1;
	s10 =	sld [smem:$0x3FAD];
	_ =	sdelay $0x3  }
0x34: {  	[smem:$0x3FAD] =	sst s10  }
0x35: {  	s10 =	sld [smem:$0x3FAC];
	_ =	sdelay $0x3  }
0x36: {  	p1 =	seq.s32 s10, $0x1;
	s10 =	sld [smem:$0x3FAD];
	_ =	sdelay $0x3  }
0x37: {  	[smem:$0x3FAD] =	sst s10  }
0x38: {  	s10 =	sld [smem:$0x3FAE]  }
0x39: {  	_ = 	snop;
	(pc) =	sbr.ind lr, $3  }
0x3a: {  	_ = 	snop  }
0x3b: {  	_ = 	snop  }
0x3c: {  	p2 =	seq.s32 s10, $0x1;
	s10 =	sld [smem:$0x3FAD]  }
0x3d: {  	_ =	shalt  }
0x3e: {  	_ =	shalt  }
0x3f: {  	_ =	shalt  }
0x40: {  	_ =	shalt  }
0x41: {  	_ =	shalt  }
0x42: {  	_ =	shalt  }
0x43: {  	_ =	shalt  }
0x44: {  	_ =	shalt  }
0x45: {  	_ =	shalt  }
0x46: {  	_ =	shalt  }
0x47: {  	_ =	shalt  }
0x48: {  	_ =	shalt  }
0x49: {  	_ =	shalt  }
0x4a: {  	_ =	shalt  }
0x4b: {  	_ =	shalt  }
0x4c: {  	_ =	shalt  }
0x4d: {  	_ =	shalt  }
0x4e: {  	_ =	shalt  }
0x4f: {  	_ =	shalt  }
0x50: {  	_ =	shalt  }
0x51: {  	_ =	shalt  }
0x52: {  	_ =	shalt  }
0x53: {  	_ =	shalt  }
0x54: {  	_ =	shalt  }
0x55: {  	_ =	shalt  }
0x56: {  	_ =	shalt  }
0x57: {  	_ =	shalt  }
0x58: {  	_ =	shalt  }
0x59: {  	_ =	shalt  }
0x5a: {  	_ =	shalt  }
0x5b: {  	_ =	shalt  }
0x5c: {  	_ =	shalt  }
0x5d: {  	_ =	shalt  }
0x5e: {  	_ =	shalt  }
0x5f: {  	_ =	shalt  }
0x60: {  	_ =	shalt  }
0x61: {  	_ =	shalt  }
0x62: {  	_ =	shalt  }
0x63: {  	_ =	shalt  }
0x64: {  	_ =	shalt  }
0x65: {  	_ =	shalt  }
0x66: {  	_ =	shalt  }
0x67: {  	_ =	shalt  }
0x68: {  	_ =	shalt  }
0x69: {  	_ =	shalt  }
0x6a: {  	_ =	shalt  }
0x6b: {  	_ =	shalt  }
0x6c: {  	_ =	shalt  }
0x6d: {  	_ =	shalt  }
0x6e: {  	_ =	shalt  }
0x6f: {  	_ =	shalt  }
0x70: {  	_ =	shalt  }
0x71: {  	_ =	shalt  }
0x72: {  	_ =	shalt  }
0x73: {  	_ =	shalt  }
0x74: {  	_ =	shalt  }
0x75: {  	_ =	shalt  }
0x76: {  	_ =	shalt  }
0x77: {  	_ =	shalt  }
0x78: {  	_ =	shalt  }
0x79: {  	_ =	shalt  }
0x7a: {  	_ =	shalt  }
0x7b: {  	_ =	shalt  }
0x7c: {  	_ =	shalt  }
0x7d: {  	_ =	shalt  }
0x7e: {  	_ =	shalt  }
0x7f: {  	_ =	shalt  }
0x80: {  	_ =	shalt  }
0x81: {  	_ =	shalt  }
0x82: {  	_ =	shalt  }
0x83: {  	_ =	shalt  }
0x84: {  	_ =	shalt  }
0x85: {  	_ =	shalt  }
0x86: {  	_ =	shalt  }
0x87: {  	_ =	shalt  }
.Lfunc_end0:
.L_simem_size_0:
called_computation_lowered:
.L_overlay_start_0:
0x88: {  	s2 =	sld [smem:$0x3FD9]  }
0x89: {  	s3 =	sld [smem:$0x3FFE];
	_ =	sdelay $0x1  }
0x8a: {  	s1 =	srdreg.scid  }
0x8b: {  	s0 =	sand.u32 $0x1, s1  }
0x8c: {  	s17 =	sshll.u32 s0, $0xA;
	s2 =	sadd.s32 s3, s2  }
0x8d: {  	s2 =	sadd.s32 s2, s17  }
0x8e: {  	[smem:$0x3FB9] =	sst s2  }
0x8f: {  	_ = 	snop  }
0x90: {  	(tm) =	ssettm $0x1  }
0x91: {  	s18 =	sld [smem:$0x3FFB];
	_ =	sdelay $0x3  }
0x92: {  	_ =	strace s18  }
0x93: {  	s2 =	sld [smem:$0x3FFC];
	_ =	sdelay $0x3  }
0x94: {  	_ =	strace s2  }
0x95: {  	s2 =	sld [smem:$0x3FFD];
	_ =	sdelay $0x3  }
0x96: {  	_ =	strace s2  }
0x97: {  	_ =	strace $0x8FFFFFFF  }
0x98: {  	s19 =	sld [smem:$0x3FDB];
	_ =	sdelay $0x1  }
0x99: {  	s20 =	simm.s32 $_scs_section_size  }
0x9a: {  	s4 =	simm.s32 $_size__tile_overlayer_lowered;
	s5 =	simm.s32 $_tile_overlayer_lowered  }
0x9b: {  	s6 =	simm.s32 $0x1BFF;
	s21 =	sshll.u32 s5, $0x1;
	s3 =	sadd.s32 s20, s19  }
0x9c: {  	s22 =	simm.s32 $0x0;
	s4 =	sshll.u32 s4, $0x1;
	s5 =	sadd.s32 s21, s3  }
0x9d: {  	[timem:s22], [sflag:s6] =	dma.local [hbm:s5], s4  }
0x9e: {  	_ =	swait.ge [sflag:s6], s4  }
0x9f: {  	s4 =	ssub.s32 $0x0, s4;
	[sflag:s6] =	ssyncset.done $0x0  }
0xa0: {  	[sflag:s6] =	ssyncadd.s32 s4;
	_ =	sdelay $0x1  }
0xa1: {  	s23 =	simm.s32 $0x1B8B  }
0xa2: {  	_ =	swait.ge [sflag:s23], $0x1  }
0xa3: {  	[sflag:s23] =	ssyncset.done $0x0  }
0xa4: {  	[sflag:s23] =	ssyncadd.s32 $0xFFFFFFFF  }
0xa5: {  	s4 =	sld [smem:$0x0]  }
0xa6: {  	s5 =	sand.u32 $0xFFFFFFFE, s1  }
0xa7: {  	p0 =	sne.s32 s1, s5  }
0xa8: {  	s5 =	sshll.u32 @p0 s5, $0xE  }
0xa9: {  	s5 =	sadd.s32 @p0 $0x11B8D, s5;
	s6 =	sshll.u32 @p0 s4, $0x11  }
0xaa: {  	s5 =	sor.u32 @p0 s6, s5  }
0xab: {  	[sflag:s5] =	ssyncadd.remote.s32 @p0 $0x1;
	_ =	sdelay $0x1  }
0xac: {  	s5 =	simm.s32 @p0 $0x1B8D  }
0xad: {  	_ =	swait.eq @p0 [sflag:s5], $0x1  }
0xae: {  	[sflag:s5] =	ssyncadd.s32 @p0 $0xFFFFFFFF  }
0xaf: {  	s6 =	sshll.u32 @!p0 s1, $0xE  }
0xb0: {  	s6 =	sor.u32 @!p0 $0x4000, s6;
	s5 =	simm.s32 @!p0 $0x1B8D  }
0xb1: {  	s4 =	sshll.u32 @!p0 s4, $0x11;
	s6 =	sadd.s32 @!p0 $0x11B8D, s6;
	_ =	swait.eq @!p0 [sflag:s5], $0x1  }
0xb2: {  	s4 =	sor.u32 @!p0 s4, s6;
	[sflag:s5] =	ssyncadd.s32 @!p0 $0xFFFFFFFF  }
0xb3: {  	s25 =	simm.s32 $0x1B8E;
	s24 =	sld [smem:$0x3FFE];
	[sflag:s4] =	ssyncadd.remote.s32 @!p0 $0x1  }
0xb4: {  	s26 =	simm.s32 $execute0_lowered;
	[smem:$0x3FD2] =	sst s25  }
0xb5: {  	s5 =	sshll.u32 s26, $0x1;
	_ =	strace $0x80000049;
	[dreg:$0x1] =	wrdreg $0xFFFFFFFF  }
0xb6: {  	s28 =	simm.s32 $_size_execute0_lowered;
	s3 =	sadd.s32 s3, s5;
	[dreg:$0x0] =	wrdreg $0x0  }
0xb7: {  	s5 =	sshll.u32 s28, $0x1;
	[dreg:$0x2] =	wrdreg s3  }
0xb8: {  	[dreg:$0x3] =	wrdreg s5  }
0xb9: {  	[dreg:$0x4] =	wrdreg $0xC0  }
0xba: {  	_ =	task [dreg:s22], $0x5FFFF  }
0xbb: {  	[dreg:$0x1] =	wrdreg $0xFFFFFFFF  }
0xbc: {  	[dreg:$0x0] =	wrdreg $0x60  }
0xbd: {  	[dreg:$0x2] =	wrdreg s24  }
0xbe: {  	[dreg:$0x3] =	wrdreg $0x9  }
0xbf: {  	_ =	task.clear_ibuf [dreg:s22], $0x4FFFF;
	_ =	strace $0x90000049  }
0xc0: {  	s29 =	simm.s32 $0x9;
	_ =	strace $0x8000004B  }
0xc1: {  	_ =	swait.ge [sflag:s29], $0x1  }
0xc2: {  	[sflag:s29] =	ssyncadd.s32 $0xFFFFFFFF  }
0xc3: {  	_ =	strace $0x9000004B  }
0xc4: {  	_ =	sfence  }
0xc5: {  	s30 =	sld [smem:$0x0];
	_ =	sdelay $0x2  }
0xc6: {  	s31 =	sshll.u32 s1, $0xD;
	s1 =	sshrl.u32 s1, $0x2  }
0xc7: {  	s4 =	sand.u32 $0x4000, s31;
	s1 =	sadd.s32 s1, s30  }
0xc8: {  	s0 =	sor.u32 s4, s0;
	s1 =	sshll.u32 s1, $0x11  }
0xc9: {  	s0 =	sor.u32 s1, s0  }
0xca: {  	s0 =	sadd.s32 $0x8F2B, s0  }
0xcb: {  	[sflag:s0] =	ssyncadd.remote.s32 $0x1  }
0xcc: {  	_ =	sfence.sel $0xFFFF  }
0xcd: {  	[dreg:$0x0] =	wrdreg $0xFFFFFFFF;
	(pc) =	sbr.abs _section_cstart, $3  }
0xce: {  	[dreg:$0x1] =	wrdreg $0xFFFFFFFF  }
0xcf: {  	_ =	task.clear_ibuf [dreg:s22], $0x2FFFF;
	_ =	strace $0x9FFFFFFF  }
0xd0: {  	(tm) =	ssettm $0x7FFFFFFF  }
0xd1: {  	_ =	shalt  }
tec
execute0_lowered:
.L_overlay_start_1:
0x0: {  	(tag) =	ssettag $0x1  }
0x1: {  	s0 =	srdreg.scid  }
0x2: {  	s16 =	stileid.u32;
	s3 =	rddreg [dreg:$0x0];
	s2 =	simm.s32 $0x0  }
0x3: {  	s29 =	simm.s32 $0x3;
	s14 =	simm.s32 $0x80;
	s9 =	simm.s32 $0x800  }
0x4: {  	s10 =	simm.s32 $0x4800;
	s11 =	simm.s32 $0x8800;
	s31 =	simm.s32 $0x180  }
0x5: {  	s12 =	simm.s32 $0xC800;
	s0 =	sand.u32 $0x1, s0;
	s1 =	sshll.u32 s16, $0x1  }
0x6: {  	s13 =	simm.s32 $0x1;
	s28 =	simm.s32 $0x300;
	s1 =	sor.u32 s0, s1  }
0x7: {  	s30 =	simm.s32 $0x380;
	p0 =	por $0x0, $0x0;
	s4 =	sshll.u32 s1, $0x8  }
0x8: {  	[smem:$0x7FF] =	sst s2;
	s1 =	sshll.u32 s1, $0xF;
	s4 =	sadd.s32 s4, s3  }
0x9: {  	_ =	strace $0x8000004A;
	s1 =	sadd.s32 s1, s3;
	s4 =	sadd.s32 $0x122E00, s4  }
0xa: {  	s0 =	ssub.s32 $0x2, s0;
	s17 =	sadd.s32 $0x124E00, s1;
	[dreg:$0x2] =	wrdreg s4  }
0xb: {  	s5 =	sshrl.u32 s0, $0x1;
	s18 =	sadd.s32 $0x125600, s1;
	[dreg:$0x3] =	wrdreg s17  }
0xc: {  	s3 =	sadd.s32 $0x2E00, s3;
	s19 =	sadd.s32 $0x125E00, s1;
	[dreg:$0x4] =	wrdreg s18  }
0xd: {  	s0 =	ssub.s32 s0, s5;
	s20 =	sadd.s32 $0x126600, s1;
	[dreg:$0x5] =	wrdreg s19  }
0xe: {  	s21 =	sadd.s32 $0x126E00, s1;
	s22 =	sadd.s32 $0x127600, s1;
	[dreg:$0x6] =	wrdreg s20  }
0xf: {  	s23 =	sadd.s32 $0x127E00, s1;
	s24 =	sadd.s32 $0x128600, s1;
	[dreg:$0x7] =	wrdreg s21  }
0x10: {  	s25 =	sadd.s32 $0x128E00, s1;
	s26 =	sadd.s32 $0x129600, s1;
	[dreg:$0x8] =	wrdreg s22  }
0x11: {  	s6 =	sadd.s32 $0x129E00, s1;
	s15 =	sadd.s32 $0x12A600, s1;
	[dreg:$0x9] =	wrdreg s23  }
0x12: {  	s5 =	sadd.s32 $0x12B600, s1;
	s7 =	sadd.s32 $0x12BE00, s1;
	[dreg:$0xa] =	wrdreg s24  }
0x13: {  	s8 =	sadd.s32 $0x12C600, s1;
	s0 =	smax.u32 s0, $0x1;
	[dreg:$0xb] =	wrdreg s25  }
0x14: {  	[dreg:$0xc] =	wrdreg s26;
	s4 =	sadd.s32 $0x12AE00, s1;
	p1 =	sne.s32 s0, $0x1  }
.Ltmp0:
0x15: {  	[dreg:$0xd] =	wrdreg s6;
	s1 =	simm.s32 $0x100;
	(pc) =	sbr.rel @!p1 .LBB2_1-.Ltmp0, $4  }
0x16: {  	s6 =	simm.s32 $0x2;
	s25 =	simm.s32 $0x200;
	s26 =	simm.s32 $0x280  }
0x17: {  	s22 =	simm.s32 $0x480;
	s21 =	sadd.s32 $0xFFFFFFFF, s0;
	s23 =	simm.s32 $0x500  }
0x18: {  	s24 =	simm.s32 $0x580;
	s17 =	simm.s32 $0x600;
	s18 =	simm.s32 $0x680  }
0x19: {  	s19 =	simm.s32 $0x700;
	s20 =	simm.s32 $0x780;
	s0 =	rddreg [dreg:$0x2]  }
0x1a: {  	[tilespmem:s2], [sflag:$0x3] =	stream.linear.gather [hbm4b:s0+s2], $0x800, $0x38;
	[tilespmem:$0x10800] =	vst v63  }
0x1b: {  	_ =	swait.ge [sflag:s29], $0x800  }
0x1c: {  	[sflag:s29] =	ssyncset.done $0x0  }
0x1d: {  	[sflag:s29] =	ssyncadd.s32 $0xFFFFF800  }
0x1e: {  	[tilespmem:s9], [sflag:$0x1] =	stream.indirect.gather [hbm4b:s3+s14], $0x80, s2, s14, $0xb8;
	[tilespmem:$0x10800] =	vst v63  }
0x1f: {  	_ = 	snop  }
0x20: {  	[tilespmem:s10], [sflag:$0x1] =	stream.indirect.gather [hbm4b:s3+s14], $0x80, s14, s14, $0xb8;
	[tilespmem:$0x10800] =	vst v63  }
0x21: {  	_ = 	snop  }
0x22: {  	[tilespmem:s11], [sflag:$0x1] =	stream.indirect.gather [hbm4b:s3+s14], $0x80, s1, s14, $0xb8;
	[tilespmem:$0x10800] =	vst v63  }
0x23: {  	_ = 	snop  }
0x24: {  	[tilespmem:s12], [sflag:$0x1] =	stream.indirect.gather [hbm4b:s3+s14], $0x80, s31, s14, $0xb8;
	[tilespmem:$0x10800] =	vst v63  }
0x25: {  	_ =	swait.ge [sflag:s13], $0x4000  }
0x26: {  	[sflag:s13] =	ssyncset.done $0x0  }
0x27: {  	[sflag:s13] =	ssyncadd.s32 $0xFFFFC000  }
0x28: {  	_ =	swait.ge [sflag:s13], $0x4000  }
0x29: {  	[sflag:s13] =	ssyncset.done $0x0  }
0x2a: {  	[sflag:s13] =	ssyncadd.s32 $0xFFFFC000  }
0x2b: {  	_ =	swait.ge [sflag:s13], $0x4000  }
0x2c: {  	[sflag:s13] =	ssyncset.done $0x0  }
0x2d: {  	[sflag:s13] =	ssyncadd.s32 $0xFFFFC000  }
0x2e: {  	_ =	swait.ge [sflag:s13], $0x4000  }
0x2f: {  	[sflag:s13] =	ssyncset.done $0x0  }
0x30: {  	s0 =	rddreg [dreg:$0x3];
	[sflag:s13] =	ssyncadd.s32 $0xFFFFC000  }
0x31: {  	[hbm4b:s0+s2] =	stream.linear.scatter [tilespmem:s9], [sflag:$0x2], $0x4000, $0x38;
	[tilespmem:$0x10800] =	vst v63  }
0x32: {  	s1 =	rddreg [dreg:$0x4]  }
0x33: {  	[hbm4b:s1+s2] =	stream.linear.scatter [tilespmem:s10], [sflag:$0x2], $0x4000, $0x38;
	[tilespmem:$0x10800] =	vst v63  }
0x34: {  	s0 =	rddreg [dreg:$0x5]  }
0x35: {  	[hbm4b:s0+s2] =	stream.linear.scatter [tilespmem:s11], [sflag:$0x2], $0x4000, $0x38;
	[tilespmem:$0x10800] =	vst v63  }
0x36: {  	s1 =	rddreg [dreg:$0x6]  }
0x37: {  	[hbm4b:s1+s2] =	stream.linear.scatter [tilespmem:s12], [sflag:$0x2], $0x4000, $0x38;
	[tilespmem:$0x10800] =	vst v63  }
0x38: {  	_ =	swait.ge [sflag:s6], $0x4000  }
0x39: {  	[sflag:s6] =	ssyncset.done $0x0  }
0x3a: {  	[sflag:s6] =	ssyncadd.s32 $0xFFFFC000  }
0x3b: {  	_ =	swait.ge [sflag:s6], $0x4000  }
0x3c: {  	[sflag:s6] =	ssyncset.done $0x0  }
0x3d: {  	[sflag:s6] =	ssyncadd.s32 $0xFFFFC000  }
0x3e: {  	_ =	swait.ge [sflag:s6], $0x4000  }
0x3f: {  	[sflag:s6] =	ssyncset.done $0x0  }
0x40: {  	[sflag:s6] =	ssyncadd.s32 $0xFFFFC000  }
0x41: {  	_ =	swait.ge [sflag:s6], $0x4000  }
0x42: {  	[sflag:s6] =	ssyncset.done $0x0  }
0x43: {  	[sflag:s6] =	ssyncadd.s32 $0xFFFFC000  }
0x44: {  	[tilespmem:s9], [sflag:$0x1] =	stream.indirect.gather [hbm4b:s3+s14], $0x80, s25, s14, $0xb8;
	[tilespmem:$0x10800] =	vst v63  }
0x45: {  	_ = 	snop  }
0x46: {  	[tilespmem:s10], [sflag:$0x1] =	stream.indirect.gather [hbm4b:s3+s14], $0x80, s26, s14, $0xb8;
	[tilespmem:$0x10800] =	vst v63  }
0x47: {  	_ = 	snop  }
0x48: {  	[tilespmem:s11], [sflag:$0x1] =	stream.indirect.gather [hbm4b:s3+s14], $0x80, s28, s14, $0xb8;
	[tilespmem:$0x10800] =	vst v63  }
0x49: {  	_ = 	snop  }
0x4a: {  	[tilespmem:s12], [sflag:$0x1] =	stream.indirect.gather [hbm4b:s3+s14], $0x80, s30, s14, $0xb8;
	[tilespmem:$0x10800] =	vst v63  }
0x4b: {  	_ =	swait.ge [sflag:s13], $0x4000  }
0x4c: {  	[sflag:s13] =	ssyncset.done $0x0  }
0x4d: {  	[sflag:s13] =	ssyncadd.s32 $0xFFFFC000  }
0x4e: {  	_ =	swait.ge [sflag:s13], $0x4000  }
0x4f: {  	[sflag:s13] =	ssyncset.done $0x0  }
0x50: {  	[sflag:s13] =	ssyncadd.s32 $0xFFFFC000  }
0x51: {  	_ =	swait.ge [sflag:s13], $0x4000  }
0x52: {  	[sflag:s13] =	ssyncset.done $0x0  }
0x53: {  	[sflag:s13] =	ssyncadd.s32 $0xFFFFC000  }
0x54: {  	_ =	swait.ge [sflag:s13], $0x4000  }
0x55: {  	[sflag:s13] =	ssyncset.done $0x0  }
0x56: {  	s0 =	rddreg [dreg:$0x7];
	[sflag:s13] =	ssyncadd.s32 $0xFFFFC000  }
0x57: {  	[hbm4b:s0+s2] =	stream.linear.scatter [tilespmem:s9], [sflag:$0x2], $0x4000, $0x38;
	[tilespmem:$0x10800] =	vst v63  }
0x58: {  	s1 =	rddreg [dreg:$0x8]  }
0x59: {  	[hbm4b:s1+s2] =	stream.linear.scatter [tilespmem:s10], [sflag:$0x2], $0x4000, $0x38;
	[tilespmem:$0x10800] =	vst v63  }
0x5a: {  	s0 =	rddreg [dreg:$0x9]  }
0x5b: {  	[hbm4b:s0+s2] =	stream.linear.scatter [tilespmem:s11], [sflag:$0x2], $0x4000, $0x38;
	[tilespmem:$0x10800] =	vst v63  }
0x5c: {  	s1 =	rddreg [dreg:$0xa]  }
0x5d: {  	[hbm4b:s1+s2] =	stream.linear.scatter [tilespmem:s12], [sflag:$0x2], $0x4000, $0x38;
	[tilespmem:$0x10800] =	vst v63  }
0x5e: {  	_ =	swait.ge [sflag:s6], $0x4000  }
0x5f: {  	[sflag:s6] =	ssyncset.done $0x0  }
0x60: {  	[sflag:s6] =	ssyncadd.s32 $0xFFFFC000  }
0x61: {  	_ =	swait.ge [sflag:s6], $0x4000  }
0x62: {  	[sflag:s6] =	ssyncset.done $0x0  }
0x63: {  	[sflag:s6] =	ssyncadd.s32 $0xFFFFC000  }
0x64: {  	_ =	swait.ge [sflag:s6], $0x4000  }
0x65: {  	[sflag:s6] =	ssyncset.done $0x0  }
0x66: {  	[sflag:s6] =	ssyncadd.s32 $0xFFFFC000  }
0x67: {  	_ =	swait.ge [sflag:s6], $0x4000  }
0x68: {  	[sflag:s6] =	ssyncset.done $0x0  }
0x69: {  	s1 =	simm.s32 $0x400;
	[sflag:s6] =	ssyncadd.s32 $0xFFFFC000  }
0x6a: {  	[tilespmem:s9], [sflag:$0x1] =	stream.indirect.gather [hbm4b:s3+s14], $0x80, s1, s14, $0xb8;
	[tilespmem:$0x10800] =	vst v63  }
0x6b: {  	_ = 	snop  }
0x6c: {  	[tilespmem:s10], [sflag:$0x1] =	stream.indirect.gather [hbm4b:s3+s14], $0x80, s22, s14, $0xb8;
	[tilespmem:$0x10800] =	vst v63  }
0x6d: {  	_ = 	snop  }
0x6e: {  	[tilespmem:s11], [sflag:$0x1] =	stream.indirect.gather [hbm4b:s3+s14], $0x80, s23, s14, $0xb8;
	[tilespmem:$0x10800] =	vst v63  }
0x6f: {  	_ = 	snop  }
0x70: {  	[tilespmem:s12], [sflag:$0x1] =	stream.indirect.gather [hbm4b:s3+s14], $0x80, s24, s14, $0xb8;
	[tilespmem:$0x10800] =	vst v63  }
0x71: {  	_ =	swait.ge [sflag:s13], $0x4000  }
0x72: {  	[sflag:s13] =	ssyncset.done $0x0  }
0x73: {  	[sflag:s13] =	ssyncadd.s32 $0xFFFFC000  }
0x74: {  	_ =	swait.ge [sflag:s13], $0x4000  }
0x75: {  	[sflag:s13] =	ssyncset.done $0x0  }
0x76: {  	[sflag:s13] =	ssyncadd.s32 $0xFFFFC000  }
0x77: {  	_ =	swait.ge [sflag:s13], $0x4000  }
0x78: {  	[sflag:s13] =	ssyncset.done $0x0  }
0x79: {  	[sflag:s13] =	ssyncadd.s32 $0xFFFFC000  }
0x7a: {  	_ =	swait.ge [sflag:s13], $0x4000  }
0x7b: {  	[sflag:s13] =	ssyncset.done $0x0  }
0x7c: {  	s0 =	rddreg [dreg:$0xb];
	[sflag:s13] =	ssyncadd.s32 $0xFFFFC000  }
0x7d: {  	[hbm4b:s0+s2] =	stream.linear.scatter [tilespmem:s9], [sflag:$0x2], $0x4000, $0x38;
	[tilespmem:$0x10800] =	vst v63  }
0x7e: {  	s1 =	rddreg [dreg:$0xc]  }
0x7f: {  	[hbm4b:s1+s2] =	stream.linear.scatter [tilespmem:s10], [sflag:$0x2], $0x4000, $0x38;
	[tilespmem:$0x10800] =	vst v63  }
0x80: {  	s0 =	rddreg [dreg:$0xd]  }
0x81: {  	[hbm4b:s0+s2] =	stream.linear.scatter [tilespmem:s11], [sflag:$0x2], $0x4000, $0x38;
	[tilespmem:$0x10800] =	vst v63  }
0x82: {  	_ = 	snop  }
0x83: {  	[hbm4b:s15+s2] =	stream.linear.scatter [tilespmem:s12], [sflag:$0x2], $0x4000, $0x38;
	[tilespmem:$0x10800] =	vst v63  }
0x84: {  	_ =	swait.ge [sflag:s6], $0x4000  }
0x85: {  	[sflag:s6] =	ssyncset.done $0x0  }
0x86: {  	[sflag:s6] =	ssyncadd.s32 $0xFFFFC000  }
0x87: {  	_ =	swait.ge [sflag:s6], $0x4000  }
0x88: {  	[sflag:s6] =	ssyncset.done $0x0  }
0x89: {  	[sflag:s6] =	ssyncadd.s32 $0xFFFFC000  }
0x8a: {  	_ =	swait.ge [sflag:s6], $0x4000  }
0x8b: {  	[sflag:s6] =	ssyncset.done $0x0  }
0x8c: {  	[sflag:s6] =	ssyncadd.s32 $0xFFFFC000  }
0x8d: {  	_ =	swait.ge [sflag:s6], $0x4000  }
0x8e: {  	[sflag:s6] =	ssyncset.done $0x0  }
0x8f: {  	[sflag:s6] =	ssyncadd.s32 $0xFFFFC000  }
0x90: {  	[tilespmem:s9], [sflag:$0x1] =	stream.indirect.gather [hbm4b:s3+s14], $0x80, s17, s14, $0xb8;
	[tilespmem:$0x10800] =	vst v63  }
0x91: {  	_ = 	snop  }
0x92: {  	[tilespmem:s10], [sflag:$0x1] =	stream.indirect.gather [hbm4b:s3+s14], $0x80, s18, s14, $0xb8;
	[tilespmem:$0x10800] =	vst v63  }
0x93: {  	_ = 	snop  }
0x94: {  	[tilespmem:s11], [sflag:$0x1] =	stream.indirect.gather [hbm4b:s3+s14], $0x80, s19, s14, $0xb8;
	[tilespmem:$0x10800] =	vst v63  }
0x95: {  	_ = 	snop  }
0x96: {  	[tilespmem:s12], [sflag:$0x1] =	stream.indirect.gather [hbm4b:s3+s14], $0x80, s20, s14, $0xb8;
	[tilespmem:$0x10800] =	vst v63  }
0x97: {  	_ =	swait.ge [sflag:s13], $0x4000  }
0x98: {  	[sflag:s13] =	ssyncset.done $0x0  }
0x99: {  	[sflag:s13] =	ssyncadd.s32 $0xFFFFC000  }
0x9a: {  	_ =	swait.ge [sflag:s13], $0x4000  }
0x9b: {  	[sflag:s13] =	ssyncset.done $0x0  }
0x9c: {  	[sflag:s13] =	ssyncadd.s32 $0xFFFFC000  }
0x9d: {  	_ =	swait.ge [sflag:s13], $0x4000  }
0x9e: {  	[sflag:s13] =	ssyncset.done $0x0  }
0x9f: {  	[sflag:s13] =	ssyncadd.s32 $0xFFFFC000  }
0xa0: {  	_ =	swait.ge [sflag:s13], $0x4000  }
0xa1: {  	[sflag:s13] =	ssyncset.done $0x0  }
0xa2: {  	[sflag:s13] =	ssyncadd.s32 $0xFFFFC000  }
0xa3: {  	[hbm4b:s4+s2] =	stream.linear.scatter [tilespmem:s9], [sflag:$0x2], $0x4000, $0x38;
	[tilespmem:$0x10800] =	vst v63  }
0xa4: {  	_ = 	snop  }
0xa5: {  	[hbm4b:s5+s2] =	stream.linear.scatter [tilespmem:s10], [sflag:$0x2], $0x4000, $0x38;
	[tilespmem:$0x10800] =	vst v63  }
0xa6: {  	_ = 	snop  }
0xa7: {  	[hbm4b:s7+s2] =	stream.linear.scatter [tilespmem:s11], [sflag:$0x2], $0x4000, $0x38;
	[tilespmem:$0x10800] =	vst v63  }
0xa8: {  	_ = 	snop  }
0xa9: {  	[hbm4b:s8+s2] =	stream.linear.scatter [tilespmem:s12], [sflag:$0x2], $0x4000, $0x38;
	[tilespmem:$0x10800] =	vst v63  }
0xaa: {  	_ =	swait.ge [sflag:s6], $0x4000  }
0xab: {  	[sflag:s6] =	ssyncset.done $0x0  }
0xac: {  	[sflag:s6] =	ssyncadd.s32 $0xFFFFC000  }
0xad: {  	_ =	swait.ge [sflag:s6], $0x4000  }
0xae: {  	s16 =	smov.u32 s21;
	[sflag:s6] =	ssyncset.done $0x0  }
0xaf: {  	p1 =	sne.s32 s16, $0x1;
	[sflag:s6] =	ssyncadd.s32 $0xFFFFC000  }
.Ltmp1:
0xb0: {  	_ =	swait.ge [sflag:s6], $0x4000;
	(pc) =	sbr.rel @!p1 .LBB2_3-.Ltmp1, $4  }
0xb1: {  	[sflag:s6] =	ssyncset.done $0x0  }
0xb2: {  	s21 =	simm.s32 $0x180;
	[sflag:s6] =	ssyncadd.s32 $0xFFFFC000  }
0xb3: {  	p0 =	por $0x1, $0x1;
	s31 =	simm.s32 $0x100;
	_ =	swait.ge [sflag:s6], $0x4000  }
0xb4: {  	s1 =	sadd.s32 $0xFFFFFFFF, s16;
	s0 =	rddreg [dreg:$0x2];
	[sflag:s6] =	ssyncset.done $0x0  }
.LBB2_4:
0xb5: {  	[sflag:s6] =	ssyncadd.s32 $0xFFFFC000  }
0xb6: {  	[tilespmem:s2], [sflag:$0x3] =	stream.linear.gather [hbm4b:s0+s2], $0x800, $0x38;
	[tilespmem:$0x10800] =	vst v63  }
0xb7: {  	_ =	swait.ge [sflag:s29], $0x800  }
0xb8: {  	[sflag:s29] =	ssyncset.done $0x0  }
0xb9: {  	[sflag:s29] =	ssyncadd.s32 $0xFFFFF800  }
0xba: {  	[tilespmem:s9], [sflag:$0x1] =	stream.indirect.gather [hbm4b:s3+s14], $0x80, s2, s14, $0xb8;
	[tilespmem:$0x10800] =	vst v63  }
0xbb: {  	_ = 	snop  }
0xbc: {  	[tilespmem:s10], [sflag:$0x1] =	stream.indirect.gather [hbm4b:s3+s14], $0x80, s14, s14, $0xb8;
	[tilespmem:$0x10800] =	vst v63  }
0xbd: {  	_ = 	snop  }
0xbe: {  	[tilespmem:s11], [sflag:$0x1] =	stream.indirect.gather [hbm4b:s3+s14], $0x80, s31, s14, $0xb8;
	[tilespmem:$0x10800] =	vst v63  }
0xbf: {  	_ = 	snop  }
0xc0: {  	[tilespmem:s12], [sflag:$0x1] =	stream.indirect.gather [hbm4b:s3+s14], $0x80, s21, s14, $0xb8;
	[tilespmem:$0x10800] =	vst v63  }
0xc1: {  	_ =	swait.ge [sflag:s13], $0x4000  }
0xc2: {  	[sflag:s13] =	ssyncset.done $0x0  }
0xc3: {  	[sflag:s13] =	ssyncadd.s32 $0xFFFFC000  }
0xc4: {  	_ =	swait.ge [sflag:s13], $0x4000  }
0xc5: {  	[sflag:s13] =	ssyncset.done $0x0  }
0xc6: {  	[sflag:s13] =	ssyncadd.s32 $0xFFFFC000  }
0xc7: {  	_ =	swait.ge [sflag:s13], $0x4000  }
0xc8: {  	[sflag:s13] =	ssyncset.done $0x0  }
0xc9: {  	[sflag:s13] =	ssyncadd.s32 $0xFFFFC000  }
0xca: {  	_ =	swait.ge [sflag:s13], $0x4000  }
0xcb: {  	[sflag:s13] =	ssyncset.done $0x0  }
0xcc: {  	s0 =	rddreg [dreg:$0x3];
	[sflag:s13] =	ssyncadd.s32 $0xFFFFC000  }
0xcd: {  	[hbm4b:s0+s2] =	stream.linear.scatter [tilespmem:s9], [sflag:$0x2], $0x4000, $0x38;
	[tilespmem:$0x10800] =	vst v63  }
0xce: {  	s16 =	rddreg [dreg:$0x4]  }
0xcf: {  	[hbm4b:s16+s2] =	stream.linear.scatter [tilespmem:s10], [sflag:$0x2], $0x4000, $0x38;
	[tilespmem:$0x10800] =	vst v63  }
0xd0: {  	s0 =	rddreg [dreg:$0x5]  }
0xd1: {  	[hbm4b:s0+s2] =	stream.linear.scatter [tilespmem:s11], [sflag:$0x2], $0x4000, $0x38;
	[tilespmem:$0x10800] =	vst v63  }
0xd2: {  	s16 =	rddreg [dreg:$0x6]  }
0xd3: {  	[hbm4b:s16+s2] =	stream.linear.scatter [tilespmem:s12], [sflag:$0x2], $0x4000, $0x38;
	[tilespmem:$0x10800] =	vst v63  }
0xd4: {  	_ =	swait.ge [sflag:s6], $0x4000  }
0xd5: {  	[sflag:s6] =	ssyncset.done $0x0  }
0xd6: {  	[sflag:s6] =	ssyncadd.s32 $0xFFFFC000  }
0xd7: {  	_ =	swait.ge [sflag:s6], $0x4000  }
0xd8: {  	[sflag:s6] =	ssyncset.done $0x0  }
0xd9: {  	[sflag:s6] =	ssyncadd.s32 $0xFFFFC000  }
0xda: {  	_ =	swait.ge [sflag:s6], $0x4000  }
0xdb: {  	[sflag:s6] =	ssyncset.done $0x0  }
0xdc: {  	[sflag:s6] =	ssyncadd.s32 $0xFFFFC000  }
0xdd: {  	_ =	swait.ge [sflag:s6], $0x4000  }
0xde: {  	[sflag:s6] =	ssyncset.done $0x0  }
0xdf: {  	[sflag:s6] =	ssyncadd.s32 $0xFFFFC000  }
0xe0: {  	[tilespmem:s9], [sflag:$0x1] =	stream.indirect.gather [hbm4b:s3+s14], $0x80, s25, s14, $0xb8;
	[tilespmem:$0x10800] =	vst v63  }
0xe1: {  	_ = 	snop  }
0xe2: {  	[tilespmem:s10], [sflag:$0x1] =	stream.indirect.gather [hbm4b:s3+s14], $0x80, s26, s14, $0xb8;
	[tilespmem:$0x10800] =	vst v63  }
0xe3: {  	_ = 	snop  }
0xe4: {  	[tilespmem:s11], [sflag:$0x1] =	stream.indirect.gather [hbm4b:s3+s14], $0x80, s28, s14, $0xb8;
	[tilespmem:$0x10800] =	vst v63  }
0xe5: {  	_ = 	snop  }
0xe6: {  	[tilespmem:s12], [sflag:$0x1] =	stream.indirect.gather [hbm4b:s3+s14], $0x80, s30, s14, $0xb8;
	[tilespmem:$0x10800] =	vst v63  }
0xe7: {  	_ =	swait.ge [sflag:s13], $0x4000  }
0xe8: {  	[sflag:s13] =	ssyncset.done $0x0  }
0xe9: {  	[sflag:s13] =	ssyncadd.s32 $0xFFFFC000  }
0xea: {  	_ =	swait.ge [sflag:s13], $0x4000  }
0xeb: {  	[sflag:s13] =	ssyncset.done $0x0  }
0xec: {  	[sflag:s13] =	ssyncadd.s32 $0xFFFFC000  }
0xed: {  	_ =	swait.ge [sflag:s13], $0x4000  }
0xee: {  	[sflag:s13] =	ssyncset.done $0x0  }
0xef: {  	[sflag:s13] =	ssyncadd.s32 $0xFFFFC000  }
0xf0: {  	_ =	swait.ge [sflag:s13], $0x4000  }
0xf1: {  	[sflag:s13] =	ssyncset.done $0x0  }
0xf2: {  	s0 =	rddreg [dreg:$0x7];
	[sflag:s13] =	ssyncadd.s32 $0xFFFFC000  }
0xf3: {  	[hbm4b:s0+s2] =	stream.linear.scatter [tilespmem:s9], [sflag:$0x2], $0x4000, $0x38;
	[tilespmem:$0x10800] =	vst v63  }
0xf4: {  	s16 =	rddreg [dreg:$0x8]  }
0xf5: {  	[hbm4b:s16+s2] =	stream.linear.scatter [tilespmem:s10], [sflag:$0x2], $0x4000, $0x38;
	[tilespmem:$0x10800] =	vst v63  }
0xf6: {  	s0 =	rddreg [dreg:$0x9]  }
0xf7: {  	[hbm4b:s0+s2] =	stream.linear.scatter [tilespmem:s11], [sflag:$0x2], $0x4000, $0x38;
	[tilespmem:$0x10800] =	vst v63  }
0xf8: {  	s16 =	rddreg [dreg:$0xa]  }
0xf9: {  	[hbm4b:s16+s2] =	stream.linear.scatter [tilespmem:s12], [sflag:$0x2], $0x4000, $0x38;
	[tilespmem:$0x10800] =	vst v63  }
0xfa: {  	_ =	swait.ge [sflag:s6], $0x4000  }
0xfb: {  	[sflag:s6] =	ssyncset.done $0x0  }
0xfc: {  	[sflag:s6] =	ssyncadd.s32 $0xFFFFC000  }
0xfd: {  	_ =	swait.ge [sflag:s6], $0x4000  }
0xfe: {  	[sflag:s6] =	ssyncset.done $0x0  }
0xff: {  	[sflag:s6] =	ssyncadd.s32 $0xFFFFC000  }
0x100: {  	_ =	swait.ge [sflag:s6], $0x4000  }
0x101: {  	[sflag:s6] =	ssyncset.done $0x0  }
0x102: {  	[sflag:s6] =	ssyncadd.s32 $0xFFFFC000  }
0x103: {  	_ =	swait.ge [sflag:s6], $0x4000  }
0x104: {  	[sflag:s6] =	ssyncset.done $0x0  }
0x105: {  	s16 =	simm.s32 $0x400;
	[sflag:s6] =	ssyncadd.s32 $0xFFFFC000  }
0x106: {  	[tilespmem:s9], [sflag:$0x1] =	stream.indirect.gather [hbm4b:s3+s14], $0x80, s16, s14, $0xb8;
	[tilespmem:$0x10800] =	vst v63  }
0x107: {  	_ = 	snop  }
0x108: {  	[tilespmem:s10], [sflag:$0x1] =	stream.indirect.gather [hbm4b:s3+s14], $0x80, s22, s14, $0xb8;
	[tilespmem:$0x10800] =	vst v63  }
0x109: {  	_ = 	snop  }
0x10a: {  	[tilespmem:s11], [sflag:$0x1] =	stream.indirect.gather [hbm4b:s3+s14], $0x80, s23, s14, $0xb8;
	[tilespmem:$0x10800] =	vst v63  }
0x10b: {  	_ = 	snop  }
0x10c: {  	[tilespmem:s12], [sflag:$0x1] =	stream.indirect.gather [hbm4b:s3+s14], $0x80, s24, s14, $0xb8;
	[tilespmem:$0x10800] =	vst v63  }
0x10d: {  	_ =	swait.ge [sflag:s13], $0x4000  }
0x10e: {  	[sflag:s13] =	ssyncset.done $0x0  }
0x10f: {  	[sflag:s13] =	ssyncadd.s32 $0xFFFFC000  }
0x110: {  	_ =	swait.ge [sflag:s13], $0x4000  }
0x111: {  	[sflag:s13] =	ssyncset.done $0x0  }
0x112: {  	[sflag:s13] =	ssyncadd.s32 $0xFFFFC000  }
0x113: {  	_ =	swait.ge [sflag:s13], $0x4000  }
0x114: {  	[sflag:s13] =	ssyncset.done $0x0  }
0x115: {  	[sflag:s13] =	ssyncadd.s32 $0xFFFFC000  }
0x116: {  	_ =	swait.ge [sflag:s13], $0x4000  }
0x117: {  	[sflag:s13] =	ssyncset.done $0x0  }
0x118: {  	s0 =	rddreg [dreg:$0xb];
	[sflag:s13] =	ssyncadd.s32 $0xFFFFC000  }
0x119: {  	[hbm4b:s0+s2] =	stream.linear.scatter [tilespmem:s9], [sflag:$0x2], $0x4000, $0x38;
	[tilespmem:$0x10800] =	vst v63  }
0x11a: {  	s16 =	rddreg [dreg:$0xc]  }
0x11b: {  	[hbm4b:s16+s2] =	stream.linear.scatter [tilespmem:s10], [sflag:$0x2], $0x4000, $0x38;
	[tilespmem:$0x10800] =	vst v63  }
0x11c: {  	s0 =	rddreg [dreg:$0xd]  }
0x11d: {  	[hbm4b:s0+s2] =	stream.linear.scatter [tilespmem:s11], [sflag:$0x2], $0x4000, $0x38;
	[tilespmem:$0x10800] =	vst v63  }
0x11e: {  	_ = 	snop  }
0x11f: {  	[hbm4b:s15+s2] =	stream.linear.scatter [tilespmem:s12], [sflag:$0x2], $0x4000, $0x38;
	[tilespmem:$0x10800] =	vst v63  }
0x120: {  	_ =	swait.ge [sflag:s6], $0x4000  }
0x121: {  	[sflag:s6] =	ssyncset.done $0x0  }
0x122: {  	[sflag:s6] =	ssyncadd.s32 $0xFFFFC000  }
0x123: {  	_ =	swait.ge [sflag:s6], $0x4000  }
0x124: {  	[sflag:s6] =	ssyncset.done $0x0  }
0x125: {  	[sflag:s6] =	ssyncadd.s32 $0xFFFFC000  }
0x126: {  	_ =	swait.ge [sflag:s6], $0x4000  }
0x127: {  	[sflag:s6] =	ssyncset.done $0x0  }
0x128: {  	[sflag:s6] =	ssyncadd.s32 $0xFFFFC000  }
0x129: {  	_ =	swait.ge [sflag:s6], $0x4000  }
0x12a: {  	[sflag:s6] =	ssyncset.done $0x0  }
0x12b: {  	[sflag:s6] =	ssyncadd.s32 $0xFFFFC000  }
0x12c: {  	[tilespmem:s9], [sflag:$0x1] =	stream.indirect.gather [hbm4b:s3+s14], $0x80, s17, s14, $0xb8;
	[tilespmem:$0x10800] =	vst v63  }
0x12d: {  	_ = 	snop  }
0x12e: {  	[tilespmem:s10], [sflag:$0x1] =	stream.indirect.gather [hbm4b:s3+s14], $0x80, s18, s14, $0xb8;
	[tilespmem:$0x10800] =	vst v63  }
0x12f: {  	_ = 	snop  }
0x130: {  	[tilespmem:s11], [sflag:$0x1] =	stream.indirect.gather [hbm4b:s3+s14], $0x80, s19, s14, $0xb8;
	[tilespmem:$0x10800] =	vst v63  }
0x131: {  	_ = 	snop  }
0x132: {  	[tilespmem:s12], [sflag:$0x1] =	stream.indirect.gather [hbm4b:s3+s14], $0x80, s20, s14, $0xb8;
	[tilespmem:$0x10800] =	vst v63  }
0x133: {  	_ =	swait.ge [sflag:s13], $0x4000  }
0x134: {  	[sflag:s13] =	ssyncset.done $0x0  }
0x135: {  	[sflag:s13] =	ssyncadd.s32 $0xFFFFC000  }
0x136: {  	_ =	swait.ge [sflag:s13], $0x4000  }
0x137: {  	[sflag:s13] =	ssyncset.done $0x0  }
0x138: {  	[sflag:s13] =	ssyncadd.s32 $0xFFFFC000  }
0x139: {  	_ =	swait.ge [sflag:s13], $0x4000  }
0x13a: {  	[sflag:s13] =	ssyncset.done $0x0  }
0x13b: {  	[sflag:s13] =	ssyncadd.s32 $0xFFFFC000  }
0x13c: {  	_ =	swait.ge [sflag:s13], $0x4000  }
0x13d: {  	[sflag:s13] =	ssyncset.done $0x0  }
0x13e: {  	[sflag:s13] =	ssyncadd.s32 $0xFFFFC000  }
0x13f: {  	[hbm4b:s4+s2] =	stream.linear.scatter [tilespmem:s9], [sflag:$0x2], $0x4000, $0x38;
	[tilespmem:$0x10800] =	vst v63  }
0x140: {  	_ = 	snop  }
0x141: {  	[hbm4b:s5+s2] =	stream.linear.scatter [tilespmem:s10], [sflag:$0x2], $0x4000, $0x38;
	[tilespmem:$0x10800] =	vst v63  }
0x142: {  	_ = 	snop  }
0x143: {  	[hbm4b:s7+s2] =	stream.linear.scatter [tilespmem:s11], [sflag:$0x2], $0x4000, $0x38;
	[tilespmem:$0x10800] =	vst v63  }
0x144: {  	_ = 	snop  }
0x145: {  	[hbm4b:s8+s2] =	stream.linear.scatter [tilespmem:s12], [sflag:$0x2], $0x4000, $0x38;
	[tilespmem:$0x10800] =	vst v63  }
0x146: {  	_ =	swait.ge [sflag:s6], $0x4000  }
0x147: {  	[sflag:s6] =	ssyncset.done $0x0  }
0x148: {  	[sflag:s6] =	ssyncadd.s32 $0xFFFFC000  }
0x149: {  	_ =	swait.ge [sflag:s6], $0x4000  }
0x14a: {  	[sflag:s6] =	ssyncset.done $0x0  }
0x14b: {  	p1 =	sne.s32 s1, $0x1;
	[sflag:s6] =	ssyncadd.s32 $0xFFFFC000  }
.Ltmp2:
0x14c: {  	_ =	swait.ge [sflag:s6], $0x4000;
	(pc) =	sbr.rel @p1 .LBB2_4-.Ltmp2, $4  }
0x14d: {  	[sflag:s6] =	ssyncset.done $0x0  }
0x14e: {  	[sflag:s6] =	ssyncadd.s32 $0xFFFFC000  }
0x14f: {  	_ =	swait.ge [sflag:s6], $0x4000  }
0x150: {  	s1 =	sadd.s32 $0xFFFFFFFF, s1;
	s0 =	rddreg [dreg:$0x2];
	[sflag:s6] =	ssyncset.done $0x0  }
0x151: {  	s30 =	simm.s32 $0x380;
	s28 =	simm.s32 $0x300;
	s26 =	simm.s32 $0x280  }
0x152: {  	s25 =	simm.s32 $0x200;
	s24 =	simm.s32 $0x580;
	s23 =	simm.s32 $0x500  }
0x153: {  	s22 =	simm.s32 $0x480;
	s21 =	simm.s32 $0x400;
	s20 =	simm.s32 $0x780  }
0x154: {  	s19 =	simm.s32 $0x700;
	s18 =	simm.s32 $0x680;
	s17 =	simm.s32 $0x600  }
0x155: {  	s16 =	stileid.u32;
	s1 =	simm.s32 $0x100;
	s31 =	simm.s32 $0x180  }
.LBB2_6:
0x156: {  	[sflag:s6] =	ssyncadd.s32 @p0 $0xFFFFC000  }
0x157: {  	[tilespmem:s2], [sflag:$0x3] =	stream.linear.gather [hbm4b:s0+s2], $0x800, $0x38;
	[tilespmem:$0x10800] =	vst v63  }
0x158: {  	_ =	swait.ge [sflag:s29], $0x800  }
0x159: {  	[sflag:s29] =	ssyncset.done $0x0  }
0x15a: {  	[sflag:s29] =	ssyncadd.s32 $0xFFFFF800  }
0x15b: {  	[tilespmem:s9], [sflag:$0x1] =	stream.indirect.gather [hbm4b:s3+s14], $0x80, s2, s14, $0xb8;
	[tilespmem:$0x10800] =	vst v63  }
0x15c: {  	_ = 	snop  }
0x15d: {  	[tilespmem:s10], [sflag:$0x1] =	stream.indirect.gather [hbm4b:s3+s14], $0x80, s14, s14, $0xb8;
	[tilespmem:$0x10800] =	vst v63  }
0x15e: {  	_ = 	snop  }
0x15f: {  	[tilespmem:s11], [sflag:$0x1] =	stream.indirect.gather [hbm4b:s3+s14], $0x80, s1, s14, $0xb8;
	[tilespmem:$0x10800] =	vst v63  }
0x160: {  	_ = 	snop  }
0x161: {  	[tilespmem:s12], [sflag:$0x1] =	stream.indirect.gather [hbm4b:s3+s14], $0x80, s31, s14, $0xb8;
	[tilespmem:$0x10800] =	vst v63  }
0x162: {  	_ =	swait.ge [sflag:s13], $0x4000  }
0x163: {  	[sflag:s13] =	ssyncset.done $0x0  }
0x164: {  	[sflag:s13] =	ssyncadd.s32 $0xFFFFC000  }
0x165: {  	_ =	swait.ge [sflag:s13], $0x4000  }
0x166: {  	[sflag:s13] =	ssyncset.done $0x0  }
0x167: {  	[sflag:s13] =	ssyncadd.s32 $0xFFFFC000  }
0x168: {  	_ =	swait.ge [sflag:s13], $0x4000  }
0x169: {  	[sflag:s13] =	ssyncset.done $0x0  }
0x16a: {  	[sflag:s13] =	ssyncadd.s32 $0xFFFFC000  }
0x16b: {  	_ =	swait.ge [sflag:s13], $0x4000  }
0x16c: {  	[sflag:s13] =	ssyncset.done $0x0  }
0x16d: {  	s29 =	rddreg [dreg:$0x3];
	[sflag:s13] =	ssyncadd.s32 $0xFFFFC000  }
0x16e: {  	[hbm4b:s29+s2] =	stream.linear.scatter [tilespmem:s9], [sflag:$0x2], $0x4000, $0x38;
	[tilespmem:$0x10800] =	vst v63  }
0x16f: {  	s31 =	rddreg [dreg:$0x4]  }
0x170: {  	[hbm4b:s31+s2] =	stream.linear.scatter [tilespmem:s10], [sflag:$0x2], $0x4000, $0x38;
	[tilespmem:$0x10800] =	vst v63  }
0x171: {  	s29 =	rddreg [dreg:$0x5]  }
0x172: {  	[hbm4b:s29+s2] =	stream.linear.scatter [tilespmem:s11], [sflag:$0x2], $0x4000, $0x38;
	[tilespmem:$0x10800] =	vst v63  }
0x173: {  	s31 =	rddreg [dreg:$0x6]  }
0x174: {  	[hbm4b:s31+s2] =	stream.linear.scatter [tilespmem:s12], [sflag:$0x2], $0x4000, $0x38;
	[tilespmem:$0x10800] =	vst v63  }
0x175: {  	_ =	swait.ge [sflag:s6], $0x4000  }
0x176: {  	[sflag:s6] =	ssyncset.done $0x0  }
0x177: {  	[sflag:s6] =	ssyncadd.s32 $0xFFFFC000  }
0x178: {  	_ =	swait.ge [sflag:s6], $0x4000  }
0x179: {  	[sflag:s6] =	ssyncset.done $0x0  }
0x17a: {  	[sflag:s6] =	ssyncadd.s32 $0xFFFFC000  }
0x17b: {  	_ =	swait.ge [sflag:s6], $0x4000  }
0x17c: {  	[sflag:s6] =	ssyncset.done $0x0  }
0x17d: {  	[sflag:s6] =	ssyncadd.s32 $0xFFFFC000  }
0x17e: {  	_ =	swait.ge [sflag:s6], $0x4000  }
0x17f: {  	[sflag:s6] =	ssyncset.done $0x0  }
0x180: {  	[sflag:s6] =	ssyncadd.s32 $0xFFFFC000  }
0x181: {  	[tilespmem:s9], [sflag:$0x1] =	stream.indirect.gather [hbm4b:s3+s14], $0x80, s25, s14, $0xb8;
	[tilespmem:$0x10800] =	vst v63  }
0x182: {  	_ = 	snop  }
0x183: {  	[tilespmem:s10], [sflag:$0x1] =	stream.indirect.gather [hbm4b:s3+s14], $0x80, s26, s14, $0xb8;
	[tilespmem:$0x10800] =	vst v63  }
0x184: {  	_ = 	snop  }
0x185: {  	[tilespmem:s11], [sflag:$0x1] =	stream.indirect.gather [hbm4b:s3+s14], $0x80, s28, s14, $0xb8;
	[tilespmem:$0x10800] =	vst v63  }
0x186: {  	_ = 	snop  }
0x187: {  	[tilespmem:s12], [sflag:$0x1] =	stream.indirect.gather [hbm4b:s3+s14], $0x80, s30, s14, $0xb8;
	[tilespmem:$0x10800] =	vst v63  }
0x188: {  	_ =	swait.ge [sflag:s13], $0x4000  }
0x189: {  	[sflag:s13] =	ssyncset.done $0x0  }
0x18a: {  	[sflag:s13] =	ssyncadd.s32 $0xFFFFC000  }
0x18b: {  	_ =	swait.ge [sflag:s13], $0x4000  }
0x18c: {  	[sflag:s13] =	ssyncset.done $0x0  }
0x18d: {  	[sflag:s13] =	ssyncadd.s32 $0xFFFFC000  }
0x18e: {  	_ =	swait.ge [sflag:s13], $0x4000  }
0x18f: {  	[sflag:s13] =	ssyncset.done $0x0  }
0x190: {  	[sflag:s13] =	ssyncadd.s32 $0xFFFFC000  }
0x191: {  	_ =	swait.ge [sflag:s13], $0x4000  }
0x192: {  	[sflag:s13] =	ssyncset.done $0x0  }
0x193: {  	s1 =	rddreg [dreg:$0x7];
	[sflag:s13] =	ssyncadd.s32 $0xFFFFC000  }
0x194: {  	[hbm4b:s1+s2] =	stream.linear.scatter [tilespmem:s9], [sflag:$0x2], $0x4000, $0x38;
	[tilespmem:$0x10800] =	vst v63  }
0x195: {  	s25 =	rddreg [dreg:$0x8]  }
0x196: {  	[hbm4b:s25+s2] =	stream.linear.scatter [tilespmem:s10], [sflag:$0x2], $0x4000, $0x38;
	[tilespmem:$0x10800] =	vst v63  }
0x197: {  	s26 =	rddreg [dreg:$0x9]  }
0x198: {  	[hbm4b:s26+s2] =	stream.linear.scatter [tilespmem:s11], [sflag:$0x2], $0x4000, $0x38;
	[tilespmem:$0x10800] =	vst v63  }
0x199: {  	s28 =	rddreg [dreg:$0xa]  }
0x19a: {  	[hbm4b:s28+s2] =	stream.linear.scatter [tilespmem:s12], [sflag:$0x2], $0x4000, $0x38;
	[tilespmem:$0x10800] =	vst v63  }
0x19b: {  	_ =	swait.ge [sflag:s6], $0x4000  }
0x19c: {  	[sflag:s6] =	ssyncset.done $0x0  }
0x19d: {  	[sflag:s6] =	ssyncadd.s32 $0xFFFFC000  }
0x19e: {  	_ =	swait.ge [sflag:s6], $0x4000  }
0x19f: {  	[sflag:s6] =	ssyncset.done $0x0  }
0x1a0: {  	[sflag:s6] =	ssyncadd.s32 $0xFFFFC000  }
0x1a1: {  	_ =	swait.ge [sflag:s6], $0x4000  }
0x1a2: {  	[sflag:s6] =	ssyncset.done $0x0  }
0x1a3: {  	[sflag:s6] =	ssyncadd.s32 $0xFFFFC000  }
0x1a4: {  	_ =	swait.ge [sflag:s6], $0x4000  }
0x1a5: {  	[sflag:s6] =	ssyncset.done $0x0  }
0x1a6: {  	[sflag:s6] =	ssyncadd.s32 $0xFFFFC000  }
0x1a7: {  	[tilespmem:s9], [sflag:$0x1] =	stream.indirect.gather [hbm4b:s3+s14], $0x80, s21, s14, $0xb8;
	[tilespmem:$0x10800] =	vst v63  }
0x1a8: {  	_ = 	snop  }
0x1a9: {  	[tilespmem:s10], [sflag:$0x1] =	stream.indirect.gather [hbm4b:s3+s14], $0x80, s22, s14, $0xb8;
	[tilespmem:$0x10800] =	vst v63  }
0x1aa: {  	_ = 	snop  }
0x1ab: {  	[tilespmem:s11], [sflag:$0x1] =	stream.indirect.gather [hbm4b:s3+s14], $0x80, s23, s14, $0xb8;
	[tilespmem:$0x10800] =	vst v63  }
0x1ac: {  	_ = 	snop  }
0x1ad: {  	[tilespmem:s12], [sflag:$0x1] =	stream.indirect.gather [hbm4b:s3+s14], $0x80, s24, s14, $0xb8;
	[tilespmem:$0x10800] =	vst v63  }
0x1ae: {  	_ =	swait.ge [sflag:s13], $0x4000  }
0x1af: {  	[sflag:s13] =	ssyncset.done $0x0  }
0x1b0: {  	[sflag:s13] =	ssyncadd.s32 $0xFFFFC000  }
0x1b1: {  	_ =	swait.ge [sflag:s13], $0x4000  }
0x1b2: {  	[sflag:s13] =	ssyncset.done $0x0  }
0x1b3: {  	[sflag:s13] =	ssyncadd.s32 $0xFFFFC000  }
0x1b4: {  	_ =	swait.ge [sflag:s13], $0x4000  }
0x1b5: {  	[sflag:s13] =	ssyncset.done $0x0  }
0x1b6: {  	[sflag:s13] =	ssyncadd.s32 $0xFFFFC000  }
0x1b7: {  	_ =	swait.ge [sflag:s13], $0x4000  }
0x1b8: {  	[sflag:s13] =	ssyncset.done $0x0  }
0x1b9: {  	s29 =	rddreg [dreg:$0xb];
	[sflag:s13] =	ssyncadd.s32 $0xFFFFC000  }
0x1ba: {  	[hbm4b:s29+s2] =	stream.linear.scatter [tilespmem:s9], [sflag:$0x2], $0x4000, $0x38;
	[tilespmem:$0x10800] =	vst v63  }
0x1bb: {  	s30 =	rddreg [dreg:$0xc]  }
0x1bc: {  	[hbm4b:s30+s2] =	stream.linear.scatter [tilespmem:s10], [sflag:$0x2], $0x4000, $0x38;
	[tilespmem:$0x10800] =	vst v63  }
0x1bd: {  	s31 =	rddreg [dreg:$0xd]  }
0x1be: {  	[hbm4b:s31+s2] =	stream.linear.scatter [tilespmem:s11], [sflag:$0x2], $0x4000, $0x38;
	[tilespmem:$0x10800] =	vst v63  }
0x1bf: {  	_ = 	snop  }
0x1c0: {  	[hbm4b:s15+s2] =	stream.linear.scatter [tilespmem:s12], [sflag:$0x2], $0x4000, $0x38;
	[tilespmem:$0x10800] =	vst v63  }
0x1c1: {  	_ =	swait.ge [sflag:s6], $0x4000  }
0x1c2: {  	[sflag:s6] =	ssyncset.done $0x0  }
0x1c3: {  	[sflag:s6] =	ssyncadd.s32 $0xFFFFC000  }
0x1c4: {  	_ =	swait.ge [sflag:s6], $0x4000  }
0x1c5: {  	[sflag:s6] =	ssyncset.done $0x0  }
0x1c6: {  	[sflag:s6] =	ssyncadd.s32 $0xFFFFC000  }
0x1c7: {  	_ =	swait.ge [sflag:s6], $0x4000  }
0x1c8: {  	[sflag:s6] =	ssyncset.done $0x0  }
0x1c9: {  	[sflag:s6] =	ssyncadd.s32 $0xFFFFC000  }
0x1ca: {  	_ =	swait.ge [sflag:s6], $0x4000  }
0x1cb: {  	[sflag:s6] =	ssyncset.done $0x0  }
0x1cc: {  	[sflag:s6] =	ssyncadd.s32 $0xFFFFC000  }
0x1cd: {  	[tilespmem:s9], [sflag:$0x1] =	stream.indirect.gather [hbm4b:s3+s14], $0x80, s17, s14, $0xb8;
	[tilespmem:$0x10800] =	vst v63  }
0x1ce: {  	_ = 	snop  }
0x1cf: {  	[tilespmem:s10], [sflag:$0x1] =	stream.indirect.gather [hbm4b:s3+s14], $0x80, s18, s14, $0xb8;
	[tilespmem:$0x10800] =	vst v63  }
0x1d0: {  	_ = 	snop  }
0x1d1: {  	[tilespmem:s11], [sflag:$0x1] =	stream.indirect.gather [hbm4b:s3+s14], $0x80, s19, s14, $0xb8;
	[tilespmem:$0x10800] =	vst v63  }
0x1d2: {  	_ = 	snop  }
0x1d3: {  	[tilespmem:s12], [sflag:$0x1] =	stream.indirect.gather [hbm4b:s3+s14], $0x80, s20, s14, $0xb8;
	[tilespmem:$0x10800] =	vst v63  }
0x1d4: {  	_ =	swait.ge [sflag:s13], $0x4000  }
0x1d5: {  	[sflag:s13] =	ssyncset.done $0x0  }
0x1d6: {  	[sflag:s13] =	ssyncadd.s32 $0xFFFFC000  }
0x1d7: {  	_ =	swait.ge [sflag:s13], $0x4000  }
0x1d8: {  	[sflag:s13] =	ssyncset.done $0x0  }
0x1d9: {  	[sflag:s13] =	ssyncadd.s32 $0xFFFFC000  }
0x1da: {  	_ =	swait.ge [sflag:s13], $0x4000  }
0x1db: {  	[sflag:s13] =	ssyncset.done $0x0  }
0x1dc: {  	[sflag:s13] =	ssyncadd.s32 $0xFFFFC000  }
0x1dd: {  	_ =	swait.ge [sflag:s13], $0x4000  }
0x1de: {  	[sflag:s13] =	ssyncset.done $0x0  }
0x1df: {  	[sflag:s13] =	ssyncadd.s32 $0xFFFFC000  }
0x1e0: {  	[hbm4b:s4+s2] =	stream.linear.scatter [tilespmem:s9], [sflag:$0x2], $0x4000, $0x38;
	[tilespmem:$0x10800] =	vst v63  }
0x1e1: {  	_ = 	snop  }
0x1e2: {  	[hbm4b:s5+s2] =	stream.linear.scatter [tilespmem:s10], [sflag:$0x2], $0x4000, $0x38;
	[tilespmem:$0x10800] =	vst v63  }
0x1e3: {  	_ = 	snop  }
0x1e4: {  	[hbm4b:s7+s2] =	stream.linear.scatter [tilespmem:s11], [sflag:$0x2], $0x4000, $0x38;
	[tilespmem:$0x10800] =	vst v63  }
0x1e5: {  	_ = 	snop  }
0x1e6: {  	[hbm4b:s8+s2] =	stream.linear.scatter [tilespmem:s12], [sflag:$0x2], $0x4000, $0x38;
	[tilespmem:$0x10800] =	vst v63  }
0x1e7: {  	_ =	swait.ge [sflag:s6], $0x4000  }
0x1e8: {  	[sflag:s6] =	ssyncset.done $0x0  }
0x1e9: {  	[sflag:s6] =	ssyncadd.s32 $0xFFFFC000  }
0x1ea: {  	_ =	swait.ge [sflag:s6], $0x4000  }
0x1eb: {  	[sflag:s6] =	ssyncset.done $0x0  }
0x1ec: {  	[sflag:s6] =	ssyncadd.s32 $0xFFFFC000  }
0x1ed: {  	_ =	swait.ge [sflag:s6], $0x4000  }
0x1ee: {  	[sflag:s6] =	ssyncset.done $0x0  }
0x1ef: {  	[sflag:s6] =	ssyncadd.s32 $0xFFFFC000  }
0x1f0: {  	_ =	swait.ge [sflag:s6], $0x4000  }
0x1f1: {  	[sflag:s6] =	ssyncset.done $0x0  }
0x1f2: {  	[sflag:s6] =	ssyncadd.s32 $0xFFFFC000  }
0x1f3: {  	_ =	sfence.sel $0x180000  }
0x1f4: {  	[bflag:$0x0] =	sbarrier.arrive $0xFFFF  }
0x1f5: {  	_ =	strace $0x9000004A  }
0x1f6: {  	[bflag:$0x2] =	sbarrier.arrive $0xFFFF  }
0x1f7: {  	p0 =	sne.s32 s16, $0x0;
	s0 =	rddreg [dreg:$0x1]  }
0x1f8: {  	s0 =	sadd.s32 @!p0 $0x100000, s0  }
0x1f9: {  	[sflag:s0] =	ssyncadd.tile.s32 @!p0 $0x1;
	_ =	shalt  }
.LBB2_1:
.Ltmp3:
0x1fa: {  	(pc) =	sbr.rel .LBB2_6-.Ltmp3, $4  }
0x1fb: {  	s30 =	simm.s32 $0x380;
	s28 =	simm.s32 $0x300;
	s26 =	simm.s32 $0x280  }
0x1fc: {  	s25 =	simm.s32 $0x200;
	s24 =	simm.s32 $0x580;
	s23 =	simm.s32 $0x500  }
0x1fd: {  	s22 =	simm.s32 $0x480;
	s21 =	simm.s32 $0x400;
	s20 =	simm.s32 $0x780  }
0x1fe: {  	s19 =	simm.s32 $0x700;
	s18 =	simm.s32 $0x680;
	s17 =	simm.s32 $0x600  }
.LBB2_3:
0x1ff: {  	s30 =	simm.s32 $0x380  }
.Ltmp4:
0x200: {  	s28 =	simm.s32 $0x300;
	s26 =	simm.s32 $0x280;
	(pc) =	sbr.rel .LBB2_6-.Ltmp4, $4  }
0x201: {  	s25 =	simm.s32 $0x200;
	s24 =	simm.s32 $0x580;
	s23 =	simm.s32 $0x500  }
0x202: {  	s22 =	simm.s32 $0x480;
	s21 =	simm.s32 $0x400;
	s20 =	simm.s32 $0x780  }
0x203: {  	s19 =	simm.s32 $0x700;
	s18 =	simm.s32 $0x680;
	s17 =	simm.s32 $0x600  }
0x204: {  	s16 =	stileid.u32;
	s1 =	simm.s32 $0x100;
	s31 =	simm.s32 $0x180  }
.Lfunc_end2:
_tile_overlayer_lowered:
.L_overlay_start_2:
0x205: {  	(tag) =	ssettag $0x2  }
0x206: {  	s0 =	rddreg [dreg:$0x0];
	s2 =	stileid.u32  }
0x207: {  	s1 =	rddreg [dreg:$0x1];
	p0 =	sne.s32 s2, $0x0  }
0x208: {  	s3 =	rddreg [dreg:$0x2];
	[bflag:$0x3] =	sbarrier.arrive $0xFFFF;
	s2 =	simm.s32 @!p0 $0x1C03  }
0x209: {  	[timem:s3], [sflag:s2] =	dma.local @!p0 [hbm:s0], s1  }
0x20a: {  	s0 =	simm.s32 @!p0 $0x3  }
0x20b: {  	_ =	swait.ge @!p0 [sflag:s0], s1  }
0x20c: {  	s1 =	ssub.s32 @!p0 $0x0, s1;
	[sflag:s0] =	ssyncset.done @!p0 $0x0  }
0x20d: {  	[sflag:s0] =	ssyncadd.s32 @!p0 s1  }
0x20e: {  	[bflag:$0x3] =	sbarrier.arrive $0xFFFF  }
0x20f: {  	_ =	shalt  }

</sc_bundles>
